<compile_context>
chip_gen: v7x
topology: tpu7x:2x2x1
jax: 0.10.2.dev20260603
libtpu: 0.0.44.dev20260713+nightly
codegen_flags: <defaults>
</compile_context>

<pallas_src>
import numpy as np
import jax
import jax.numpy as jnp
from jax import lax
from jax.experimental import pallas as pl
from jax.experimental.pallas import tpu as pltpu
from jax.experimental.pallas import tpu_sc as plsc

_N = 100000
_E = 6400000
_H = 0.05
_GAMMA = 1.0

_LANES = 16
_NC, _NS = 2, 16
_NW = _NC * _NS
_NP = 100352
_NT = _NP // _NS
_EPW = _E // _NW
_CH = 2000
_NCHUNK = _EPW // _CH

_W1N = 20.0 * (7.0 / np.pi) / _H ** 2

_f32 = jnp.float32
_i32 = jnp.int32
_mesh = plsc.VectorSubcoreMesh(
    core_axis_name="c", subcore_axis_name="s", num_cores=_NC, num_subcores=_NS
)


def _pass1_body(i_hbm, j_hbm, q_hbm, dx_hbm, dy_hbm, a_hbm, rho_hbm, rho0_hbm,
                onx, ony, ocx, ocy, odeg,
                tn_sh, th_sh, anx_sh, any_sh, acx_sh, acy_sh, adeg_sh,
                nb0, nb1, nb2, nb3, nb4,
                eA, eB, ones_v, jsemA, jsemB, lsem, gsemA, gsemB, ssem):
    c = lax.axis_index("c")
    s = lax.axis_index("s")
    nb = s * _NT
    sl_n = pl.ds(nb, _NT)

    pltpu.sync_copy(a_hbm.at[sl_n], nb0)
    pltpu.sync_copy(rho_hbm.at[sl_n], nb1)
    pltpu.sync_copy(rho0_hbm.at[sl_n], nb2)
    zeros = jnp.zeros((_LANES,), _f32)

    def stage(k, _):
        sl = pl.ds(k * _LANES, _LANES)
        a = nb0[sl]
        nb3[sl] = a / nb1[sl]
        nb4[sl] = a * nb2[sl]
        nb0[sl] = zeros
        return _

    lax.fori_loop(0, _NT // _LANES, stage, None)
    pltpu.sync_copy(nb3, tn_sh.at[sl_n])
    pltpu.sync_copy(nb4, th_sh.at[sl_n])
    pltpu.sync_copy(nb0, anx_sh.at[sl_n])
    pltpu.sync_copy(nb0, any_sh.at[sl_n])
    pltpu.sync_copy(nb0, acx_sh.at[sl_n])
    pltpu.sync_copy(nb0, acy_sh.at[sl_n])
    pltpu.sync_copy(nb0, adeg_sh.at[sl_n])

    ones = jnp.ones((_LANES,), _f32)

    def fill_ones(k, _):
        ones_v[pl.ds(k * _LANES, _LANES)] = ones
        return _

    lax.fori_loop(0, _CH // _LANES, fill_ones, None)
    plsc.subcore_barrier()

    ebase = (c * _NS + s) * _EPW

    def issue_lin(base, e):
        sl_e = pl.ds(base, _CH)
        return [
            pltpu.async_copy(i_hbm.at[sl_e], e["iv"], lsem),
            pltpu.async_copy(q_hbm.at[sl_e], e["qv"], lsem),
            pltpu.async_copy(dx_hbm.at[sl_e], e["dxv"], lsem),
            pltpu.async_copy(dy_hbm.at[sl_e], e["dyv"], lsem),
        ]

    def issue_gather(e, gsem):
        return [
            pltpu.async_copy(tn_sh.at[e["jv"]], e["fnv"], gsem),
            pltpu.async_copy(th_sh.at[e["jv"]], e["fhv"], gsem),
        ]

    def issue_scatter(e):
        return [
            pltpu.async_copy(e["bnx"], anx_sh.at[e["iv"]], ssem, add=True),
            pltpu.async_copy(e["bny"], any_sh.at[e["iv"]], ssem, add=True),
            pltpu.async_copy(e["bcx"], acx_sh.at[e["iv"]], ssem, add=True),
            pltpu.async_copy(e["bcy"], acy_sh.at[e["iv"]], ssem, add=True),
            pltpu.async_copy(ones_v, adeg_sh.at[e["iv"]], ssem, add=True),
        ]

    def compute(e):
        def comp(k, _):
            sl = pl.ds(k * _LANES, _LANES)
            q = e["qv"][sl]
            dx = e["dxv"][sl]
            dy = e["dyv"][sl]
            t = q - 1.0
            g3 = t * t * t
            wn = (q * g3 * _W1N) * e["fnv"][sl]
            u64 = g3 * (q * q * q) * 64.0
            res = jnp.where(q <= 0.5, u64 + u64 + 1.0, u64)
            chv = (e["fhv"][sl] * _GAMMA) * res
            e["bnx"][sl] = wn * dx
            e["bny"][sl] = wn * dy
            e["bcx"][sl] = chv * dx
            e["bcy"][sl] = chv * dy
            return _

        lax.fori_loop(0, _CH // _LANES, comp, None)

    def superstep(h, _):
        baseA = pl.multiple_of(ebase + h * (2 * _CH), 8)
        baseB = pl.multiple_of(baseA + _CH, 8)
        jA = pltpu.async_copy(j_hbm.at[pl.ds(baseA, _CH)], eA["jv"], jsemA)
        jB = pltpu.async_copy(j_hbm.at[pl.ds(baseB, _CH)], eB["jv"], jsemB)
        lins = issue_lin(baseA, eA) + issue_lin(baseB, eB)
        jA.wait()
        gA = issue_gather(eA, gsemA)
        jB.wait()
        gB = issue_gather(eB, gsemB)
        for d in lins:
            d.wait()
        for d in gA:
            d.wait()
        compute(eA)
        sA = issue_scatter(eA)
        for d in gB:
            d.wait()
        compute(eB)
        sB = issue_scatter(eB)
        for d in sA + sB:
            d.wait()
        return _

    lax.fori_loop(0, _NCHUNK // 2, superstep, None)
    plsc.subcore_barrier()

    pltpu.sync_copy(anx_sh.at[sl_n], onx.at[c, sl_n])
    pltpu.sync_copy(any_sh.at[sl_n], ony.at[c, sl_n])
    pltpu.sync_copy(acx_sh.at[sl_n], ocx.at[c, sl_n])
    pltpu.sync_copy(acy_sh.at[sl_n], ocy.at[c, sl_n])
    pltpu.sync_copy(adeg_sh.at[sl_n], odeg.at[c, sl_n])


def _pass2_body(i_hbm, j_hbm, onx, ony, ocx, ocy, odeg,
                o2x, o2y,
                ngx_sh, ngy_sh, a2x_sh, a2y_sh,
                nb0, nb1, nb2, nb3, nb4,
                eA, eB, jsemA, jsemB, lsem, gsemA, gsemB, ssem):
    c = lax.axis_index("c")
    s = lax.axis_index("s")
    nb = s * _NT
    sl_n = pl.ds(nb, _NT)
    n_iters = _NT // _LANES

    pltpu.sync_copy(onx.at[0, sl_n], nb0)
    pltpu.sync_copy(onx.at[1, sl_n], nb1)
    pltpu.sync_copy(ony.at[0, sl_n], nb2)
    pltpu.sync_copy(ony.at[1, sl_n], nb3)

    def comb_n(k, _):
        sl = pl.ds(k * _LANES, _LANES)
        nb0[sl] = (nb0[sl] + nb1[sl]) * _GAMMA
        nb2[sl] = (nb2[sl] + nb3[sl]) * _GAMMA
        return _

    lax.fori_loop(0, n_iters, comb_n, None)
    pltpu.sync_copy(nb0, ngx_sh.at[sl_n])
    pltpu.sync_copy(nb2, ngy_sh.at[sl_n])

    @pl.when(c == 0)
    def _():
        pltpu.sync_copy(odeg.at[0, sl_n], nb1)
        pltpu.sync_copy(odeg.at[1, sl_n], nb3)

        def comb_d(k, _):
            sl = pl.ds(k * _LANES, _LANES)
            nb1[sl] = nb1[sl] + nb3[sl]
            return _

        lax.fori_loop(0, n_iters, comb_d, None)
        pltpu.sync_copy(ocx.at[0, sl_n], nb3)
        pltpu.sync_copy(ocx.at[1, sl_n], nb4)

        def init_x(k, _):
            sl = pl.ds(k * _LANES, _LANES)
            nb3[sl] = nb3[sl] + nb4[sl] - nb1[sl] * nb0[sl]
            return _

        lax.fori_loop(0, n_iters, init_x, None)
        pltpu.sync_copy(nb3, a2x_sh.at[sl_n])
        pltpu.sync_copy(ocy.at[0, sl_n], nb3)
        pltpu.sync_copy(ocy.at[1, sl_n], nb4)

        def init_y(k, _):
            sl = pl.ds(k * _LANES, _LANES)
            nb3[sl] = nb3[sl] + nb4[sl] - nb1[sl] * nb2[sl]
            return _

        lax.fori_loop(0, n_iters, init_y, None)
        pltpu.sync_copy(nb3, a2y_sh.at[sl_n])

    @pl.when(c == 1)
    def _():
        zeros = jnp.zeros((_LANES,), _f32)

        def zero_fill(k, _):
            nb4[pl.ds(k * _LANES, _LANES)] = zeros
            return _

        lax.fori_loop(0, n_iters, zero_fill, None)
        pltpu.sync_copy(nb4, a2x_sh.at[sl_n])
        pltpu.sync_copy(nb4, a2y_sh.at[sl_n])

    plsc.subcore_barrier()

    ebase = (c * _NS + s) * _EPW

    def superstep(h, _):
        baseA = pl.multiple_of(ebase + h * (2 * _CH), 8)
        baseB = pl.multiple_of(baseA + _CH, 8)
        jA = pltpu.async_copy(j_hbm.at[pl.ds(baseA, _CH)], eA["jv"], jsemA)
        jB = pltpu.async_copy(j_hbm.at[pl.ds(baseB, _CH)], eB["jv"], jsemB)
        iA = pltpu.async_copy(i_hbm.at[pl.ds(baseA, _CH)], eA["iv"], lsem)
        iB = pltpu.async_copy(i_hbm.at[pl.ds(baseB, _CH)], eB["iv"], lsem)
        jA.wait()
        gA = [
            pltpu.async_copy(ngx_sh.at[eA["jv"]], eA["gxv"], gsemA),
            pltpu.async_copy(ngy_sh.at[eA["jv"]], eA["gyv"], gsemA),
        ]
        jB.wait()
        gB = [
            pltpu.async_copy(ngx_sh.at[eB["jv"]], eB["gxv"], gsemB),
            pltpu.async_copy(ngy_sh.at[eB["jv"]], eB["gyv"], gsemB),
        ]
        iA.wait()
        iB.wait()
        for d in gA:
            d.wait()
        sA = [
            pltpu.async_copy(eA["gxv"], a2x_sh.at[eA["iv"]], ssem, add=True),
            pltpu.async_copy(eA["gyv"], a2y_sh.at[eA["iv"]], ssem, add=True),
        ]
        for d in gB:
            d.wait()
        sB = [
            pltpu.async_copy(eB["gxv"], a2x_sh.at[eB["iv"]], ssem, add=True),
            pltpu.async_copy(eB["gyv"], a2y_sh.at[eB["iv"]], ssem, add=True),
        ]
        for d in sA + sB:
            d.wait()
        return _

    lax.fori_loop(0, _NCHUNK // 2, superstep, None)
    plsc.subcore_barrier()
    pltpu.sync_copy(a2x_sh.at[sl_n], o2x.at[c, sl_n])
    pltpu.sync_copy(a2y_sh.at[sl_n], o2y.at[c, sl_n])


def _p1_bufs():
    d = {k: pltpu.VMEM((_CH,), _i32) for k in ("iv", "jv")}
    for k in ("qv", "dxv", "dyv", "fnv", "fhv", "bnx", "bny", "bcx", "bcy"):
        d[k] = pltpu.VMEM((_CH,), _f32)
    return d


def _p2_bufs():
    return {
        "iv": pltpu.VMEM((_CH,), _i32),
        "jv": pltpu.VMEM((_CH,), _i32),
        "gxv": pltpu.VMEM((_CH,), _f32),
        "gyv": pltpu.VMEM((_CH,), _f32),
    }


_pass1 = pl.kernel(
    _pass1_body,
    out_type=tuple(jax.ShapeDtypeStruct((_NC, _NP), _f32) for _ in range(5)),
    mesh=_mesh,
    scratch_types=(
        [pltpu.VMEM_SHARED((_NP,), _f32) for _ in range(7)]
        + [pltpu.VMEM((_NT,), _f32) for _ in range(5)]
        + [_p1_bufs(), _p1_bufs()]
        + [pltpu.VMEM((_CH,), _f32)]
        + [pltpu.SemaphoreType.DMA for _ in range(6)]
    ),
)

_pass2 = pl.kernel(
    _pass2_body,
    out_type=tuple(jax.ShapeDtypeStruct((_NC, _NP), _f32) for _ in range(2)),
    mesh=_mesh,
    scratch_types=(
        [pltpu.VMEM_SHARED((_NP,), _f32) for _ in range(4)]
        + [pltpu.VMEM((_NT,), _f32) for _ in range(5)]
        + [_p2_bufs(), _p2_bufs()]
        + [pltpu.SemaphoreType.DMA for _ in range(6)]
    ),
)


def _combine_body(x_ref, y_ref, ox_ref, oy_ref):
    ox_ref[...] = x_ref[0, :] + x_ref[1, :]
    oy_ref[...] = y_ref[0, :] + y_ref[1, :]


_combine = pl.pallas_call(
    _combine_body,
    out_shape=(
        jax.ShapeDtypeStruct((_NP,), _f32),
        jax.ShapeDtypeStruct((_NP,), _f32),
    ),
)


@jax.jit
def kernel(neighbors, fluidArea, fluidDensity, fluidRestDensity,
           fluidRadialDistances, fluidDistances):
    i = neighbors[0]
    j = neighbors[1]
    dx = fluidDistances[:, 0]
    dy = fluidDistances[:, 1]
    pad = _NP - _N
    ap = jnp.concatenate([fluidArea, jnp.zeros((pad,), _f32)])
    rhop = jnp.concatenate([fluidDensity, jnp.ones((pad,), _f32)])
    rho0p = jnp.concatenate([fluidRestDensity, jnp.zeros((pad,), _f32)])
    onx, ony, ocx, ocy, odeg = _pass1(
        i, j, fluidRadialDistances, dx, dy, ap, rhop, rho0p)
    o2x, o2y = _pass2(i, j, onx, ony, ocx, ocy, odeg)
    ox, oy = _combine(o2x, o2y)
    return jnp.stack([ox[:_N], oy[:_N]], axis=-1)

# --- scband reference (transcript-rebuilt; emitter-appended) ---
"""Pipeline reference for scband-akinci-tension-module-47021301957211 (READ-ONLY COPY).

The authoritative reference and input builder live on the scoring server;
editing this copy changes nothing except your own understanding.
"""

import jax, jax.numpy as jnp
import numpy as np

N = 100000
E = 6400000
SUPPORT = 0.05
GAMMA = 1.0


def cohesion_kernel(q, h):
    # faithful to torch cohesionKernel (Cd is computed but unused in the original)
    Cd = -1.0 / (2.0 * np.pi) * 1.0 / h ** 2
    k1 = 128.0 * (q - 1.0) ** 3 * q ** 3 + 1.0
    k2 = 64.0 * (q - 1.0) ** 3 * q ** 3
    res = jnp.where(q <= 0.5, k1, k2)
    return -res


def kernel_gradient(q, direction, h):
    # Wendland C2 kernel gradient magnitude in 2D (standard choice in this SPH codebase)
    C = 7.0 / np.pi
    dwdq = C / h ** 3 * (-20.0 * q * (1.0 - q) ** 3)
    return dwdq[:, None] * direction


def setup_inputs(seed: int = 0) -> dict:
    key = jax.random.key(seed)
    ks = jax.random.split(key, 6)
    neighbors = jax.random.randint(ks[0], (2, E), 0, N, dtype=jnp.int32)
    fluidArea = jax.random.uniform(ks[1], (N,), dtype=jnp.float32)
    fluidDensity = jax.random.uniform(ks[2], (N,), dtype=jnp.float32)
    fluidRestDensity = jax.random.uniform(ks[3], (N,), dtype=jnp.float32)
    fluidRadialDistances = jax.random.uniform(ks[4], (E,), dtype=jnp.float32)
    fluidDistances = jax.random.normal(ks[5], (E, 2), dtype=jnp.float32)
    return {
        "neighbors": neighbors,
        "fluidArea": fluidArea,
        "fluidDensity": fluidDensity,
        "fluidRestDensity": fluidRestDensity,
        "fluidRadialDistances": fluidRadialDistances,
        "fluidDistances": fluidDistances,
    }


def reference(neighbors, fluidArea, fluidDensity, fluidRestDensity, fluidRadialDistances, fluidDistances):
    i = neighbors[0]
    j = neighbors[1]
    # computeNormalFunction
    fac_n = fluidArea[j] / fluidDensity[j]
    grad = kernel_gradient(fluidRadialDistances, fluidDistances, SUPPORT)
    term_n = fac_n[:, None] * grad
    normals = SUPPORT * jax.ops.segment_sum(term_n, i, num_segments=N)
    # computeCurvatureForce
    fac_c = normals[i] - normals[j]
    curvature = -GAMMA * jax.ops.segment_sum(fac_c, i, num_segments=N)
    # computeCohesionForce
    fac_h = fluidArea[j] * fluidRestDensity[j]
    kern = cohesion_kernel(fluidRadialDistances, SUPPORT)
    term_h = (fac_h * kern)[:, None] * fluidDistances
    cohesion = -GAMMA * jax.ops.segment_sum(term_h, i, num_segments=N)
    # module adds both forces into fluidAcceleration
    return curvature + cohesion

if __name__ == "__main__":
    import jax
    _d = setup_inputs()
    print(jax.jit(kernel)(*tuple(_d.values())))

</pallas_src>

<mosaic_0001>
#map = affine_map<(d0, d1) -> (0)>
#map1 = affine_map<(d0, d1) -> (0, 0)>
module attributes {stable_mosaic.version = 14 : i64} {
  func.func @_pass2_body(%arg0: i32, %arg1: i32, %arg2: memref<6400000xi32, #tpu.memory_space<hbm>>, %arg3: memref<6400000xi32, #tpu.memory_space<hbm>>, %arg4: memref<2x100352xf32, #tpu.memory_space<hbm>>, %arg5: memref<2x100352xf32, #tpu.memory_space<hbm>>, %arg6: memref<2x100352xf32, #tpu.memory_space<hbm>>, %arg7: memref<2x100352xf32, #tpu.memory_space<hbm>>, %arg8: memref<2x100352xf32, #tpu.memory_space<hbm>>, %arg9: memref<2x100352xf32, #tpu.memory_space<hbm>>, %arg10: memref<2x100352xf32, #tpu.memory_space<hbm>>, %arg11: memref<100352xf32, #tpu.memory_space<vmem_shared>>, %arg12: memref<100352xf32, #tpu.memory_space<vmem_shared>>, %arg13: memref<100352xf32, #tpu.memory_space<vmem_shared>>, %arg14: memref<100352xf32, #tpu.memory_space<vmem_shared>>, %arg15: memref<6272xf32, #tpu.memory_space<vmem>>, %arg16: memref<6272xf32, #tpu.memory_space<vmem>>, %arg17: memref<6272xf32, #tpu.memory_space<vmem>>, %arg18: memref<6272xf32, #tpu.memory_space<vmem>>, %arg19: memref<6272xf32, #tpu.memory_space<vmem>>, %arg20: memref<2000xf32, #tpu.memory_space<vmem>>, %arg21: memref<2000xf32, #tpu.memory_space<vmem>>, %arg22: memref<2000xi32, #tpu.memory_space<vmem>>, %arg23: memref<2000xi32, #tpu.memory_space<vmem>>, %arg24: memref<2000xf32, #tpu.memory_space<vmem>>, %arg25: memref<2000xf32, #tpu.memory_space<vmem>>, %arg26: memref<2000xi32, #tpu.memory_space<vmem>>, %arg27: memref<2000xi32, #tpu.memory_space<vmem>>, %arg28: memref<!tpu.dma_semaphore, #tpu.memory_space<semaphore_mem>>, %arg29: memref<!tpu.dma_semaphore, #tpu.memory_space<semaphore_mem>>, %arg30: memref<!tpu.dma_semaphore, #tpu.memory_space<semaphore_mem>>, %arg31: memref<!tpu.dma_semaphore, #tpu.memory_space<semaphore_mem>>, %arg32: memref<!tpu.dma_semaphore, #tpu.memory_space<semaphore_mem>>, %arg33: memref<!tpu.dma_semaphore, #tpu.memory_space<semaphore_mem>>) attributes {dimension_semantics = [#tpu.dimension_semantics<core_parallel>, #tpu.dimension_semantics<subcore_parallel>], iteration_bounds = array<i64: 2, 16>, scalar_prefetch = 0 : i64, scratch_operands = 23 : i64, tpu.core_type = #tpu.core_type<sc_vector_subcore>, window_params = [{transform_indices = #map}, {transform_indices = #map}, {transform_indices = #map1}, {transform_indices = #map1}, {transform_indices = #map1}, {transform_indices = #map1}, {transform_indices = #map1}, {transform_indices = #map1}, {transform_indices = #map1}]} {
    %mul3A = arith.constant 6272 : i32
    %mul3A_0 = arith.muli %arg1, %mul3A : i32
    %run_scoped3A = arith.constant 0 : i32
    "tpu.region"() ({
      %run_scoped3A_25 = tpu.sem_alloc : memref<!tpu.dma_semaphore, #tpu.memory_space<semaphore_mem>>
      %dma_start3A = tpu.memref_slice %arg4[%run_scoped3A, %mul3A_0] : memref<2x100352xf32, #tpu.memory_space<hbm>> -> memref<1x6272xf32, #tpu.memory_space<hbm>>
      %dma_start3A_26 = tpu.memref_squeeze %dma_start3A : memref<1x6272xf32, #tpu.memory_space<hbm>> -> memref<6272xf32, #tpu.memory_space<hbm>>
      %dma_start3A_27 = tpu.memref_slice %arg4[%run_scoped3A, %mul3A_0] : memref<2x100352xf32, #tpu.memory_space<hbm>> -> memref<1x6272xf32, #tpu.memory_space<hbm>>
      %dma_start3A_28 = tpu.memref_squeeze %dma_start3A_27 : memref<1x6272xf32, #tpu.memory_space<hbm>> -> memref<6272xf32, #tpu.memory_space<hbm>>
      tpu.enqueue_dma source(%dma_start3A_28 : memref<6272xf32, #tpu.memory_space<hbm>>) target(%arg15 : memref<6272xf32, #tpu.memory_space<vmem>>) target_semaphore(%run_scoped3A_25 : memref<!tpu.dma_semaphore, #tpu.memory_space<semaphore_mem>>)
      %dma_wait3A = tpu.memref_slice %arg4[%run_scoped3A, %mul3A_0] : memref<2x100352xf32, #tpu.memory_space<hbm>> -> memref<1x6272xf32, #tpu.memory_space<hbm>>
      %dma_wait3A_29 = tpu.memref_squeeze %dma_wait3A : memref<1x6272xf32, #tpu.memory_space<hbm>> -> memref<6272xf32, #tpu.memory_space<hbm>>
      %dma_wait3A_30 = tpu.memref_slice %arg4[%run_scoped3A, %mul3A_0] : memref<2x100352xf32, #tpu.memory_space<hbm>> -> memref<1x6272xf32, #tpu.memory_space<hbm>>
      %dma_wait3A_31 = tpu.memref_squeeze %dma_wait3A_30 : memref<1x6272xf32, #tpu.memory_space<hbm>> -> memref<6272xf32, #tpu.memory_space<hbm>>
      tpu.wait_dma2 semaphore(%run_scoped3A_25 : memref<!tpu.dma_semaphore, #tpu.memory_space<semaphore_mem>>) src(%dma_wait3A_31 : memref<6272xf32, #tpu.memory_space<hbm>>) dst(%arg15 : memref<6272xf32, #tpu.memory_space<vmem>>)
      tpu.yield
    }) : () -> ()
    %run_scoped3A_1 = arith.constant 1 : i32
    "tpu.region"() ({
      %run_scoped3A_25 = tpu.sem_alloc : memref<!tpu.dma_semaphore, #tpu.memory_space<semaphore_mem>>
      %dma_start3A = tpu.memref_slice %arg4[%run_scoped3A_1, %mul3A_0] : memref<2x100352xf32, #tpu.memory_space<hbm>> -> memref<1x6272xf32, #tpu.memory_space<hbm>>
      %dma_start3A_26 = tpu.memref_squeeze %dma_start3A : memref<1x6272xf32, #tpu.memory_space<hbm>> -> memref<6272xf32, #tpu.memory_space<hbm>>
      %dma_start3A_27 = tpu.memref_slice %arg4[%run_scoped3A_1, %mul3A_0] : memref<2x100352xf32, #tpu.memory_space<hbm>> -> memref<1x6272xf32, #tpu.memory_space<hbm>>
      %dma_start3A_28 = tpu.memref_squeeze %dma_start3A_27 : memref<1x6272xf32, #tpu.memory_space<hbm>> -> memref<6272xf32, #tpu.memory_space<hbm>>
      tpu.enqueue_dma source(%dma_start3A_28 : memref<6272xf32, #tpu.memory_space<hbm>>) target(%arg16 : memref<6272xf32, #tpu.memory_space<vmem>>) target_semaphore(%run_scoped3A_25 : memref<!tpu.dma_semaphore, #tpu.memory_space<semaphore_mem>>)
      %dma_wait3A = tpu.memref_slice %arg4[%run_scoped3A_1, %mul3A_0] : memref<2x100352xf32, #tpu.memory_space<hbm>> -> memref<1x6272xf32, #tpu.memory_space<hbm>>
      %dma_wait3A_29 = tpu.memref_squeeze %dma_wait3A : memref<1x6272xf32, #tpu.memory_space<hbm>> -> memref<6272xf32, #tpu.memory_space<hbm>>
      %dma_wait3A_30 = tpu.memref_slice %arg4[%run_scoped3A_1, %mul3A_0] : memref<2x100352xf32, #tpu.memory_space<hbm>> -> memref<1x6272xf32, #tpu.memory_space<hbm>>
      %dma_wait3A_31 = tpu.memref_squeeze %dma_wait3A_30 : memref<1x6272xf32, #tpu.memory_space<hbm>> -> memref<6272xf32, #tpu.memory_space<hbm>>
      tpu.wait_dma2 semaphore(%run_scoped3A_25 : memref<!tpu.dma_semaphore, #tpu.memory_space<semaphore_mem>>) src(%dma_wait3A_31 : memref<6272xf32, #tpu.memory_space<hbm>>) dst(%arg16 : memref<6272xf32, #tpu.memory_space<vmem>>)
      tpu.yield
    }) : () -> ()
    %run_scoped3A_2 = arith.constant 0 : i32
    "tpu.region"() ({
      %run_scoped3A_25 = tpu.sem_alloc : memref<!tpu.dma_semaphore, #tpu.memory_space<semaphore_mem>>
      %dma_start3A = tpu.memref_slice %arg5[%run_scoped3A_2, %mul3A_0] : memref<2x100352xf32, #tpu.memory_space<hbm>> -> memref<1x6272xf32, #tpu.memory_space<hbm>>
      %dma_start3A_26 = tpu.memref_squeeze %dma_start3A : memref<1x6272xf32, #tpu.memory_space<hbm>> -> memref<6272xf32, #tpu.memory_space<hbm>>
      %dma_start3A_27 = tpu.memref_slice %arg5[%run_scoped3A_2, %mul3A_0] : memref<2x100352xf32, #tpu.memory_space<hbm>> -> memref<1x6272xf32, #tpu.memory_space<hbm>>
      %dma_start3A_28 = tpu.memref_squeeze %dma_start3A_27 : memref<1x6272xf32, #tpu.memory_space<hbm>> -> memref<6272xf32, #tpu.memory_space<hbm>>
      tpu.enqueue_dma source(%dma_start3A_28 : memref<6272xf32, #tpu.memory_space<hbm>>) target(%arg17 : memref<6272xf32, #tpu.memory_space<vmem>>) target_semaphore(%run_scoped3A_25 : memref<!tpu.dma_semaphore, #tpu.memory_space<semaphore_mem>>)
      %dma_wait3A = tpu.memref_slice %arg5[%run_scoped3A_2, %mul3A_0] : memref<2x100352xf32, #tpu.memory_space<hbm>> -> memref<1x6272xf32, #tpu.memory_space<hbm>>
      %dma_wait3A_29 = tpu.memref_squeeze %dma_wait3A : memref<1x6272xf32, #tpu.memory_space<hbm>> -> memref<6272xf32, #tpu.memory_space<hbm>>
      %dma_wait3A_30 = tpu.memref_slice %arg5[%run_scoped3A_2, %mul3A_0] : memref<2x100352xf32, #tpu.memory_space<hbm>> -> memref<1x6272xf32, #tpu.memory_space<hbm>>
      %dma_wait3A_31 = tpu.memref_squeeze %dma_wait3A_30 : memref<1x6272xf32, #tpu.memory_space<hbm>> -> memref<6272xf32, #tpu.memory_space<hbm>>
      tpu.wait_dma2 semaphore(%run_scoped3A_25 : memref<!tpu.dma_semaphore, #tpu.memory_space<semaphore_mem>>) src(%dma_wait3A_31 : memref<6272xf32, #tpu.memory_space<hbm>>) dst(%arg17 : memref<6272xf32, #tpu.memory_space<vmem>>)
      tpu.yield
    }) : () -> ()
    %run_scoped3A_3 = arith.constant 1 : i32
    "tpu.region"() ({
      %run_scoped3A_25 = tpu.sem_alloc : memref<!tpu.dma_semaphore, #tpu.memory_space<semaphore_mem>>
      %dma_start3A = tpu.memref_slice %arg5[%run_scoped3A_3, %mul3A_0] : memref<2x100352xf32, #tpu.memory_space<hbm>> -> memref<1x6272xf32, #tpu.memory_space<hbm>>
      %dma_start3A_26 = tpu.memref_squeeze %dma_start3A : memref<1x6272xf32, #tpu.memory_space<hbm>> -> memref<6272xf32, #tpu.memory_space<hbm>>
      %dma_start3A_27 = tpu.memref_slice %arg5[%run_scoped3A_3, %mul3A_0] : memref<2x100352xf32, #tpu.memory_space<hbm>> -> memref<1x6272xf32, #tpu.memory_space<hbm>>
      %dma_start3A_28 = tpu.memref_squeeze %dma_start3A_27 : memref<1x6272xf32, #tpu.memory_space<hbm>> -> memref<6272xf32, #tpu.memory_space<hbm>>
      tpu.enqueue_dma source(%dma_start3A_28 : memref<6272xf32, #tpu.memory_space<hbm>>) target(%arg18 : memref<6272xf32, #tpu.memory_space<vmem>>) target_semaphore(%run_scoped3A_25 : memref<!tpu.dma_semaphore, #tpu.memory_space<semaphore_mem>>)
      %dma_wait3A = tpu.memref_slice %arg5[%run_scoped3A_3, %mul3A_0] : memref<2x100352xf32, #tpu.memory_space<hbm>> -> memref<1x6272xf32, #tpu.memory_space<hbm>>
      %dma_wait3A_29 = tpu.memref_squeeze %dma_wait3A : memref<1x6272xf32, #tpu.memory_space<hbm>> -> memref<6272xf32, #tpu.memory_space<hbm>>
      %dma_wait3A_30 = tpu.memref_slice %arg5[%run_scoped3A_3, %mul3A_0] : memref<2x100352xf32, #tpu.memory_space<hbm>> -> memref<1x6272xf32, #tpu.memory_space<hbm>>
      %dma_wait3A_31 = tpu.memref_squeeze %dma_wait3A_30 : memref<1x6272xf32, #tpu.memory_space<hbm>> -> memref<6272xf32, #tpu.memory_space<hbm>>
      tpu.wait_dma2 semaphore(%run_scoped3A_25 : memref<!tpu.dma_semaphore, #tpu.memory_space<semaphore_mem>>) src(%dma_wait3A_31 : memref<6272xf32, #tpu.memory_space<hbm>>) dst(%arg18 : memref<6272xf32, #tpu.memory_space<vmem>>)
      tpu.yield
    }) : () -> ()
    %scan3A = arith.constant 0 : i32
    %scan3A_4 = arith.constant 392 : i32
    %scan3A_5 = arith.addi %scan3A, %scan3A_4 : i32
    %scan3A_6 = arith.constant 1 : i32
    scf.for %scan3A_25 = %scan3A to %scan3A_5 step %scan3A_6  : i32 {
      %mul3A_26 = arith.constant 16 : i32
      %mul3A_27 = arith.muli %scan3A_25, %mul3A_26 : i32
      %get3A = arith.index_cast %mul3A_27 : i32 to index
      %get3A_28 = tpu.vector_load %arg15[%get3A] {strides = array<i32>} : memref<6272xf32, #tpu.memory_space<vmem>>, vector<16xf32>,
      %get3A_29 = vector.shape_cast %get3A_28 : vector<16xf32> to vector<16xf32>
      %get3A_30 = arith.index_cast %mul3A_27 : i32 to index
      %get3A_31 = tpu.vector_load %arg16[%get3A_30] {strides = array<i32>} : memref<6272xf32, #tpu.memory_space<vmem>>, vector<16xf32>,
      %get3A_32 = vector.shape_cast %get3A_31 : vector<16xf32> to vector<16xf32>
      %add3A_33 = arith.addf %get3A_29, %get3A_32 : vector<16xf32>
      %mul3A_34 = arith.constant 1.000000e+00 : f32
      %mul3A_35 = vector.broadcast %mul3A_34 : f32 to vector<16xf32>
      %mul3A_36 = arith.mulf %add3A_33, %mul3A_35 : vector<16xf32>
      %swap3A = arith.index_cast %mul3A_27 : i32 to index
      %swap3A_37 = tpu.vector_load %arg15[%swap3A] {strides = array<i32>} : memref<6272xf32, #tpu.memory_space<vmem>>, vector<16xf32>,
      %swap3A_38 = vector.shape_cast %swap3A_37 : vector<16xf32> to vector<16xf32>
      %swap3A_39 = vector.shape_cast %mul3A_36 : vector<16xf32> to vector<16xf32>
      tpu.vector_store %arg15[%swap3A], %swap3A_39 {strides = array<i32>} : memref<6272xf32, #tpu.memory_space<vmem>>, vector<16xf32>,
      %get3A_40 = arith.index_cast %mul3A_27 : i32 to index
      %get3A_41 = tpu.vector_load %arg17[%get3A_40] {strides = array<i32>} : memref<6272xf32, #tpu.memory_space<vmem>>, vector<16xf32>,
      %get3A_42 = vector.shape_cast %get3A_41 : vector<16xf32> to vector<16xf32>
      %get3A_43 = arith.index_cast %mul3A_27 : i32 to index
      %get3A_44 = tpu.vector_load %arg18[%get3A_43] {strides = array<i32>} : memref<6272xf32, #tpu.memory_space<vmem>>, vector<16xf32>,
      %get3A_45 = vector.shape_cast %get3A_44 : vector<16xf32> to vector<16xf32>
      %add3A_46 = arith.addf %get3A_42, %get3A_45 : vector<16xf32>
      %mul3A_47 = arith.constant 1.000000e+00 : f32
      %mul3A_48 = vector.broadcast %mul3A_47 : f32 to vector<16xf32>
      %mul3A_49 = arith.mulf %add3A_46, %mul3A_48 : vector<16xf32>
      %swap3A_50 = arith.index_cast %mul3A_27 : i32 to index
      %swap3A_51 = tpu.vector_load %arg17[%swap3A_50] {strides = array<i32>} : memref<6272xf32, #tpu.memory_space<vmem>>, vector<16xf32>,
      %swap3A_52 = vector.shape_cast %swap3A_51 : vector<16xf32> to vector<16xf32>
      %swap3A_53 = vector.shape_cast %mul3A_49 : vector<16xf32> to vector<16xf32>
      tpu.vector_store %arg17[%swap3A_50], %swap3A_53 {strides = array<i32>} : memref<6272xf32, #tpu.memory_space<vmem>>, vector<16xf32>,
    }
    %scan3A_7 = arith.constant 392 : i32
    "tpu.region"() ({
      %run_scoped3A_25 = tpu.sem_alloc : memref<!tpu.dma_semaphore, #tpu.memory_space<semaphore_mem>>
      %dma_start3A = tpu.memref_slice %arg11[%mul3A_0] : memref<100352xf32, #tpu.memory_space<vmem_shared>> -> memref<6272xf32, #tpu.memory_space<vmem_shared>>
      %dma_start3A_26 = tpu.memref_slice %arg11[%mul3A_0] : memref<100352xf32, #tpu.memory_space<vmem_shared>> -> memref<6272xf32, #tpu.memory_space<vmem_shared>>
      tpu.enqueue_dma source(%arg15 : memref<6272xf32, #tpu.memory_space<vmem>>) target(%dma_start3A_26 : memref<6272xf32, #tpu.memory_space<vmem_shared>>) target_semaphore(%run_scoped3A_25 : memref<!tpu.dma_semaphore, #tpu.memory_space<semaphore_mem>>)
      %dma_wait3A = tpu.memref_slice %arg11[%mul3A_0] : memref<100352xf32, #tpu.memory_space<vmem_shared>> -> memref<6272xf32, #tpu.memory_space<vmem_shared>>
      %dma_wait3A_27 = tpu.memref_slice %arg11[%mul3A_0] : memref<100352xf32, #tpu.memory_space<vmem_shared>> -> memref<6272xf32, #tpu.memory_space<vmem_shared>>
      tpu.wait_dma2 semaphore(%run_scoped3A_25 : memref<!tpu.dma_semaphore, #tpu.memory_space<semaphore_mem>>) src(%arg15 : memref<6272xf32, #tpu.memory_space<vmem>>) dst(%dma_wait3A_27 : memref<6272xf32, #tpu.memory_space<vmem_shared>>)
      tpu.yield
    }) : () -> ()
    "tpu.region"() ({
      %run_scoped3A_25 = tpu.sem_alloc : memref<!tpu.dma_semaphore, #tpu.memory_space<semaphore_mem>>
      %dma_start3A = tpu.memref_slice %arg12[%mul3A_0] : memref<100352xf32, #tpu.memory_space<vmem_shared>> -> memref<6272xf32, #tpu.memory_space<vmem_shared>>
      %dma_start3A_26 = tpu.memref_slice %arg12[%mul3A_0] : memref<100352xf32, #tpu.memory_space<vmem_shared>> -> memref<6272xf32, #tpu.memory_space<vmem_shared>>
      tpu.enqueue_dma source(%arg17 : memref<6272xf32, #tpu.memory_space<vmem>>) target(%dma_start3A_26 : memref<6272xf32, #tpu.memory_space<vmem_shared>>) target_semaphore(%run_scoped3A_25 : memref<!tpu.dma_semaphore, #tpu.memory_space<semaphore_mem>>)
      %dma_wait3A = tpu.memref_slice %arg12[%mul3A_0] : memref<100352xf32, #tpu.memory_space<vmem_shared>> -> memref<6272xf32, #tpu.memory_space<vmem_shared>>
      %dma_wait3A_27 = tpu.memref_slice %arg12[%mul3A_0] : memref<100352xf32, #tpu.memory_space<vmem_shared>> -> memref<6272xf32, #tpu.memory_space<vmem_shared>>
      tpu.wait_dma2 semaphore(%run_scoped3A_25 : memref<!tpu.dma_semaphore, #tpu.memory_space<semaphore_mem>>) src(%arg17 : memref<6272xf32, #tpu.memory_space<vmem>>) dst(%dma_wait3A_27 : memref<6272xf32, #tpu.memory_space<vmem_shared>>)
      tpu.yield
    }) : () -> ()
    %eq3A = arith.constant 0 : i32
    %eq3A_8 = arith.cmpi eq, %arg0, %eq3A : i32
    %convert_element_type3A = arith.extui %eq3A_8 : i1 to i32
    %cond3A = arith.constant 0 : i32
    %cond3A_9 = arith.cmpi ne, %convert_element_type3A, %cond3A : i32
    scf.if %cond3A_9 {
      %run_scoped3A_25 = arith.constant 0 : i32
      "tpu.region"() ({
        %run_scoped3A_46 = tpu.sem_alloc : memref<!tpu.dma_semaphore, #tpu.memory_space<semaphore_mem>>
        %dma_start3A = tpu.memref_slice %arg8[%run_scoped3A_25, %mul3A_0] : memref<2x100352xf32, #tpu.memory_space<hbm>> -> memref<1x6272xf32, #tpu.memory_space<hbm>>
        %dma_start3A_47 = tpu.memref_squeeze %dma_start3A : memref<1x6272xf32, #tpu.memory_space<hbm>> -> memref<6272xf32, #tpu.memory_space<hbm>>
        %dma_start3A_48 = tpu.memref_slice %arg8[%run_scoped3A_25, %mul3A_0] : memref<2x100352xf32, #tpu.memory_space<hbm>> -> memref<1x6272xf32, #tpu.memory_space<hbm>>
        %dma_start3A_49 = tpu.memref_squeeze %dma_start3A_48 : memref<1x6272xf32, #tpu.memory_space<hbm>> -> memref<6272xf32, #tpu.memory_space<hbm>>
        tpu.enqueue_dma source(%dma_start3A_49 : memref<6272xf32, #tpu.memory_space<hbm>>) target(%arg16 : memref<6272xf32, #tpu.memory_space<vmem>>) target_semaphore(%run_scoped3A_46 : memref<!tpu.dma_semaphore, #tpu.memory_space<semaphore_mem>>)
        %dma_wait3A = tpu.memref_slice %arg8[%run_scoped3A_25, %mul3A_0] : memref<2x100352xf32, #tpu.memory_space<hbm>> -> memref<1x6272xf32, #tpu.memory_space<hbm>>
        %dma_wait3A_50 = tpu.memref_squeeze %dma_wait3A : memref<1x6272xf32, #tpu.memory_space<hbm>> -> memref<6272xf32, #tpu.memory_space<hbm>>
        %dma_wait3A_51 = tpu.memref_slice %arg8[%run_scoped3A_25, %mul3A_0] : memref<2x100352xf32, #tpu.memory_space<hbm>> -> memref<1x6272xf32, #tpu.memory_space<hbm>>
        %dma_wait3A_52 = tpu.memref_squeeze %dma_wait3A_51 : memref<1x6272xf32, #tpu.memory_space<hbm>> -> memref<6272xf32, #tpu.memory_space<hbm>>
        tpu.wait_dma2 semaphore(%run_scoped3A_46 : memref<!tpu.dma_semaphore, #tpu.memory_space<semaphore_mem>>) src(%dma_wait3A_52 : memref<6272xf32, #tpu.memory_space<hbm>>) dst(%arg16 : memref<6272xf32, #tpu.memory_space<vmem>>)
        tpu.yield
      }) : () -> ()
      %run_scoped3A_26 = arith.constant 1 : i32
      "tpu.region"() ({
        %run_scoped3A_46 = tpu.sem_alloc : memref<!tpu.dma_semaphore, #tpu.memory_space<semaphore_mem>>
        %dma_start3A = tpu.memref_slice %arg8[%run_scoped3A_26, %mul3A_0] : memref<2x100352xf32, #tpu.memory_space<hbm>> -> memref<1x6272xf32, #tpu.memory_space<hbm>>
        %dma_start3A_47 = tpu.memref_squeeze %dma_start3A : memref<1x6272xf32, #tpu.memory_space<hbm>> -> memref<6272xf32, #tpu.memory_space<hbm>>
        %dma_start3A_48 = tpu.memref_slice %arg8[%run_scoped3A_26, %mul3A_0] : memref<2x100352xf32, #tpu.memory_space<hbm>> -> memref<1x6272xf32, #tpu.memory_space<hbm>>
        %dma_start3A_49 = tpu.memref_squeeze %dma_start3A_48 : memref<1x6272xf32, #tpu.memory_space<hbm>> -> memref<6272xf32, #tpu.memory_space<hbm>>
        tpu.enqueue_dma source(%dma_start3A_49 : memref<6272xf32, #tpu.memory_space<hbm>>) target(%arg18 : memref<6272xf32, #tpu.memory_space<vmem>>) target_semaphore(%run_scoped3A_46 : memref<!tpu.dma_semaphore, #tpu.memory_space<semaphore_mem>>)
        %dma_wait3A = tpu.memref_slice %arg8[%run_scoped3A_26, %mul3A_0] : memref<2x100352xf32, #tpu.memory_space<hbm>> -> memref<1x6272xf32, #tpu.memory_space<hbm>>
        %dma_wait3A_50 = tpu.memref_squeeze %dma_wait3A : memref<1x6272xf32, #tpu.memory_space<hbm>> -> memref<6272xf32, #tpu.memory_space<hbm>>
        %dma_wait3A_51 = tpu.memref_slice %arg8[%run_scoped3A_26, %mul3A_0] : memref<2x100352xf32, #tpu.memory_space<hbm>> -> memref<1x6272xf32, #tpu.memory_space<hbm>>
        %dma_wait3A_52 = tpu.memref_squeeze %dma_wait3A_51 : memref<1x6272xf32, #tpu.memory_space<hbm>> -> memref<6272xf32, #tpu.memory_space<hbm>>
        tpu.wait_dma2 semaphore(%run_scoped3A_46 : memref<!tpu.dma_semaphore, #tpu.memory_space<semaphore_mem>>) src(%dma_wait3A_52 : memref<6272xf32, #tpu.memory_space<hbm>>) dst(%arg18 : memref<6272xf32, #tpu.memory_space<vmem>>)
        tpu.yield
      }) : () -> ()
      %scan3A_27 = arith.constant 0 : i32
      %scan3A_28 = arith.constant 392 : i32
      %scan3A_29 = arith.addi %scan3A_27, %scan3A_28 : i32
      %scan3A_30 = arith.constant 1 : i32
      scf.for %scan3A_46 = %scan3A_27 to %scan3A_29 step %scan3A_30  : i32 {
        %mul3A_47 = arith.constant 16 : i32
        %mul3A_48 = arith.muli %scan3A_46, %mul3A_47 : i32
        %get3A = arith.index_cast %mul3A_48 : i32 to index
        %get3A_49 = tpu.vector_load %arg16[%get3A] {strides = array<i32>} : memref<6272xf32, #tpu.memory_space<vmem>>, vector<16xf32>,
        %get3A_50 = vector.shape_cast %get3A_49 : vector<16xf32> to vector<16xf32>
        %get3A_51 = arith.index_cast %mul3A_48 : i32 to index
        %get3A_52 = tpu.vector_load %arg18[%get3A_51] {strides = array<i32>} : memref<6272xf32, #tpu.memory_space<vmem>>, vector<16xf32>,
        %get3A_53 = vector.shape_cast %get3A_52 : vector<16xf32> to vector<16xf32>
        %add3A_54 = arith.addf %get3A_50, %get3A_53 : vector<16xf32>
        %swap3A = arith.index_cast %mul3A_48 : i32 to index
        %swap3A_55 = tpu.vector_load %arg16[%swap3A] {strides = array<i32>} : memref<6272xf32, #tpu.memory_space<vmem>>, vector<16xf32>,
        %swap3A_56 = vector.shape_cast %swap3A_55 : vector<16xf32> to vector<16xf32>
        %swap3A_57 = vector.shape_cast %add3A_54 : vector<16xf32> to vector<16xf32>
        tpu.vector_store %arg16[%swap3A], %swap3A_57 {strides = array<i32>} : memref<6272xf32, #tpu.memory_space<vmem>>, vector<16xf32>,
      }
      %scan3A_31 = arith.constant 392 : i32
      %run_scoped3A_32 = arith.constant 0 : i32
      "tpu.region"() ({
        %run_scoped3A_46 = tpu.sem_alloc : memref<!tpu.dma_semaphore, #tpu.memory_space<semaphore_mem>>
        %dma_start3A = tpu.memref_slice %arg6[%run_scoped3A_32, %mul3A_0] : memref<2x100352xf32, #tpu.memory_space<hbm>> -> memref<1x6272xf32, #tpu.memory_space<hbm>>
        %dma_start3A_47 = tpu.memref_squeeze %dma_start3A : memref<1x6272xf32, #tpu.memory_space<hbm>> -> memref<6272xf32, #tpu.memory_space<hbm>>
        %dma_start3A_48 = tpu.memref_slice %arg6[%run_scoped3A_32, %mul3A_0] : memref<2x100352xf32, #tpu.memory_space<hbm>> -> memref<1x6272xf32, #tpu.memory_space<hbm>>
        %dma_start3A_49 = tpu.memref_squeeze %dma_start3A_48 : memref<1x6272xf32, #tpu.memory_space<hbm>> -> memref<6272xf32, #tpu.memory_space<hbm>>
        tpu.enqueue_dma source(%dma_start3A_49 : memref<6272xf32, #tpu.memory_space<hbm>>) target(%arg18 : memref<6272xf32, #tpu.memory_space<vmem>>) target_semaphore(%run_scoped3A_46 : memref<!tpu.dma_semaphore, #tpu.memory_space<semaphore_mem>>)
        %dma_wait3A = tpu.memref_slice %arg6[%run_scoped3A_32, %mul3A_0] : memref<2x100352xf32, #tpu.memory_space<hbm>> -> memref<1x6272xf32, #tpu.memory_space<hbm>>
        %dma_wait3A_50 = tpu.memref_squeeze %dma_wait3A : memref<1x6272xf32, #tpu.memory_space<hbm>> -> memref<6272xf32, #tpu.memory_space<hbm>>
        %dma_wait3A_51 = tpu.memref_slice %arg6[%run_scoped3A_32, %mul3A_0] : memref<2x100352xf32, #tpu.memory_space<hbm>> -> memref<1x6272xf32, #tpu.memory_space<hbm>>
        %dma_wait3A_52 = tpu.memref_squeeze %dma_wait3A_51 : memref<1x6272xf32, #tpu.memory_space<hbm>> -> memref<6272xf32, #tpu.memory_space<hbm>>
        tpu.wait_dma2 semaphore(%run_scoped3A_46 : memref<!tpu.dma_semaphore, #tpu.memory_space<semaphore_mem>>) src(%dma_wait3A_52 : memref<6272xf32, #tpu.memory_space<hbm>>) dst(%arg18 : memref<6272xf32, #tpu.memory_space<vmem>>)
        tpu.yield
      }) : () -> ()
      %run_scoped3A_33 = arith.constant 1 : i32
      "tpu.region"() ({
        %run_scoped3A_46 = tpu.sem_alloc : memref<!tpu.dma_semaphore, #tpu.memory_space<semaphore_mem>>
        %dma_start3A = tpu.memref_slice %arg6[%run_scoped3A_33, %mul3A_0] : memref<2x100352xf32, #tpu.memory_space<hbm>> -> memref<1x6272xf32, #tpu.memory_space<hbm>>
        %dma_start3A_47 = tpu.memref_squeeze %dma_start3A : memref<1x6272xf32, #tpu.memory_space<hbm>> -> memref<6272xf32, #tpu.memory_space<hbm>>
        %dma_start3A_48 = tpu.memref_slice %arg6[%run_scoped3A_33, %mul3A_0] : memref<2x100352xf32, #tpu.memory_space<hbm>> -> memref<1x6272xf32, #tpu.memory_space<hbm>>
        %dma_start3A_49 = tpu.memref_squeeze %dma_start3A_48 : memref<1x6272xf32, #tpu.memory_space<hbm>> -> memref<6272xf32, #tpu.memory_space<hbm>>
        tpu.enqueue_dma source(%dma_start3A_49 : memref<6272xf32, #tpu.memory_space<hbm>>) target(%arg19 : memref<6272xf32, #tpu.memory_space<vmem>>) target_semaphore(%run_scoped3A_46 : memref<!tpu.dma_semaphore, #tpu.memory_space<semaphore_mem>>)
        %dma_wait3A = tpu.memref_slice %arg6[%run_scoped3A_33, %mul3A_0] : memref<2x100352xf32, #tpu.memory_space<hbm>> -> memref<1x6272xf32, #tpu.memory_space<hbm>>
        %dma_wait3A_50 = tpu.memref_squeeze %dma_wait3A : memref<1x6272xf32, #tpu.memory_space<hbm>> -> memref<6272xf32, #tpu.memory_space<hbm>>
        %dma_wait3A_51 = tpu.memref_slice %arg6[%run_scoped3A_33, %mul3A_0] : memref<2x100352xf32, #tpu.memory_space<hbm>> -> memref<1x6272xf32, #tpu.memory_space<hbm>>
        %dma_wait3A_52 = tpu.memref_squeeze %dma_wait3A_51 : memref<1x6272xf32, #tpu.memory_space<hbm>> -> memref<6272xf32, #tpu.memory_space<hbm>>
        tpu.wait_dma2 semaphore(%run_scoped3A_46 : memref<!tpu.dma_semaphore, #tpu.memory_space<semaphore_mem>>) src(%dma_wait3A_52 : memref<6272xf32, #tpu.memory_space<hbm>>) dst(%arg19 : memref<6272xf32, #tpu.memory_space<vmem>>)
        tpu.yield
      }) : () -> ()
      %scan3A_34 = arith.constant 0 : i32
      %scan3A_35 = arith.constant 392 : i32
      %scan3A_36 = arith.addi %scan3A_34, %scan3A_35 : i32
      %scan3A_37 = arith.constant 1 : i32
      scf.for %scan3A_46 = %scan3A_34 to %scan3A_36 step %scan3A_37  : i32 {
        %mul3A_47 = arith.constant 16 : i32
        %mul3A_48 = arith.muli %scan3A_46, %mul3A_47 : i32
        %get3A = arith.index_cast %mul3A_48 : i32 to index
        %get3A_49 = tpu.vector_load %arg18[%get3A] {strides = array<i32>} : memref<6272xf32, #tpu.memory_space<vmem>>, vector<16xf32>,
        %get3A_50 = vector.shape_cast %get3A_49 : vector<16xf32> to vector<16xf32>
        %get3A_51 = arith.index_cast %mul3A_48 : i32 to index
        %get3A_52 = tpu.vector_load %arg19[%get3A_51] {strides = array<i32>} : memref<6272xf32, #tpu.memory_space<vmem>>, vector<16xf32>,
        %get3A_53 = vector.shape_cast %get3A_52 : vector<16xf32> to vector<16xf32>
        %add3A_54 = arith.addf %get3A_50, %get3A_53 : vector<16xf32>
        %get3A_55 = arith.index_cast %mul3A_48 : i32 to index
        %get3A_56 = tpu.vector_load %arg16[%get3A_55] {strides = array<i32>} : memref<6272xf32, #tpu.memory_space<vmem>>, vector<16xf32>,
        %get3A_57 = vector.shape_cast %get3A_56 : vector<16xf32> to vector<16xf32>
        %get3A_58 = arith.index_cast %mul3A_48 : i32 to index
        %get3A_59 = tpu.vector_load %arg15[%get3A_58] {strides = array<i32>} : memref<6272xf32, #tpu.memory_space<vmem>>, vector<16xf32>,
        %get3A_60 = vector.shape_cast %get3A_59 : vector<16xf32> to vector<16xf32>
        %mul3A_61 = arith.mulf %get3A_57, %get3A_60 : vector<16xf32>
        %sub3A = arith.subf %add3A_54, %mul3A_61 : vector<16xf32>
        %swap3A = arith.index_cast %mul3A_48 : i32 to index
        %swap3A_62 = tpu.vector_load %arg18[%swap3A] {strides = array<i32>} : memref<6272xf32, #tpu.memory_space<vmem>>, vector<16xf32>,
        %swap3A_63 = vector.shape_cast %swap3A_62 : vector<16xf32> to vector<16xf32>
        %swap3A_64 = vector.shape_cast %sub3A : vector<16xf32> to vector<16xf32>
        tpu.vector_store %arg18[%swap3A], %swap3A_64 {strides = array<i32>} : memref<6272xf32, #tpu.memory_space<vmem>>, vector<16xf32>,
      }
      %scan3A_38 = arith.constant 392 : i32
      "tpu.region"() ({
        %run_scoped3A_46 = tpu.sem_alloc : memref<!tpu.dma_semaphore, #tpu.memory_space<semaphore_mem>>
        %dma_start3A = tpu.memref_slice %arg13[%mul3A_0] : memref<100352xf32, #tpu.memory_space<vmem_shared>> -> memref<6272xf32, #tpu.memory_space<vmem_shared>>
        %dma_start3A_47 = tpu.memref_slice %arg13[%mul3A_0] : memref<100352xf32, #tpu.memory_space<vmem_shared>> -> memref<6272xf32, #tpu.memory_space<vmem_shared>>
        tpu.enqueue_dma source(%arg18 : memref<6272xf32, #tpu.memory_space<vmem>>) target(%dma_start3A_47 : memref<6272xf32, #tpu.memory_space<vmem_shared>>) target_semaphore(%run_scoped3A_46 : memref<!tpu.dma_semaphore, #tpu.memory_space<semaphore_mem>>)
        %dma_wait3A = tpu.memref_slice %arg13[%mul3A_0] : memref<100352xf32, #tpu.memory_space<vmem_shared>> -> memref<6272xf32, #tpu.memory_space<vmem_shared>>
        %dma_wait3A_48 = tpu.memref_slice %arg13[%mul3A_0] : memref<100352xf32, #tpu.memory_space<vmem_shared>> -> memref<6272xf32, #tpu.memory_space<vmem_shared>>
        tpu.wait_dma2 semaphore(%run_scoped3A_46 : memref<!tpu.dma_semaphore, #tpu.memory_space<semaphore_mem>>) src(%arg18 : memref<6272xf32, #tpu.memory_space<vmem>>) dst(%dma_wait3A_48 : memref<6272xf32, #tpu.memory_space<vmem_shared>>)
        tpu.yield
      }) : () -> ()
      %run_scoped3A_39 = arith.constant 0 : i32
      "tpu.region"() ({
        %run_scoped3A_46 = tpu.sem_alloc : memref<!tpu.dma_semaphore, #tpu.memory_space<semaphore_mem>>
        %dma_start3A = tpu.memref_slice %arg7[%run_scoped3A_39, %mul3A_0] : memref<2x100352xf32, #tpu.memory_space<hbm>> -> memref<1x6272xf32, #tpu.memory_space<hbm>>
        %dma_start3A_47 = tpu.memref_squeeze %dma_start3A : memref<1x6272xf32, #tpu.memory_space<hbm>> -> memref<6272xf32, #tpu.memory_space<hbm>>
        %dma_start3A_48 = tpu.memref_slice %arg7[%run_scoped3A_39, %mul3A_0] : memref<2x100352xf32, #tpu.memory_space<hbm>> -> memref<1x6272xf32, #tpu.memory_space<hbm>>
        %dma_start3A_49 = tpu.memref_squeeze %dma_start3A_48 : memref<1x6272xf32, #tpu.memory_space<hbm>> -> memref<6272xf32, #tpu.memory_space<hbm>>
        tpu.enqueue_dma source(%dma_start3A_49 : memref<6272xf32, #tpu.memory_space<hbm>>) target(%arg18 : memref<6272xf32, #tpu.memory_space<vmem>>) target_semaphore(%run_scoped3A_46 : memref<!tpu.dma_semaphore, #tpu.memory_space<semaphore_mem>>)
        %dma_wait3A = tpu.memref_slice %arg7[%run_scoped3A_39, %mul3A_0] : memref<2x100352xf32, #tpu.memory_space<hbm>> -> memref<1x6272xf32, #tpu.memory_space<hbm>>
        %dma_wait3A_50 = tpu.memref_squeeze %dma_wait3A : memref<1x6272xf32, #tpu.memory_space<hbm>> -> memref<6272xf32, #tpu.memory_space<hbm>>
        %dma_wait3A_51 = tpu.memref_slice %arg7[%run_scoped3A_39, %mul3A_0] : memref<2x100352xf32, #tpu.memory_space<hbm>> -> memref<1x6272xf32, #tpu.memory_space<hbm>>
        %dma_wait3A_52 = tpu.memref_squeeze %dma_wait3A_51 : memref<1x6272xf32, #tpu.memory_space<hbm>> -> memref<6272xf32, #tpu.memory_space<hbm>>
        tpu.wait_dma2 semaphore(%run_scoped3A_46 : memref<!tpu.dma_semaphore, #tpu.memory_space<semaphore_mem>>) src(%dma_wait3A_52 : memref<6272xf32, #tpu.memory_space<hbm>>) dst(%arg18 : memref<6272xf32, #tpu.memory_space<vmem>>)
        tpu.yield
      }) : () -> ()
      %run_scoped3A_40 = arith.constant 1 : i32
      "tpu.region"() ({
        %run_scoped3A_46 = tpu.sem_alloc : memref<!tpu.dma_semaphore, #tpu.memory_space<semaphore_mem>>
        %dma_start3A = tpu.memref_slice %arg7[%run_scoped3A_40, %mul3A_0] : memref<2x100352xf32, #tpu.memory_space<hbm>> -> memref<1x6272xf32, #tpu.memory_space<hbm>>
        %dma_start3A_47 = tpu.memref_squeeze %dma_start3A : memref<1x6272xf32, #tpu.memory_space<hbm>> -> memref<6272xf32, #tpu.memory_space<hbm>>
        %dma_start3A_48 = tpu.memref_slice %arg7[%run_scoped3A_40, %mul3A_0] : memref<2x100352xf32, #tpu.memory_space<hbm>> -> memref<1x6272xf32, #tpu.memory_space<hbm>>
        %dma_start3A_49 = tpu.memref_squeeze %dma_start3A_48 : memref<1x6272xf32, #tpu.memory_space<hbm>> -> memref<6272xf32, #tpu.memory_space<hbm>>
        tpu.enqueue_dma source(%dma_start3A_49 : memref<6272xf32, #tpu.memory_space<hbm>>) target(%arg19 : memref<6272xf32, #tpu.memory_space<vmem>>) target_semaphore(%run_scoped3A_46 : memref<!tpu.dma_semaphore, #tpu.memory_space<semaphore_mem>>)
        %dma_wait3A = tpu.memref_slice %arg7[%run_scoped3A_40, %mul3A_0] : memref<2x100352xf32, #tpu.memory_space<hbm>> -> memref<1x6272xf32, #tpu.memory_space<hbm>>
        %dma_wait3A_50 = tpu.memref_squeeze %dma_wait3A : memref<1x6272xf32, #tpu.memory_space<hbm>> -> memref<6272xf32, #tpu.memory_space<hbm>>
        %dma_wait3A_51 = tpu.memref_slice %arg7[%run_scoped3A_40, %mul3A_0] : memref<2x100352xf32, #tpu.memory_space<hbm>> -> memref<1x6272xf32, #tpu.memory_space<hbm>>
        %dma_wait3A_52 = tpu.memref_squeeze %dma_wait3A_51 : memref<1x6272xf32, #tpu.memory_space<hbm>> -> memref<6272xf32, #tpu.memory_space<hbm>>
        tpu.wait_dma2 semaphore(%run_scoped3A_46 : memref<!tpu.dma_semaphore, #tpu.memory_space<semaphore_mem>>) src(%dma_wait3A_52 : memref<6272xf32, #tpu.memory_space<hbm>>) dst(%arg19 : memref<6272xf32, #tpu.memory_space<vmem>>)
        tpu.yield
      }) : () -> ()
      %scan3A_41 = arith.constant 0 : i32
      %scan3A_42 = arith.constant 392 : i32
      %scan3A_43 = arith.addi %scan3A_41, %scan3A_42 : i32
      %scan3A_44 = arith.constant 1 : i32
      scf.for %scan3A_46 = %scan3A_41 to %scan3A_43 step %scan3A_44  : i32 {
        %mul3A_47 = arith.constant 16 : i32
        %mul3A_48 = arith.muli %scan3A_46, %mul3A_47 : i32
        %get3A = arith.index_cast %mul3A_48 : i32 to index
        %get3A_49 = tpu.vector_load %arg18[%get3A] {strides = array<i32>} : memref<6272xf32, #tpu.memory_space<vmem>>, vector<16xf32>,
        %get3A_50 = vector.shape_cast %get3A_49 : vector<16xf32> to vector<16xf32>
        %get3A_51 = arith.index_cast %mul3A_48 : i32 to index
        %get3A_52 = tpu.vector_load %arg19[%get3A_51] {strides = array<i32>} : memref<6272xf32, #tpu.memory_space<vmem>>, vector<16xf32>,
        %get3A_53 = vector.shape_cast %get3A_52 : vector<16xf32> to vector<16xf32>
        %add3A_54 = arith.addf %get3A_50, %get3A_53 : vector<16xf32>
        %get3A_55 = arith.index_cast %mul3A_48 : i32 to index
        %get3A_56 = tpu.vector_load %arg16[%get3A_55] {strides = array<i32>} : memref<6272xf32, #tpu.memory_space<vmem>>, vector<16xf32>,
        %get3A_57 = vector.shape_cast %get3A_56 : vector<16xf32> to vector<16xf32>
        %get3A_58 = arith.index_cast %mul3A_48 : i32 to index
        %get3A_59 = tpu.vector_load %arg17[%get3A_58] {strides = array<i32>} : memref<6272xf32, #tpu.memory_space<vmem>>, vector<16xf32>,
        %get3A_60 = vector.shape_cast %get3A_59 : vector<16xf32> to vector<16xf32>
        %mul3A_61 = arith.mulf %get3A_57, %get3A_60 : vector<16xf32>
        %sub3A = arith.subf %add3A_54, %mul3A_61 : vector<16xf32>
        %swap3A = arith.index_cast %mul3A_48 : i32 to index
        %swap3A_62 = tpu.vector_load %arg18[%swap3A] {strides = array<i32>} : memref<6272xf32, #tpu.memory_space<vmem>>, vector<16xf32>,
        %swap3A_63 = vector.shape_cast %swap3A_62 : vector<16xf32> to vector<16xf32>
        %swap3A_64 = vector.shape_cast %sub3A : vector<16xf32> to vector<16xf32>
        tpu.vector_store %arg18[%swap3A], %swap3A_64 {strides = array<i32>} : memref<6272xf32, #tpu.memory_space<vmem>>, vector<16xf32>,
      }
      %scan3A_45 = arith.constant 392 : i32
      "tpu.region"() ({
        %run_scoped3A_46 = tpu.sem_alloc : memref<!tpu.dma_semaphore, #tpu.memory_space<semaphore_mem>>
        %dma_start3A = tpu.memref_slice %arg14[%mul3A_0] : memref<100352xf32, #tpu.memory_space<vmem_shared>> -> memref<6272xf32, #tpu.memory_space<vmem_shared>>
        %dma_start3A_47 = tpu.memref_slice %arg14[%mul3A_0] : memref<100352xf32, #tpu.memory_space<vmem_shared>> -> memref<6272xf32, #tpu.memory_space<vmem_shared>>
        tpu.enqueue_dma source(%arg18 : memref<6272xf32, #tpu.memory_space<vmem>>) target(%dma_start3A_47 : memref<6272xf32, #tpu.memory_space<vmem_shared>>) target_semaphore(%run_scoped3A_46 : memref<!tpu.dma_semaphore, #tpu.memory_space<semaphore_mem>>)
        %dma_wait3A = tpu.memref_slice %arg14[%mul3A_0] : memref<100352xf32, #tpu.memory_space<vmem_shared>> -> memref<6272xf32, #tpu.memory_space<vmem_shared>>
        %dma_wait3A_48 = tpu.memref_slice %arg14[%mul3A_0] : memref<100352xf32, #tpu.memory_space<vmem_shared>> -> memref<6272xf32, #tpu.memory_space<vmem_shared>>
        tpu.wait_dma2 semaphore(%run_scoped3A_46 : memref<!tpu.dma_semaphore, #tpu.memory_space<semaphore_mem>>) src(%arg18 : memref<6272xf32, #tpu.memory_space<vmem>>) dst(%dma_wait3A_48 : memref<6272xf32, #tpu.memory_space<vmem_shared>>)
        tpu.yield
      }) : () -> ()
    } else {
    }
    %eq3A_10 = arith.constant 1 : i32
    %eq3A_11 = arith.cmpi eq, %arg0, %eq3A_10 : i32
    %convert_element_type3A_12 = arith.extui %eq3A_11 : i1 to i32
    %cond3A_13 = arith.constant 0 : i32
    %cond3A_14 = arith.cmpi ne, %convert_element_type3A_12, %cond3A_13 : i32
    scf.if %cond3A_14 {
      %broadcast_in_dim3A = arith.constant 0.000000e+00 : f32
      %broadcast_in_dim3A_25 = vector.broadcast %broadcast_in_dim3A : f32 to vector<16xf32>
      %scan3A_26 = arith.constant 0 : i32
      %scan3A_27 = arith.constant 392 : i32
      %scan3A_28 = arith.addi %scan3A_26, %scan3A_27 : i32
      %scan3A_29 = arith.constant 1 : i32
      scf.for %scan3A_31 = %scan3A_26 to %scan3A_28 step %scan3A_29  : i32 {
        %mul3A_32 = arith.constant 16 : i32
        %mul3A_33 = arith.muli %scan3A_31, %mul3A_32 : i32
        %swap3A = arith.index_cast %mul3A_33 : i32 to index
        %swap3A_34 = tpu.vector_load %arg19[%swap3A] {strides = array<i32>} : memref<6272xf32, #tpu.memory_space<vmem>>, vector<16xf32>,
        %swap3A_35 = vector.shape_cast %swap3A_34 : vector<16xf32> to vector<16xf32>
        %swap3A_36 = vector.shape_cast %broadcast_in_dim3A_25 : vector<16xf32> to vector<16xf32>
        tpu.vector_store %arg19[%swap3A], %swap3A_36 {strides = array<i32>} : memref<6272xf32, #tpu.memory_space<vmem>>, vector<16xf32>,
      }
      %scan3A_30 = arith.constant 392 : i32
      "tpu.region"() ({
        %run_scoped3A_31 = tpu.sem_alloc : memref<!tpu.dma_semaphore, #tpu.memory_space<semaphore_mem>>
        %dma_start3A = tpu.memref_slice %arg13[%mul3A_0] : memref<100352xf32, #tpu.memory_space<vmem_shared>> -> memref<6272xf32, #tpu.memory_space<vmem_shared>>
        %dma_start3A_32 = tpu.memref_slice %arg13[%mul3A_0] : memref<100352xf32, #tpu.memory_space<vmem_shared>> -> memref<6272xf32, #tpu.memory_space<vmem_shared>>
        tpu.enqueue_dma source(%arg19 : memref<6272xf32, #tpu.memory_space<vmem>>) target(%dma_start3A_32 : memref<6272xf32, #tpu.memory_space<vmem_shared>>) target_semaphore(%run_scoped3A_31 : memref<!tpu.dma_semaphore, #tpu.memory_space<semaphore_mem>>)
        %dma_wait3A = tpu.memref_slice %arg13[%mul3A_0] : memref<100352xf32, #tpu.memory_space<vmem_shared>> -> memref<6272xf32, #tpu.memory_space<vmem_shared>>
        %dma_wait3A_33 = tpu.memref_slice %arg13[%mul3A_0] : memref<100352xf32, #tpu.memory_space<vmem_shared>> -> memref<6272xf32, #tpu.memory_space<vmem_shared>>
        tpu.wait_dma2 semaphore(%run_scoped3A_31 : memref<!tpu.dma_semaphore, #tpu.memory_space<semaphore_mem>>) src(%arg19 : memref<6272xf32, #tpu.memory_space<vmem>>) dst(%dma_wait3A_33 : memref<6272xf32, #tpu.memory_space<vmem_shared>>)
        tpu.yield
      }) : () -> ()
      "tpu.region"() ({
        %run_scoped3A_31 = tpu.sem_alloc : memref<!tpu.dma_semaphore, #tpu.memory_space<semaphore_mem>>
        %dma_start3A = tpu.memref_slice %arg14[%mul3A_0] : memref<100352xf32, #tpu.memory_space<vmem_shared>> -> memref<6272xf32, #tpu.memory_space<vmem_shared>>
        %dma_start3A_32 = tpu.memref_slice %arg14[%mul3A_0] : memref<100352xf32, #tpu.memory_space<vmem_shared>> -> memref<6272xf32, #tpu.memory_space<vmem_shared>>
        tpu.enqueue_dma source(%arg19 : memref<6272xf32, #tpu.memory_space<vmem>>) target(%dma_start3A_32 : memref<6272xf32, #tpu.memory_space<vmem_shared>>) target_semaphore(%run_scoped3A_31 : memref<!tpu.dma_semaphore, #tpu.memory_space<semaphore_mem>>)
        %dma_wait3A = tpu.memref_slice %arg14[%mul3A_0] : memref<100352xf32, #tpu.memory_space<vmem_shared>> -> memref<6272xf32, #tpu.memory_space<vmem_shared>>
        %dma_wait3A_33 = tpu.memref_slice %arg14[%mul3A_0] : memref<100352xf32, #tpu.memory_space<vmem_shared>> -> memref<6272xf32, #tpu.memory_space<vmem_shared>>
        tpu.wait_dma2 semaphore(%run_scoped3A_31 : memref<!tpu.dma_semaphore, #tpu.memory_space<semaphore_mem>>) src(%arg19 : memref<6272xf32, #tpu.memory_space<vmem>>) dst(%dma_wait3A_33 : memref<6272xf32, #tpu.memory_space<vmem_shared>>)
        tpu.yield
      }) : () -> ()
    } else {
    }
    %barrier3A = arith.constant 0 : index
    tpu.barrier barrier_id(%barrier3A)
    %mul3A_15 = arith.constant 16 : i32
    %mul3A_16 = arith.muli %arg0, %mul3A_15 : i32
    %add3A = arith.addi %mul3A_16, %arg1 : i32
    %mul3A_17 = arith.constant 200000 : i32
    %mul3A_18 = arith.muli %add3A, %mul3A_17 : i32
    %scan3A_19 = arith.constant 0 : i32
    %scan3A_20 = arith.constant 50 : i32
    %scan3A_21 = arith.addi %scan3A_19, %scan3A_20 : i32
    %scan3A_22 = arith.constant 1 : i32
    scf.for %scan3A_25 = %scan3A_19 to %scan3A_21 step %scan3A_22  : i32 {
      %mul3A_26 = arith.constant 4000 : i32
      %mul3A_27 = arith.muli %scan3A_25, %mul3A_26 : i32
      %add3A_28 = arith.addi %mul3A_18, %mul3A_27 : i32
      %multiple_of3A = tpu.assume_multiple %add3A_28, 8 : i32
      %add3A_29 = arith.constant 2000 : i32
      %add3A_30 = arith.addi %multiple_of3A, %add3A_29 : i32
      %multiple_of3A_31 = tpu.assume_multiple %add3A_30, 8 : i32
      %dma_start3A = tpu.memref_slice %arg3[%multiple_of3A] : memref<6400000xi32, #tpu.memory_space<hbm>> -> memref<2000xi32, #tpu.memory_space<hbm>>
      %dma_start3A_32 = tpu.memref_slice %arg3[%multiple_of3A] : memref<6400000xi32, #tpu.memory_space<hbm>> -> memref<2000xi32, #tpu.memory_space<hbm>>
      tpu.enqueue_dma source(%dma_start3A_32 : memref<2000xi32, #tpu.memory_space<hbm>>) target(%arg23 : memref<2000xi32, #tpu.memory_space<vmem>>) target_semaphore(%arg28 : memref<!tpu.dma_semaphore, #tpu.memory_space<semaphore_mem>>)
      %dma_start3A_33 = tpu.memref_slice %arg3[%multiple_of3A_31] : memref<6400000xi32, #tpu.memory_space<hbm>> -> memref<2000xi32, #tpu.memory_space<hbm>>
      %dma_start3A_34 = tpu.memref_slice %arg3[%multiple_of3A_31] : memref<6400000xi32, #tpu.memory_space<hbm>> -> memref<2000xi32, #tpu.memory_space<hbm>>
      tpu.enqueue_dma source(%dma_start3A_34 : memref<2000xi32, #tpu.memory_space<hbm>>) target(%arg27 : memref<2000xi32, #tpu.memory_space<vmem>>) target_semaphore(%arg29 : memref<!tpu.dma_semaphore, #tpu.memory_space<semaphore_mem>>)
      %dma_start3A_35 = tpu.memref_slice %arg2[%multiple_of3A] : memref<6400000xi32, #tpu.memory_space<hbm>> -> memref<2000xi32, #tpu.memory_space<hbm>>
      %dma_start3A_36 = tpu.memref_slice %arg2[%multiple_of3A] : memref<6400000xi32, #tpu.memory_space<hbm>> -> memref<2000xi32, #tpu.memory_space<hbm>>
      tpu.enqueue_dma source(%dma_start3A_36 : memref<2000xi32, #tpu.memory_space<hbm>>) target(%arg22 : memref<2000xi32, #tpu.memory_space<vmem>>) target_semaphore(%arg30 : memref<!tpu.dma_semaphore, #tpu.memory_space<semaphore_mem>>)
      %dma_start3A_37 = tpu.memref_slice %arg2[%multiple_of3A_31] : memref<6400000xi32, #tpu.memory_space<hbm>> -> memref<2000xi32, #tpu.memory_space<hbm>>
      %dma_start3A_38 = tpu.memref_slice %arg2[%multiple_of3A_31] : memref<6400000xi32, #tpu.memory_space<hbm>> -> memref<2000xi32, #tpu.memory_space<hbm>>
      tpu.enqueue_dma source(%dma_start3A_38 : memref<2000xi32, #tpu.memory_space<hbm>>) target(%arg26 : memref<2000xi32, #tpu.memory_space<vmem>>) target_semaphore(%arg30 : memref<!tpu.dma_semaphore, #tpu.memory_space<semaphore_mem>>)
      %dma_wait3A = tpu.memref_slice %arg3[%multiple_of3A] : memref<6400000xi32, #tpu.memory_space<hbm>> -> memref<2000xi32, #tpu.memory_space<hbm>>
      %dma_wait3A_39 = tpu.memref_slice %arg3[%multiple_of3A] : memref<6400000xi32, #tpu.memory_space<hbm>> -> memref<2000xi32, #tpu.memory_space<hbm>>
      tpu.wait_dma2 semaphore(%arg28 : memref<!tpu.dma_semaphore, #tpu.memory_space<semaphore_mem>>) src(%dma_wait3A_39 : memref<2000xi32, #tpu.memory_space<hbm>>) dst(%arg23 : memref<2000xi32, #tpu.memory_space<vmem>>)
      %dma_start3A_40 = arith.constant 0 : i32
      %dma_start3A_41 = tpu.memref_slice %arg11[%dma_start3A_40] : memref<100352xf32, #tpu.memory_space<vmem_shared>> -> memref<100352xf32, #tpu.memory_space<vmem_shared>>
      tpu.enqueue_indirect_dma source(%dma_start3A_41 : memref<100352xf32, #tpu.memory_space<vmem_shared>>) target(%arg20 : memref<2000xf32, #tpu.memory_space<vmem>>) offsets(%arg23 : memref<2000xi32, #tpu.memory_space<vmem>>) semaphore(%arg31 : memref<!tpu.dma_semaphore, #tpu.memory_space<semaphore_mem>>)
      %dma_start3A_42 = arith.constant 0 : i32
      %dma_start3A_43 = tpu.memref_slice %arg12[%dma_start3A_42] : memref<100352xf32, #tpu.memory_space<vmem_shared>> -> memref<100352xf32, #tpu.memory_space<vmem_shared>>
      tpu.enqueue_indirect_dma source(%dma_start3A_43 : memref<100352xf32, #tpu.memory_space<vmem_shared>>) target(%arg21 : memref<2000xf32, #tpu.memory_space<vmem>>) offsets(%arg23 : memref<2000xi32, #tpu.memory_space<vmem>>) semaphore(%arg31 : memref<!tpu.dma_semaphore, #tpu.memory_space<semaphore_mem>>)
      %dma_wait3A_44 = tpu.memref_slice %arg3[%multiple_of3A_31] : memref<6400000xi32, #tpu.memory_space<hbm>> -> memref<2000xi32, #tpu.memory_space<hbm>>
      %dma_wait3A_45 = tpu.memref_slice %arg3[%multiple_of3A_31] : memref<6400000xi32, #tpu.memory_space<hbm>> -> memref<2000xi32, #tpu.memory_space<hbm>>
      tpu.wait_dma2 semaphore(%arg29 : memref<!tpu.dma_semaphore, #tpu.memory_space<semaphore_mem>>) src(%dma_wait3A_45 : memref<2000xi32, #tpu.memory_space<hbm>>) dst(%arg27 : memref<2000xi32, #tpu.memory_space<vmem>>)
      %dma_start3A_46 = arith.constant 0 : i32
      %dma_start3A_47 = tpu.memref_slice %arg11[%dma_start3A_46] : memref<100352xf32, #tpu.memory_space<vmem_shared>> -> memref<100352xf32, #tpu.memory_space<vmem_shared>>
      tpu.enqueue_indirect_dma source(%dma_start3A_47 : memref<100352xf32, #tpu.memory_space<vmem_shared>>) target(%arg24 : memref<2000xf32, #tpu.memory_space<vmem>>) offsets(%arg27 : memref<2000xi32, #tpu.memory_space<vmem>>) semaphore(%arg32 : memref<!tpu.dma_semaphore, #tpu.memory_space<semaphore_mem>>)
      %dma_start3A_48 = arith.constant 0 : i32
      %dma_start3A_49 = tpu.memref_slice %arg12[%dma_start3A_48] : memref<100352xf32, #tpu.memory_space<vmem_shared>> -> memref<100352xf32, #tpu.memory_space<vmem_shared>>
      tpu.enqueue_indirect_dma source(%dma_start3A_49 : memref<100352xf32, #tpu.memory_space<vmem_shared>>) target(%arg25 : memref<2000xf32, #tpu.memory_space<vmem>>) offsets(%arg27 : memref<2000xi32, #tpu.memory_space<vmem>>) semaphore(%arg32 : memref<!tpu.dma_semaphore, #tpu.memory_space<semaphore_mem>>)
      %dma_wait3A_50 = tpu.memref_slice %arg2[%multiple_of3A] : memref<6400000xi32, #tpu.memory_space<hbm>> -> memref<2000xi32, #tpu.memory_space<hbm>>
      %dma_wait3A_51 = tpu.memref_slice %arg2[%multiple_of3A] : memref<6400000xi32, #tpu.memory_space<hbm>> -> memref<2000xi32, #tpu.memory_space<hbm>>
      tpu.wait_dma2 semaphore(%arg30 : memref<!tpu.dma_semaphore, #tpu.memory_space<semaphore_mem>>) src(%dma_wait3A_51 : memref<2000xi32, #tpu.memory_space<hbm>>) dst(%arg22 : memref<2000xi32, #tpu.memory_space<vmem>>)
      %dma_wait3A_52 = tpu.memref_slice %arg2[%multiple_of3A_31] : memref<6400000xi32, #tpu.memory_space<hbm>> -> memref<2000xi32, #tpu.memory_space<hbm>>
      %dma_wait3A_53 = tpu.memref_slice %arg2[%multiple_of3A_31] : memref<6400000xi32, #tpu.memory_space<hbm>> -> memref<2000xi32, #tpu.memory_space<hbm>>
      tpu.wait_dma2 semaphore(%arg30 : memref<!tpu.dma_semaphore, #tpu.memory_space<semaphore_mem>>) src(%dma_wait3A_53 : memref<2000xi32, #tpu.memory_space<hbm>>) dst(%arg26 : memref<2000xi32, #tpu.memory_space<vmem>>)
      %dma_wait3A_54 = arith.constant 0 : i32
      %dma_wait3A_55 = tpu.memref_slice %arg11[%dma_wait3A_54] : memref<100352xf32, #tpu.memory_space<vmem_shared>> -> memref<100352xf32, #tpu.memory_space<vmem_shared>>
      tpu.wait_indirect_dma semaphore(%arg31 : memref<!tpu.dma_semaphore, #tpu.memory_space<semaphore_mem>>) src(%dma_wait3A_55 : memref<100352xf32, #tpu.memory_space<vmem_shared>>) dst(%arg20 : memref<2000xf32, #tpu.memory_space<vmem>>)
      %dma_wait3A_56 = arith.constant 0 : i32
      %dma_wait3A_57 = tpu.memref_slice %arg12[%dma_wait3A_56] : memref<100352xf32, #tpu.memory_space<vmem_shared>> -> memref<100352xf32, #tpu.memory_space<vmem_shared>>
      tpu.wait_indirect_dma semaphore(%arg31 : memref<!tpu.dma_semaphore, #tpu.memory_space<semaphore_mem>>) src(%dma_wait3A_57 : memref<100352xf32, #tpu.memory_space<vmem_shared>>) dst(%arg21 : memref<2000xf32, #tpu.memory_space<vmem>>)
      %dma_start3A_58 = arith.constant 0 : i32
      %dma_start3A_59 = tpu.memref_slice %arg13[%dma_start3A_58] : memref<100352xf32, #tpu.memory_space<vmem_shared>> -> memref<100352xf32, #tpu.memory_space<vmem_shared>>
      tpu.enqueue_indirect_dma source(%arg20 : memref<2000xf32, #tpu.memory_space<vmem>>) target(%dma_start3A_59 : memref<100352xf32, #tpu.memory_space<vmem_shared>>) offsets(%arg22 : memref<2000xi32, #tpu.memory_space<vmem>>) semaphore(%arg33 : memref<!tpu.dma_semaphore, #tpu.memory_space<semaphore_mem>>) {add = true}
      %dma_start3A_60 = arith.constant 0 : i32
      %dma_start3A_61 = tpu.memref_slice %arg14[%dma_start3A_60] : memref<100352xf32, #tpu.memory_space<vmem_shared>> -> memref<100352xf32, #tpu.memory_space<vmem_shared>>
      tpu.enqueue_indirect_dma source(%arg21 : memref<2000xf32, #tpu.memory_space<vmem>>) target(%dma_start3A_61 : memref<100352xf32, #tpu.memory_space<vmem_shared>>) offsets(%arg22 : memref<2000xi32, #tpu.memory_space<vmem>>) semaphore(%arg33 : memref<!tpu.dma_semaphore, #tpu.memory_space<semaphore_mem>>) {add = true}
      %dma_wait3A_62 = arith.constant 0 : i32
      %dma_wait3A_63 = tpu.memref_slice %arg11[%dma_wait3A_62] : memref<100352xf32, #tpu.memory_space<vmem_shared>> -> memref<100352xf32, #tpu.memory_space<vmem_shared>>
      tpu.wait_indirect_dma semaphore(%arg32 : memref<!tpu.dma_semaphore, #tpu.memory_space<semaphore_mem>>) src(%dma_wait3A_63 : memref<100352xf32, #tpu.memory_space<vmem_shared>>) dst(%arg24 : memref<2000xf32, #tpu.memory_space<vmem>>)
      %dma_wait3A_64 = arith.constant 0 : i32
      %dma_wait3A_65 = tpu.memref_slice %arg12[%dma_wait3A_64] : memref<100352xf32, #tpu.memory_space<vmem_shared>> -> memref<100352xf32, #tpu.memory_space<vmem_shared>>
      tpu.wait_indirect_dma semaphore(%arg32 : memref<!tpu.dma_semaphore, #tpu.memory_space<semaphore_mem>>) src(%dma_wait3A_65 : memref<100352xf32, #tpu.memory_space<vmem_shared>>) dst(%arg25 : memref<2000xf32, #tpu.memory_space<vmem>>)
      %dma_start3A_66 = arith.constant 0 : i32
      %dma_start3A_67 = tpu.memref_slice %arg13[%dma_start3A_66] : memref<100352xf32, #tpu.memory_space<vmem_shared>> -> memref<100352xf32, #tpu.memory_space<vmem_shared>>
      tpu.enqueue_indirect_dma source(%arg24 : memref<2000xf32, #tpu.memory_space<vmem>>) target(%dma_start3A_67 : memref<100352xf32, #tpu.memory_space<vmem_shared>>) offsets(%arg26 : memref<2000xi32, #tpu.memory_space<vmem>>) semaphore(%arg33 : memref<!tpu.dma_semaphore, #tpu.memory_space<semaphore_mem>>) {add = true}
      %dma_start3A_68 = arith.constant 0 : i32
      %dma_start3A_69 = tpu.memref_slice %arg14[%dma_start3A_68] : memref<100352xf32, #tpu.memory_space<vmem_shared>> -> memref<100352xf32, #tpu.memory_space<vmem_shared>>
      tpu.enqueue_indirect_dma source(%arg25 : memref<2000xf32, #tpu.memory_space<vmem>>) target(%dma_start3A_69 : memref<100352xf32, #tpu.memory_space<vmem_shared>>) offsets(%arg26 : memref<2000xi32, #tpu.memory_space<vmem>>) semaphore(%arg33 : memref<!tpu.dma_semaphore, #tpu.memory_space<semaphore_mem>>) {add = true}
      %dma_wait3A_70 = arith.constant 0 : i32
      %dma_wait3A_71 = tpu.memref_slice %arg13[%dma_wait3A_70] : memref<100352xf32, #tpu.memory_space<vmem_shared>> -> memref<100352xf32, #tpu.memory_space<vmem_shared>>
      tpu.wait_indirect_dma semaphore(%arg33 : memref<!tpu.dma_semaphore, #tpu.memory_space<semaphore_mem>>) src(%arg20 : memref<2000xf32, #tpu.memory_space<vmem>>) dst(%dma_wait3A_71 : memref<100352xf32, #tpu.memory_space<vmem_shared>>)
      %dma_wait3A_72 = arith.constant 0 : i32
      %dma_wait3A_73 = tpu.memref_slice %arg14[%dma_wait3A_72] : memref<100352xf32, #tpu.memory_space<vmem_shared>> -> memref<100352xf32, #tpu.memory_space<vmem_shared>>
      tpu.wait_indirect_dma semaphore(%arg33 : memref<!tpu.dma_semaphore, #tpu.memory_space<semaphore_mem>>) src(%arg21 : memref<2000xf32, #tpu.memory_space<vmem>>) dst(%dma_wait3A_73 : memref<100352xf32, #tpu.memory_space<vmem_shared>>)
      %dma_wait3A_74 = arith.constant 0 : i32
      %dma_wait3A_75 = tpu.memref_slice %arg13[%dma_wait3A_74] : memref<100352xf32, #tpu.memory_space<vmem_shared>> -> memref<100352xf32, #tpu.memory_space<vmem_shared>>
      tpu.wait_indirect_dma semaphore(%arg33 : memref<!tpu.dma_semaphore, #tpu.memory_space<semaphore_mem>>) src(%arg24 : memref<2000xf32, #tpu.memory_space<vmem>>) dst(%dma_wait3A_75 : memref<100352xf32, #tpu.memory_space<vmem_shared>>)
      %dma_wait3A_76 = arith.constant 0 : i32
      %dma_wait3A_77 = tpu.memref_slice %arg14[%dma_wait3A_76] : memref<100352xf32, #tpu.memory_space<vmem_shared>> -> memref<100352xf32, #tpu.memory_space<vmem_shared>>
      tpu.wait_indirect_dma semaphore(%arg33 : memref<!tpu.dma_semaphore, #tpu.memory_space<semaphore_mem>>) src(%arg25 : memref<2000xf32, #tpu.memory_space<vmem>>) dst(%dma_wait3A_77 : memref<100352xf32, #tpu.memory_space<vmem_shared>>)
    }
    %scan3A_23 = arith.constant 50 : i32
    %barrier3A_24 = arith.constant 0 : index
    tpu.barrier barrier_id(%barrier3A_24)
    "tpu.region"() ({
      %run_scoped3A_25 = tpu.sem_alloc : memref<!tpu.dma_semaphore, #tpu.memory_space<semaphore_mem>>
      %dma_start3A = tpu.memref_slice %arg9[%arg0, %mul3A_0] : memref<2x100352xf32, #tpu.memory_space<hbm>> -> memref<1x6272xf32, #tpu.memory_space<hbm>>
      %dma_start3A_26 = tpu.memref_squeeze %dma_start3A : memref<1x6272xf32, #tpu.memory_space<hbm>> -> memref<6272xf32, #tpu.memory_space<hbm>>
      %dma_start3A_27 = tpu.memref_slice %arg13[%mul3A_0] : memref<100352xf32, #tpu.memory_space<vmem_shared>> -> memref<6272xf32, #tpu.memory_space<vmem_shared>>
      tpu.enqueue_dma source(%dma_start3A_27 : memref<6272xf32, #tpu.memory_space<vmem_shared>>) target(%dma_start3A_26 : memref<6272xf32, #tpu.memory_space<hbm>>) target_semaphore(%run_scoped3A_25 : memref<!tpu.dma_semaphore, #tpu.memory_space<semaphore_mem>>)
      %dma_wait3A = tpu.memref_slice %arg9[%arg0, %mul3A_0] : memref<2x100352xf32, #tpu.memory_space<hbm>> -> memref<1x6272xf32, #tpu.memory_space<hbm>>
      %dma_wait3A_28 = tpu.memref_squeeze %dma_wait3A : memref<1x6272xf32, #tpu.memory_space<hbm>> -> memref<6272xf32, #tpu.memory_space<hbm>>
      %dma_wait3A_29 = tpu.memref_slice %arg13[%mul3A_0] : memref<100352xf32, #tpu.memory_space<vmem_shared>> -> memref<6272xf32, #tpu.memory_space<vmem_shared>>
      tpu.wait_dma2 semaphore(%run_scoped3A_25 : memref<!tpu.dma_semaphore, #tpu.memory_space<semaphore_mem>>) src(%dma_wait3A_29 : memref<6272xf32, #tpu.memory_space<vmem_shared>>) dst(%dma_wait3A_28 : memref<6272xf32, #tpu.memory_space<hbm>>)
      tpu.yield
    }) : () -> ()
    "tpu.region"() ({
      %run_scoped3A_25 = tpu.sem_alloc : memref<!tpu.dma_semaphore, #tpu.memory_space<semaphore_mem>>
      %dma_start3A = tpu.memref_slice %arg10[%arg0, %mul3A_0] : memref<2x100352xf32, #tpu.memory_space<hbm>> -> memref<1x6272xf32, #tpu.memory_space<hbm>>
      %dma_start3A_26 = tpu.memref_squeeze %dma_start3A : memref<1x6272xf32, #tpu.memory_space<hbm>> -> memref<6272xf32, #tpu.memory_space<hbm>>
      %dma_start3A_27 = tpu.memref_slice %arg14[%mul3A_0] : memref<100352xf32, #tpu.memory_space<vmem_shared>> -> memref<6272xf32, #tpu.memory_space<vmem_shared>>
      tpu.enqueue_dma source(%dma_start3A_27 : memref<6272xf32, #tpu.memory_space<vmem_shared>>) target(%dma_start3A_26 : memref<6272xf32, #tpu.memory_space<hbm>>) target_semaphore(%run_scoped3A_25 : memref<!tpu.dma_semaphore, #tpu.memory_space<semaphore_mem>>)
      %dma_wait3A = tpu.memref_slice %arg10[%arg0, %mul3A_0] : memref<2x100352xf32, #tpu.memory_space<hbm>> -> memref<1x6272xf32, #tpu.memory_space<hbm>>
      %dma_wait3A_28 = tpu.memref_squeeze %dma_wait3A : memref<1x6272xf32, #tpu.memory_space<hbm>> -> memref<6272xf32, #tpu.memory_space<hbm>>
      %dma_wait3A_29 = tpu.memref_slice %arg14[%mul3A_0] : memref<100352xf32, #tpu.memory_space<vmem_shared>> -> memref<6272xf32, #tpu.memory_space<vmem_shared>>
      tpu.wait_dma2 semaphore(%run_scoped3A_25 : memref<!tpu.dma_semaphore, #tpu.memory_space<semaphore_mem>>) src(%dma_wait3A_29 : memref<6272xf32, #tpu.memory_space<vmem_shared>>) dst(%dma_wait3A_28 : memref<6272xf32, #tpu.memory_space<hbm>>)
      tpu.yield
    }) : () -> ()
    return
  }
}

#map = affine_map<(d0, d1) -> (0)>
#map1 = affine_map<(d0, d1) -> (0, 0)>
module attributes {stable_mosaic.version = 14 : i64} {
  func.func @_pass1_body(%arg0: i32, %arg1: i32, %arg2: memref<6400000xi32, #tpu.memory_space<hbm>>, %arg3: memref<6400000xi32, #tpu.memory_space<hbm>>, %arg4: memref<6400000xf32, #tpu.memory_space<hbm>>, %arg5: memref<6400000xf32, #tpu.memory_space<hbm>>, %arg6: memref<6400000xf32, #tpu.memory_space<hbm>>, %arg7: memref<100352xf32, #tpu.memory_space<hbm>>, %arg8: memref<100352xf32, #tpu.memory_space<hbm>>, %arg9: memref<100352xf32, #tpu.memory_space<hbm>>, %arg10: memref<2x100352xf32, #tpu.memory_space<hbm>>, %arg11: memref<2x100352xf32, #tpu.memory_space<hbm>>, %arg12: memref<2x100352xf32, #tpu.memory_space<hbm>>, %arg13: memref<2x100352xf32, #tpu.memory_space<hbm>>, %arg14: memref<2x100352xf32, #tpu.memory_space<hbm>>, %arg15: memref<100352xf32, #tpu.memory_space<vmem_shared>>, %arg16: memref<100352xf32, #tpu.memory_space<vmem_shared>>, %arg17: memref<100352xf32, #tpu.memory_space<vmem_shared>>, %arg18: memref<100352xf32, #tpu.memory_space<vmem_shared>>, %arg19: memref<100352xf32, #tpu.memory_space<vmem_shared>>, %arg20: memref<100352xf32, #tpu.memory_space<vmem_shared>>, %arg21: memref<100352xf32, #tpu.memory_space<vmem_shared>>, %arg22: memref<6272xf32, #tpu.memory_space<vmem>>, %arg23: memref<6272xf32, #tpu.memory_space<vmem>>, %arg24: memref<6272xf32, #tpu.memory_space<vmem>>, %arg25: memref<6272xf32, #tpu.memory_space<vmem>>, %arg26: memref<6272xf32, #tpu.memory_space<vmem>>, %arg27: memref<2000xf32, #tpu.memory_space<vmem>>, %arg28: memref<2000xf32, #tpu.memory_space<vmem>>, %arg29: memref<2000xf32, #tpu.memory_space<vmem>>, %arg30: memref<2000xf32, #tpu.memory_space<vmem>>, %arg31: memref<2000xf32, #tpu.memory_space<vmem>>, %arg32: memref<2000xf32, #tpu.memory_space<vmem>>, %arg33: memref<2000xf32, #tpu.memory_space<vmem>>, %arg34: memref<2000xf32, #tpu.memory_space<vmem>>, %arg35: memref<2000xi32, #tpu.memory_space<vmem>>, %arg36: memref<2000xi32, #tpu.memory_space<vmem>>, %arg37: memref<2000xf32, #tpu.memory_space<vmem>>, %arg38: memref<2000xf32, #tpu.memory_space<vmem>>, %arg39: memref<2000xf32, #tpu.memory_space<vmem>>, %arg40: memref<2000xf32, #tpu.memory_space<vmem>>, %arg41: memref<2000xf32, #tpu.memory_space<vmem>>, %arg42: memref<2000xf32, #tpu.memory_space<vmem>>, %arg43: memref<2000xf32, #tpu.memory_space<vmem>>, %arg44: memref<2000xf32, #tpu.memory_space<vmem>>, %arg45: memref<2000xf32, #tpu.memory_space<vmem>>, %arg46: memref<2000xi32, #tpu.memory_space<vmem>>, %arg47: memref<2000xi32, #tpu.memory_space<vmem>>, %arg48: memref<2000xf32, #tpu.memory_space<vmem>>, %arg49: memref<2000xf32, #tpu.memory_space<vmem>>, %arg50: memref<!tpu.dma_semaphore, #tpu.memory_space<semaphore_mem>>, %arg51: memref<!tpu.dma_semaphore, #tpu.memory_space<semaphore_mem>>, %arg52: memref<!tpu.dma_semaphore, #tpu.memory_space<semaphore_mem>>, %arg53: memref<!tpu.dma_semaphore, #tpu.memory_space<semaphore_mem>>, %arg54: memref<!tpu.dma_semaphore, #tpu.memory_space<semaphore_mem>>, %arg55: memref<!tpu.dma_semaphore, #tpu.memory_space<semaphore_mem>>) attributes {dimension_semantics = [#tpu.dimension_semantics<core_parallel>, #tpu.dimension_semantics<subcore_parallel>], iteration_bounds = array<i64: 2, 16>, scalar_prefetch = 0 : i64, scratch_operands = 41 : i64, tpu.core_type = #tpu.core_type<sc_vector_subcore>, window_params = [{transform_indices = #map}, {transform_indices = #map}, {transform_indices = #map}, {transform_indices = #map}, {transform_indices = #map}, {transform_indices = #map}, {transform_indices = #map}, {transform_indices = #map}, {transform_indices = #map1}, {transform_indices = #map1}, {transform_indices = #map1}, {transform_indices = #map1}, {transform_indices = #map1}]} {
    %mul3A = arith.constant 6272 : i32
    %mul3A_0 = arith.muli %arg1, %mul3A : i32
    "tpu.region"() ({
      %run_scoped3A = tpu.sem_alloc : memref<!tpu.dma_semaphore, #tpu.memory_space<semaphore_mem>>
      %dma_start3A = tpu.memref_slice %arg7[%mul3A_0] : memref<100352xf32, #tpu.memory_space<hbm>> -> memref<6272xf32, #tpu.memory_space<hbm>>
      %dma_start3A_23 = tpu.memref_slice %arg7[%mul3A_0] : memref<100352xf32, #tpu.memory_space<hbm>> -> memref<6272xf32, #tpu.memory_space<hbm>>
      tpu.enqueue_dma source(%dma_start3A_23 : memref<6272xf32, #tpu.memory_space<hbm>>) target(%arg22 : memref<6272xf32, #tpu.memory_space<vmem>>) target_semaphore(%run_scoped3A : memref<!tpu.dma_semaphore, #tpu.memory_space<semaphore_mem>>)
      %dma_wait3A = tpu.memref_slice %arg7[%mul3A_0] : memref<100352xf32, #tpu.memory_space<hbm>> -> memref<6272xf32, #tpu.memory_space<hbm>>
      %dma_wait3A_24 = tpu.memref_slice %arg7[%mul3A_0] : memref<100352xf32, #tpu.memory_space<hbm>> -> memref<6272xf32, #tpu.memory_space<hbm>>
      tpu.wait_dma2 semaphore(%run_scoped3A : memref<!tpu.dma_semaphore, #tpu.memory_space<semaphore_mem>>) src(%dma_wait3A_24 : memref<6272xf32, #tpu.memory_space<hbm>>) dst(%arg22 : memref<6272xf32, #tpu.memory_space<vmem>>)
      tpu.yield
    }) : () -> ()
    "tpu.region"() ({
      %run_scoped3A = tpu.sem_alloc : memref<!tpu.dma_semaphore, #tpu.memory_space<semaphore_mem>>
      %dma_start3A = tpu.memref_slice %arg8[%mul3A_0] : memref<100352xf32, #tpu.memory_space<hbm>> -> memref<6272xf32, #tpu.memory_space<hbm>>
      %dma_start3A_23 = tpu.memref_slice %arg8[%mul3A_0] : memref<100352xf32, #tpu.memory_space<hbm>> -> memref<6272xf32, #tpu.memory_space<hbm>>
      tpu.enqueue_dma source(%dma_start3A_23 : memref<6272xf32, #tpu.memory_space<hbm>>) target(%arg23 : memref<6272xf32, #tpu.memory_space<vmem>>) target_semaphore(%run_scoped3A : memref<!tpu.dma_semaphore, #tpu.memory_space<semaphore_mem>>)
      %dma_wait3A = tpu.memref_slice %arg8[%mul3A_0] : memref<100352xf32, #tpu.memory_space<hbm>> -> memref<6272xf32, #tpu.memory_space<hbm>>
      %dma_wait3A_24 = tpu.memref_slice %arg8[%mul3A_0] : memref<100352xf32, #tpu.memory_space<hbm>> -> memref<6272xf32, #tpu.memory_space<hbm>>
      tpu.wait_dma2 semaphore(%run_scoped3A : memref<!tpu.dma_semaphore, #tpu.memory_space<semaphore_mem>>) src(%dma_wait3A_24 : memref<6272xf32, #tpu.memory_space<hbm>>) dst(%arg23 : memref<6272xf32, #tpu.memory_space<vmem>>)
      tpu.yield
    }) : () -> ()
    "tpu.region"() ({
      %run_scoped3A = tpu.sem_alloc : memref<!tpu.dma_semaphore, #tpu.memory_space<semaphore_mem>>
      %dma_start3A = tpu.memref_slice %arg9[%mul3A_0] : memref<100352xf32, #tpu.memory_space<hbm>> -> memref<6272xf32, #tpu.memory_space<hbm>>
      %dma_start3A_23 = tpu.memref_slice %arg9[%mul3A_0] : memref<100352xf32, #tpu.memory_space<hbm>> -> memref<6272xf32, #tpu.memory_space<hbm>>
      tpu.enqueue_dma source(%dma_start3A_23 : memref<6272xf32, #tpu.memory_space<hbm>>) target(%arg24 : memref<6272xf32, #tpu.memory_space<vmem>>) target_semaphore(%run_scoped3A : memref<!tpu.dma_semaphore, #tpu.memory_space<semaphore_mem>>)
      %dma_wait3A = tpu.memref_slice %arg9[%mul3A_0] : memref<100352xf32, #tpu.memory_space<hbm>> -> memref<6272xf32, #tpu.memory_space<hbm>>
      %dma_wait3A_24 = tpu.memref_slice %arg9[%mul3A_0] : memref<100352xf32, #tpu.memory_space<hbm>> -> memref<6272xf32, #tpu.memory_space<hbm>>
      tpu.wait_dma2 semaphore(%run_scoped3A : memref<!tpu.dma_semaphore, #tpu.memory_space<semaphore_mem>>) src(%dma_wait3A_24 : memref<6272xf32, #tpu.memory_space<hbm>>) dst(%arg24 : memref<6272xf32, #tpu.memory_space<vmem>>)
      tpu.yield
    }) : () -> ()
    %broadcast_in_dim3A = arith.constant 0.000000e+00 : f32
    %broadcast_in_dim3A_1 = vector.broadcast %broadcast_in_dim3A : f32 to vector<16xf32>
    %scan3A = arith.constant 0 : i32
    %scan3A_2 = arith.constant 392 : i32
    %scan3A_3 = arith.addi %scan3A, %scan3A_2 : i32
    %scan3A_4 = arith.constant 1 : i32
    scf.for %scan3A_23 = %scan3A to %scan3A_3 step %scan3A_4  : i32 {
      %mul3A_24 = arith.constant 16 : i32
      %mul3A_25 = arith.muli %scan3A_23, %mul3A_24 : i32
      %get3A = arith.index_cast %mul3A_25 : i32 to index
      %get3A_26 = tpu.vector_load %arg22[%get3A] {strides = array<i32>} : memref<6272xf32, #tpu.memory_space<vmem>>, vector<16xf32>,
      %get3A_27 = vector.shape_cast %get3A_26 : vector<16xf32> to vector<16xf32>
      %get3A_28 = arith.index_cast %mul3A_25 : i32 to index
      %get3A_29 = tpu.vector_load %arg23[%get3A_28] {strides = array<i32>} : memref<6272xf32, #tpu.memory_space<vmem>>, vector<16xf32>,
      %get3A_30 = vector.shape_cast %get3A_29 : vector<16xf32> to vector<16xf32>
      %div3A = arith.divf %get3A_27, %get3A_30 : vector<16xf32>
      %swap3A = arith.index_cast %mul3A_25 : i32 to index
      %swap3A_31 = tpu.vector_load %arg25[%swap3A] {strides = array<i32>} : memref<6272xf32, #tpu.memory_space<vmem>>, vector<16xf32>,
      %swap3A_32 = vector.shape_cast %swap3A_31 : vector<16xf32> to vector<16xf32>
      %swap3A_33 = vector.shape_cast %div3A : vector<16xf32> to vector<16xf32>
      tpu.vector_store %arg25[%swap3A], %swap3A_33 {strides = array<i32>} : memref<6272xf32, #tpu.memory_space<vmem>>, vector<16xf32>,
      %get3A_34 = arith.index_cast %mul3A_25 : i32 to index
      %get3A_35 = tpu.vector_load %arg24[%get3A_34] {strides = array<i32>} : memref<6272xf32, #tpu.memory_space<vmem>>, vector<16xf32>,
      %get3A_36 = vector.shape_cast %get3A_35 : vector<16xf32> to vector<16xf32>
      %mul3A_37 = arith.mulf %get3A_27, %get3A_36 : vector<16xf32>
      %swap3A_38 = arith.index_cast %mul3A_25 : i32 to index
      %swap3A_39 = tpu.vector_load %arg26[%swap3A_38] {strides = array<i32>} : memref<6272xf32, #tpu.memory_space<vmem>>, vector<16xf32>,
      %swap3A_40 = vector.shape_cast %swap3A_39 : vector<16xf32> to vector<16xf32>
      %swap3A_41 = vector.shape_cast %mul3A_37 : vector<16xf32> to vector<16xf32>
      tpu.vector_store %arg26[%swap3A_38], %swap3A_41 {strides = array<i32>} : memref<6272xf32, #tpu.memory_space<vmem>>, vector<16xf32>,
      %swap3A_42 = arith.index_cast %mul3A_25 : i32 to index
      %swap3A_43 = tpu.vector_load %arg22[%swap3A_42] {strides = array<i32>} : memref<6272xf32, #tpu.memory_space<vmem>>, vector<16xf32>,
      %swap3A_44 = vector.shape_cast %swap3A_43 : vector<16xf32> to vector<16xf32>
      %swap3A_45 = vector.shape_cast %broadcast_in_dim3A_1 : vector<16xf32> to vector<16xf32>
      tpu.vector_store %arg22[%swap3A_42], %swap3A_45 {strides = array<i32>} : memref<6272xf32, #tpu.memory_space<vmem>>, vector<16xf32>,
    }
    %scan3A_5 = arith.constant 392 : i32
    "tpu.region"() ({
      %run_scoped3A = tpu.sem_alloc : memref<!tpu.dma_semaphore, #tpu.memory_space<semaphore_mem>>
      %dma_start3A = tpu.memref_slice %arg15[%mul3A_0] : memref<100352xf32, #tpu.memory_space<vmem_shared>> -> memref<6272xf32, #tpu.memory_space<vmem_shared>>
      %dma_start3A_23 = tpu.memref_slice %arg15[%mul3A_0] : memref<100352xf32, #tpu.memory_space<vmem_shared>> -> memref<6272xf32, #tpu.memory_space<vmem_shared>>
      tpu.enqueue_dma source(%arg25 : memref<6272xf32, #tpu.memory_space<vmem>>) target(%dma_start3A_23 : memref<6272xf32, #tpu.memory_space<vmem_shared>>) target_semaphore(%run_scoped3A : memref<!tpu.dma_semaphore, #tpu.memory_space<semaphore_mem>>)
      %dma_wait3A = tpu.memref_slice %arg15[%mul3A_0] : memref<100352xf32, #tpu.memory_space<vmem_shared>> -> memref<6272xf32, #tpu.memory_space<vmem_shared>>
      %dma_wait3A_24 = tpu.memref_slice %arg15[%mul3A_0] : memref<100352xf32, #tpu.memory_space<vmem_shared>> -> memref<6272xf32, #tpu.memory_space<vmem_shared>>
      tpu.wait_dma2 semaphore(%run_scoped3A : memref<!tpu.dma_semaphore, #tpu.memory_space<semaphore_mem>>) src(%arg25 : memref<6272xf32, #tpu.memory_space<vmem>>) dst(%dma_wait3A_24 : memref<6272xf32, #tpu.memory_space<vmem_shared>>)
      tpu.yield
    }) : () -> ()
    "tpu.region"() ({
      %run_scoped3A = tpu.sem_alloc : memref<!tpu.dma_semaphore, #tpu.memory_space<semaphore_mem>>
      %dma_start3A = tpu.memref_slice %arg16[%mul3A_0] : memref<100352xf32, #tpu.memory_space<vmem_shared>> -> memref<6272xf32, #tpu.memory_space<vmem_shared>>
      %dma_start3A_23 = tpu.memref_slice %arg16[%mul3A_0] : memref<100352xf32, #tpu.memory_space<vmem_shared>> -> memref<6272xf32, #tpu.memory_space<vmem_shared>>
      tpu.enqueue_dma source(%arg26 : memref<6272xf32, #tpu.memory_space<vmem>>) target(%dma_start3A_23 : memref<6272xf32, #tpu.memory_space<vmem_shared>>) target_semaphore(%run_scoped3A : memref<!tpu.dma_semaphore, #tpu.memory_space<semaphore_mem>>)
      %dma_wait3A = tpu.memref_slice %arg16[%mul3A_0] : memref<100352xf32, #tpu.memory_space<vmem_shared>> -> memref<6272xf32, #tpu.memory_space<vmem_shared>>
      %dma_wait3A_24 = tpu.memref_slice %arg16[%mul3A_0] : memref<100352xf32, #tpu.memory_space<vmem_shared>> -> memref<6272xf32, #tpu.memory_space<vmem_shared>>
      tpu.wait_dma2 semaphore(%run_scoped3A : memref<!tpu.dma_semaphore, #tpu.memory_space<semaphore_mem>>) src(%arg26 : memref<6272xf32, #tpu.memory_space<vmem>>) dst(%dma_wait3A_24 : memref<6272xf32, #tpu.memory_space<vmem_shared>>)
      tpu.yield
    }) : () -> ()
    "tpu.region"() ({
      %run_scoped3A = tpu.sem_alloc : memref<!tpu.dma_semaphore, #tpu.memory_space<semaphore_mem>>
      %dma_start3A = tpu.memref_slice %arg17[%mul3A_0] : memref<100352xf32, #tpu.memory_space<vmem_shared>> -> memref<6272xf32, #tpu.memory_space<vmem_shared>>
      %dma_start3A_23 = tpu.memref_slice %arg17[%mul3A_0] : memref<100352xf32, #tpu.memory_space<vmem_shared>> -> memref<6272xf32, #tpu.memory_space<vmem_shared>>
      tpu.enqueue_dma source(%arg22 : memref<6272xf32, #tpu.memory_space<vmem>>) target(%dma_start3A_23 : memref<6272xf32, #tpu.memory_space<vmem_shared>>) target_semaphore(%run_scoped3A : memref<!tpu.dma_semaphore, #tpu.memory_space<semaphore_mem>>)
      %dma_wait3A = tpu.memref_slice %arg17[%mul3A_0] : memref<100352xf32, #tpu.memory_space<vmem_shared>> -> memref<6272xf32, #tpu.memory_space<vmem_shared>>
      %dma_wait3A_24 = tpu.memref_slice %arg17[%mul3A_0] : memref<100352xf32, #tpu.memory_space<vmem_shared>> -> memref<6272xf32, #tpu.memory_space<vmem_shared>>
      tpu.wait_dma2 semaphore(%run_scoped3A : memref<!tpu.dma_semaphore, #tpu.memory_space<semaphore_mem>>) src(%arg22 : memref<6272xf32, #tpu.memory_space<vmem>>) dst(%dma_wait3A_24 : memref<6272xf32, #tpu.memory_space<vmem_shared>>)
      tpu.yield
    }) : () -> ()
    "tpu.region"() ({
      %run_scoped3A = tpu.sem_alloc : memref<!tpu.dma_semaphore, #tpu.memory_space<semaphore_mem>>
      %dma_start3A = tpu.memref_slice %arg18[%mul3A_0] : memref<100352xf32, #tpu.memory_space<vmem_shared>> -> memref<6272xf32, #tpu.memory_space<vmem_shared>>
      %dma_start3A_23 = tpu.memref_slice %arg18[%mul3A_0] : memref<100352xf32, #tpu.memory_space<vmem_shared>> -> memref<6272xf32, #tpu.memory_space<vmem_shared>>
      tpu.enqueue_dma source(%arg22 : memref<6272xf32, #tpu.memory_space<vmem>>) target(%dma_start3A_23 : memref<6272xf32, #tpu.memory_space<vmem_shared>>) target_semaphore(%run_scoped3A : memref<!tpu.dma_semaphore, #tpu.memory_space<semaphore_mem>>)
      %dma_wait3A = tpu.memref_slice %arg18[%mul3A_0] : memref<100352xf32, #tpu.memory_space<vmem_shared>> -> memref<6272xf32, #tpu.memory_space<vmem_shared>>
      %dma_wait3A_24 = tpu.memref_slice %arg18[%mul3A_0] : memref<100352xf32, #tpu.memory_space<vmem_shared>> -> memref<6272xf32, #tpu.memory_space<vmem_shared>>
      tpu.wait_dma2 semaphore(%run_scoped3A : memref<!tpu.dma_semaphore, #tpu.memory_space<semaphore_mem>>) src(%arg22 : memref<6272xf32, #tpu.memory_space<vmem>>) dst(%dma_wait3A_24 : memref<6272xf32, #tpu.memory_space<vmem_shared>>)
      tpu.yield
    }) : () -> ()
    "tpu.region"() ({
      %run_scoped3A = tpu.sem_alloc : memref<!tpu.dma_semaphore, #tpu.memory_space<semaphore_mem>>
      %dma_start3A = tpu.memref_slice %arg19[%mul3A_0] : memref<100352xf32, #tpu.memory_space<vmem_shared>> -> memref<6272xf32, #tpu.memory_space<vmem_shared>>
      %dma_start3A_23 = tpu.memref_slice %arg19[%mul3A_0] : memref<100352xf32, #tpu.memory_space<vmem_shared>> -> memref<6272xf32, #tpu.memory_space<vmem_shared>>
      tpu.enqueue_dma source(%arg22 : memref<6272xf32, #tpu.memory_space<vmem>>) target(%dma_start3A_23 : memref<6272xf32, #tpu.memory_space<vmem_shared>>) target_semaphore(%run_scoped3A : memref<!tpu.dma_semaphore, #tpu.memory_space<semaphore_mem>>)
      %dma_wait3A = tpu.memref_slice %arg19[%mul3A_0] : memref<100352xf32, #tpu.memory_space<vmem_shared>> -> memref<6272xf32, #tpu.memory_space<vmem_shared>>
      %dma_wait3A_24 = tpu.memref_slice %arg19[%mul3A_0] : memref<100352xf32, #tpu.memory_space<vmem_shared>> -> memref<6272xf32, #tpu.memory_space<vmem_shared>>
      tpu.wait_dma2 semaphore(%run_scoped3A : memref<!tpu.dma_semaphore, #tpu.memory_space<semaphore_mem>>) src(%arg22 : memref<6272xf32, #tpu.memory_space<vmem>>) dst(%dma_wait3A_24 : memref<6272xf32, #tpu.memory_space<vmem_shared>>)
      tpu.yield
    }) : () -> ()
    "tpu.region"() ({
      %run_scoped3A = tpu.sem_alloc : memref<!tpu.dma_semaphore, #tpu.memory_space<semaphore_mem>>
      %dma_start3A = tpu.memref_slice %arg20[%mul3A_0] : memref<100352xf32, #tpu.memory_space<vmem_shared>> -> memref<6272xf32, #tpu.memory_space<vmem_shared>>
      %dma_start3A_23 = tpu.memref_slice %arg20[%mul3A_0] : memref<100352xf32, #tpu.memory_space<vmem_shared>> -> memref<6272xf32, #tpu.memory_space<vmem_shared>>
      tpu.enqueue_dma source(%arg22 : memref<6272xf32, #tpu.memory_space<vmem>>) target(%dma_start3A_23 : memref<6272xf32, #tpu.memory_space<vmem_shared>>) target_semaphore(%run_scoped3A : memref<!tpu.dma_semaphore, #tpu.memory_space<semaphore_mem>>)
      %dma_wait3A = tpu.memref_slice %arg20[%mul3A_0] : memref<100352xf32, #tpu.memory_space<vmem_shared>> -> memref<6272xf32, #tpu.memory_space<vmem_shared>>
      %dma_wait3A_24 = tpu.memref_slice %arg20[%mul3A_0] : memref<100352xf32, #tpu.memory_space<vmem_shared>> -> memref<6272xf32, #tpu.memory_space<vmem_shared>>
      tpu.wait_dma2 semaphore(%run_scoped3A : memref<!tpu.dma_semaphore, #tpu.memory_space<semaphore_mem>>) src(%arg22 : memref<6272xf32, #tpu.memory_space<vmem>>) dst(%dma_wait3A_24 : memref<6272xf32, #tpu.memory_space<vmem_shared>>)
      tpu.yield
    }) : () -> ()
    "tpu.region"() ({
      %run_scoped3A = tpu.sem_alloc : memref<!tpu.dma_semaphore, #tpu.memory_space<semaphore_mem>>
      %dma_start3A = tpu.memref_slice %arg21[%mul3A_0] : memref<100352xf32, #tpu.memory_space<vmem_shared>> -> memref<6272xf32, #tpu.memory_space<vmem_shared>>
      %dma_start3A_23 = tpu.memref_slice %arg21[%mul3A_0] : memref<100352xf32, #tpu.memory_space<vmem_shared>> -> memref<6272xf32, #tpu.memory_space<vmem_shared>>
      tpu.enqueue_dma source(%arg22 : memref<6272xf32, #tpu.memory_space<vmem>>) target(%dma_start3A_23 : memref<6272xf32, #tpu.memory_space<vmem_shared>>) target_semaphore(%run_scoped3A : memref<!tpu.dma_semaphore, #tpu.memory_space<semaphore_mem>>)
      %dma_wait3A = tpu.memref_slice %arg21[%mul3A_0] : memref<100352xf32, #tpu.memory_space<vmem_shared>> -> memref<6272xf32, #tpu.memory_space<vmem_shared>>
      %dma_wait3A_24 = tpu.memref_slice %arg21[%mul3A_0] : memref<100352xf32, #tpu.memory_space<vmem_shared>> -> memref<6272xf32, #tpu.memory_space<vmem_shared>>
      tpu.wait_dma2 semaphore(%run_scoped3A : memref<!tpu.dma_semaphore, #tpu.memory_space<semaphore_mem>>) src(%arg22 : memref<6272xf32, #tpu.memory_space<vmem>>) dst(%dma_wait3A_24 : memref<6272xf32, #tpu.memory_space<vmem_shared>>)
      tpu.yield
    }) : () -> ()
    %broadcast_in_dim3A_6 = arith.constant 1.000000e+00 : f32
    %broadcast_in_dim3A_7 = vector.broadcast %broadcast_in_dim3A_6 : f32 to vector<16xf32>
    %scan3A_8 = arith.constant 0 : i32
    %scan3A_9 = arith.constant 125 : i32
    %scan3A_10 = arith.addi %scan3A_8, %scan3A_9 : i32
    %scan3A_11 = arith.constant 1 : i32
    scf.for %scan3A_23 = %scan3A_8 to %scan3A_10 step %scan3A_11  : i32 {
      %mul3A_24 = arith.constant 16 : i32
      %mul3A_25 = arith.muli %scan3A_23, %mul3A_24 : i32
      %swap3A = arith.index_cast %mul3A_25 : i32 to index
      %swap3A_26 = tpu.vector_load %arg49[%swap3A] {strides = array<i32>} : memref<2000xf32, #tpu.memory_space<vmem>>, vector<16xf32>,
      %swap3A_27 = vector.shape_cast %swap3A_26 : vector<16xf32> to vector<16xf32>
      %swap3A_28 = vector.shape_cast %broadcast_in_dim3A_7 : vector<16xf32> to vector<16xf32>
      tpu.vector_store %arg49[%swap3A], %swap3A_28 {strides = array<i32>} : memref<2000xf32, #tpu.memory_space<vmem>>, vector<16xf32>,
    }
    %scan3A_12 = arith.constant 125 : i32
    %barrier3A = arith.constant 0 : index
    tpu.barrier barrier_id(%barrier3A)
    %mul3A_13 = arith.constant 16 : i32
    %mul3A_14 = arith.muli %arg0, %mul3A_13 : i32
    %add3A = arith.addi %mul3A_14, %arg1 : i32
    %mul3A_15 = arith.constant 200000 : i32
    %mul3A_16 = arith.muli %add3A, %mul3A_15 : i32
    %scan3A_17 = arith.constant 0 : i32
    %scan3A_18 = arith.constant 50 : i32
    %scan3A_19 = arith.addi %scan3A_17, %scan3A_18 : i32
    %scan3A_20 = arith.constant 1 : i32
    scf.for %scan3A_23 = %scan3A_17 to %scan3A_19 step %scan3A_20  : i32 {
      %mul3A_24 = arith.constant 4000 : i32
      %mul3A_25 = arith.muli %scan3A_23, %mul3A_24 : i32
      %add3A_26 = arith.addi %mul3A_16, %mul3A_25 : i32
      %multiple_of3A = tpu.assume_multiple %add3A_26, 8 : i32
      %add3A_27 = arith.constant 2000 : i32
      %add3A_28 = arith.addi %multiple_of3A, %add3A_27 : i32
      %multiple_of3A_29 = tpu.assume_multiple %add3A_28, 8 : i32
      %dma_start3A = tpu.memref_slice %arg3[%multiple_of3A] : memref<6400000xi32, #tpu.memory_space<hbm>> -> memref<2000xi32, #tpu.memory_space<hbm>>
      %dma_start3A_30 = tpu.memref_slice %arg3[%multiple_of3A] : memref<6400000xi32, #tpu.memory_space<hbm>> -> memref<2000xi32, #tpu.memory_space<hbm>>
      tpu.enqueue_dma source(%dma_start3A_30 : memref<2000xi32, #tpu.memory_space<hbm>>) target(%arg36 : memref<2000xi32, #tpu.memory_space<vmem>>) target_semaphore(%arg50 : memref<!tpu.dma_semaphore, #tpu.memory_space<semaphore_mem>>)
      %dma_start3A_31 = tpu.memref_slice %arg3[%multiple_of3A_29] : memref<6400000xi32, #tpu.memory_space<hbm>> -> memref<2000xi32, #tpu.memory_space<hbm>>
      %dma_start3A_32 = tpu.memref_slice %arg3[%multiple_of3A_29] : memref<6400000xi32, #tpu.memory_space<hbm>> -> memref<2000xi32, #tpu.memory_space<hbm>>
      tpu.enqueue_dma source(%dma_start3A_32 : memref<2000xi32, #tpu.memory_space<hbm>>) target(%arg47 : memref<2000xi32, #tpu.memory_space<vmem>>) target_semaphore(%arg51 : memref<!tpu.dma_semaphore, #tpu.memory_space<semaphore_mem>>)
      %dma_start3A_33 = tpu.memref_slice %arg2[%multiple_of3A] : memref<6400000xi32, #tpu.memory_space<hbm>> -> memref<2000xi32, #tpu.memory_space<hbm>>
      %dma_start3A_34 = tpu.memref_slice %arg2[%multiple_of3A] : memref<6400000xi32, #tpu.memory_space<hbm>> -> memref<2000xi32, #tpu.memory_space<hbm>>
      tpu.enqueue_dma source(%dma_start3A_34 : memref<2000xi32, #tpu.memory_space<hbm>>) target(%arg35 : memref<2000xi32, #tpu.memory_space<vmem>>) target_semaphore(%arg52 : memref<!tpu.dma_semaphore, #tpu.memory_space<semaphore_mem>>)
      %dma_start3A_35 = tpu.memref_slice %arg4[%multiple_of3A] : memref<6400000xf32, #tpu.memory_space<hbm>> -> memref<2000xf32, #tpu.memory_space<hbm>>
      %dma_start3A_36 = tpu.memref_slice %arg4[%multiple_of3A] : memref<6400000xf32, #tpu.memory_space<hbm>> -> memref<2000xf32, #tpu.memory_space<hbm>>
      tpu.enqueue_dma source(%dma_start3A_36 : memref<2000xf32, #tpu.memory_space<hbm>>) target(%arg37 : memref<2000xf32, #tpu.memory_space<vmem>>) target_semaphore(%arg52 : memref<!tpu.dma_semaphore, #tpu.memory_space<semaphore_mem>>)
      %dma_start3A_37 = tpu.memref_slice %arg5[%multiple_of3A] : memref<6400000xf32, #tpu.memory_space<hbm>> -> memref<2000xf32, #tpu.memory_space<hbm>>
      %dma_start3A_38 = tpu.memref_slice %arg5[%multiple_of3A] : memref<6400000xf32, #tpu.memory_space<hbm>> -> memref<2000xf32, #tpu.memory_space<hbm>>
      tpu.enqueue_dma source(%dma_start3A_38 : memref<2000xf32, #tpu.memory_space<hbm>>) target(%arg31 : memref<2000xf32, #tpu.memory_space<vmem>>) target_semaphore(%arg52 : memref<!tpu.dma_semaphore, #tpu.memory_space<semaphore_mem>>)
      %dma_start3A_39 = tpu.memref_slice %arg6[%multiple_of3A] : memref<6400000xf32, #tpu.memory_space<hbm>> -> memref<2000xf32, #tpu.memory_space<hbm>>
      %dma_start3A_40 = tpu.memref_slice %arg6[%multiple_of3A] : memref<6400000xf32, #tpu.memory_space<hbm>> -> memref<2000xf32, #tpu.memory_space<hbm>>
      tpu.enqueue_dma source(%dma_start3A_40 : memref<2000xf32, #tpu.memory_space<hbm>>) target(%arg32 : memref<2000xf32, #tpu.memory_space<vmem>>) target_semaphore(%arg52 : memref<!tpu.dma_semaphore, #tpu.memory_space<semaphore_mem>>)
      %dma_start3A_41 = tpu.memref_slice %arg2[%multiple_of3A_29] : memref<6400000xi32, #tpu.memory_space<hbm>> -> memref<2000xi32, #tpu.memory_space<hbm>>
      %dma_start3A_42 = tpu.memref_slice %arg2[%multiple_of3A_29] : memref<6400000xi32, #tpu.memory_space<hbm>> -> memref<2000xi32, #tpu.memory_space<hbm>>
      tpu.enqueue_dma source(%dma_start3A_42 : memref<2000xi32, #tpu.memory_space<hbm>>) target(%arg46 : memref<2000xi32, #tpu.memory_space<vmem>>) target_semaphore(%arg52 : memref<!tpu.dma_semaphore, #tpu.memory_space<semaphore_mem>>)
      %dma_start3A_43 = tpu.memref_slice %arg4[%multiple_of3A_29] : memref<6400000xf32, #tpu.memory_space<hbm>> -> memref<2000xf32, #tpu.memory_space<hbm>>
      %dma_start3A_44 = tpu.memref_slice %arg4[%multiple_of3A_29] : memref<6400000xf32, #tpu.memory_space<hbm>> -> memref<2000xf32, #tpu.memory_space<hbm>>
      tpu.enqueue_dma source(%dma_start3A_44 : memref<2000xf32, #tpu.memory_space<hbm>>) target(%arg48 : memref<2000xf32, #tpu.memory_space<vmem>>) target_semaphore(%arg52 : memref<!tpu.dma_semaphore, #tpu.memory_space<semaphore_mem>>)
      %dma_start3A_45 = tpu.memref_slice %arg5[%multiple_of3A_29] : memref<6400000xf32, #tpu.memory_space<hbm>> -> memref<2000xf32, #tpu.memory_space<hbm>>
      %dma_start3A_46 = tpu.memref_slice %arg5[%multiple_of3A_29] : memref<6400000xf32, #tpu.memory_space<hbm>> -> memref<2000xf32, #tpu.memory_space<hbm>>
      tpu.enqueue_dma source(%dma_start3A_46 : memref<2000xf32, #tpu.memory_space<hbm>>) target(%arg42 : memref<2000xf32, #tpu.memory_space<vmem>>) target_semaphore(%arg52 : memref<!tpu.dma_semaphore, #tpu.memory_space<semaphore_mem>>)
      %dma_start3A_47 = tpu.memref_slice %arg6[%multiple_of3A_29] : memref<6400000xf32, #tpu.memory_space<hbm>> -> memref<2000xf32, #tpu.memory_space<hbm>>
      %dma_start3A_48 = tpu.memref_slice %arg6[%multiple_of3A_29] : memref<6400000xf32, #tpu.memory_space<hbm>> -> memref<2000xf32, #tpu.memory_space<hbm>>
      tpu.enqueue_dma source(%dma_start3A_48 : memref<2000xf32, #tpu.memory_space<hbm>>) target(%arg43 : memref<2000xf32, #tpu.memory_space<vmem>>) target_semaphore(%arg52 : memref<!tpu.dma_semaphore, #tpu.memory_space<semaphore_mem>>)
      %dma_wait3A = tpu.memref_slice %arg3[%multiple_of3A] : memref<6400000xi32, #tpu.memory_space<hbm>> -> memref<2000xi32, #tpu.memory_space<hbm>>
      %dma_wait3A_49 = tpu.memref_slice %arg3[%multiple_of3A] : memref<6400000xi32, #tpu.memory_space<hbm>> -> memref<2000xi32, #tpu.memory_space<hbm>>
      tpu.wait_dma2 semaphore(%arg50 : memref<!tpu.dma_semaphore, #tpu.memory_space<semaphore_mem>>) src(%dma_wait3A_49 : memref<2000xi32, #tpu.memory_space<hbm>>) dst(%arg36 : memref<2000xi32, #tpu.memory_space<vmem>>)
      %dma_start3A_50 = arith.constant 0 : i32
      %dma_start3A_51 = tpu.memref_slice %arg15[%dma_start3A_50] : memref<100352xf32, #tpu.memory_space<vmem_shared>> -> memref<100352xf32, #tpu.memory_space<vmem_shared>>
      tpu.enqueue_indirect_dma source(%dma_start3A_51 : memref<100352xf32, #tpu.memory_space<vmem_shared>>) target(%arg34 : memref<2000xf32, #tpu.memory_space<vmem>>) offsets(%arg36 : memref<2000xi32, #tpu.memory_space<vmem>>) semaphore(%arg53 : memref<!tpu.dma_semaphore, #tpu.memory_space<semaphore_mem>>)
      %dma_start3A_52 = arith.constant 0 : i32
      %dma_start3A_53 = tpu.memref_slice %arg16[%dma_start3A_52] : memref<100352xf32, #tpu.memory_space<vmem_shared>> -> memref<100352xf32, #tpu.memory_space<vmem_shared>>
      tpu.enqueue_indirect_dma source(%dma_start3A_53 : memref<100352xf32, #tpu.memory_space<vmem_shared>>) target(%arg33 : memref<2000xf32, #tpu.memory_space<vmem>>) offsets(%arg36 : memref<2000xi32, #tpu.memory_space<vmem>>) semaphore(%arg53 : memref<!tpu.dma_semaphore, #tpu.memory_space<semaphore_mem>>)
      %dma_wait3A_54 = tpu.memref_slice %arg3[%multiple_of3A_29] : memref<6400000xi32, #tpu.memory_space<hbm>> -> memref<2000xi32, #tpu.memory_space<hbm>>
      %dma_wait3A_55 = tpu.memref_slice %arg3[%multiple_of3A_29] : memref<6400000xi32, #tpu.memory_space<hbm>> -> memref<2000xi32, #tpu.memory_space<hbm>>
      tpu.wait_dma2 semaphore(%arg51 : memref<!tpu.dma_semaphore, #tpu.memory_space<semaphore_mem>>) src(%dma_wait3A_55 : memref<2000xi32, #tpu.memory_space<hbm>>) dst(%arg47 : memref<2000xi32, #tpu.memory_space<vmem>>)
      %dma_start3A_56 = arith.constant 0 : i32
      %dma_start3A_57 = tpu.memref_slice %arg15[%dma_start3A_56] : memref<100352xf32, #tpu.memory_space<vmem_shared>> -> memref<100352xf32, #tpu.memory_space<vmem_shared>>
      tpu.enqueue_indirect_dma source(%dma_start3A_57 : memref<100352xf32, #tpu.memory_space<vmem_shared>>) target(%arg45 : memref<2000xf32, #tpu.memory_space<vmem>>) offsets(%arg47 : memref<2000xi32, #tpu.memory_space<vmem>>) semaphore(%arg54 : memref<!tpu.dma_semaphore, #tpu.memory_space<semaphore_mem>>)
      %dma_start3A_58 = arith.constant 0 : i32
      %dma_start3A_59 = tpu.memref_slice %arg16[%dma_start3A_58] : memref<100352xf32, #tpu.memory_space<vmem_shared>> -> memref<100352xf32, #tpu.memory_space<vmem_shared>>
      tpu.enqueue_indirect_dma source(%dma_start3A_59 : memref<100352xf32, #tpu.memory_space<vmem_shared>>) target(%arg44 : memref<2000xf32, #tpu.memory_space<vmem>>) offsets(%arg47 : memref<2000xi32, #tpu.memory_space<vmem>>) semaphore(%arg54 : memref<!tpu.dma_semaphore, #tpu.memory_space<semaphore_mem>>)
      %dma_wait3A_60 = tpu.memref_slice %arg2[%multiple_of3A] : memref<6400000xi32, #tpu.memory_space<hbm>> -> memref<2000xi32, #tpu.memory_space<hbm>>
      %dma_wait3A_61 = tpu.memref_slice %arg2[%multiple_of3A] : memref<6400000xi32, #tpu.memory_space<hbm>> -> memref<2000xi32, #tpu.memory_space<hbm>>
      tpu.wait_dma2 semaphore(%arg52 : memref<!tpu.dma_semaphore, #tpu.memory_space<semaphore_mem>>) src(%dma_wait3A_61 : memref<2000xi32, #tpu.memory_space<hbm>>) dst(%arg35 : memref<2000xi32, #tpu.memory_space<vmem>>)
      %dma_wait3A_62 = tpu.memref_slice %arg4[%multiple_of3A] : memref<6400000xf32, #tpu.memory_space<hbm>> -> memref<2000xf32, #tpu.memory_space<hbm>>
      %dma_wait3A_63 = tpu.memref_slice %arg4[%multiple_of3A] : memref<6400000xf32, #tpu.memory_space<hbm>> -> memref<2000xf32, #tpu.memory_space<hbm>>
      tpu.wait_dma2 semaphore(%arg52 : memref<!tpu.dma_semaphore, #tpu.memory_space<semaphore_mem>>) src(%dma_wait3A_63 : memref<2000xf32, #tpu.memory_space<hbm>>) dst(%arg37 : memref<2000xf32, #tpu.memory_space<vmem>>)
      %dma_wait3A_64 = tpu.memref_slice %arg5[%multiple_of3A] : memref<6400000xf32, #tpu.memory_space<hbm>> -> memref<2000xf32, #tpu.memory_space<hbm>>
      %dma_wait3A_65 = tpu.memref_slice %arg5[%multiple_of3A] : memref<6400000xf32, #tpu.memory_space<hbm>> -> memref<2000xf32, #tpu.memory_space<hbm>>
      tpu.wait_dma2 semaphore(%arg52 : memref<!tpu.dma_semaphore, #tpu.memory_space<semaphore_mem>>) src(%dma_wait3A_65 : memref<2000xf32, #tpu.memory_space<hbm>>) dst(%arg31 : memref<2000xf32, #tpu.memory_space<vmem>>)
      %dma_wait3A_66 = tpu.memref_slice %arg6[%multiple_of3A] : memref<6400000xf32, #tpu.memory_space<hbm>> -> memref<2000xf32, #tpu.memory_space<hbm>>
      %dma_wait3A_67 = tpu.memref_slice %arg6[%multiple_of3A] : memref<6400000xf32, #tpu.memory_space<hbm>> -> memref<2000xf32, #tpu.memory_space<hbm>>
      tpu.wait_dma2 semaphore(%arg52 : memref<!tpu.dma_semaphore, #tpu.memory_space<semaphore_mem>>) src(%dma_wait3A_67 : memref<2000xf32, #tpu.memory_space<hbm>>) dst(%arg32 : memref<2000xf32, #tpu.memory_space<vmem>>)
      %dma_wait3A_68 = tpu.memref_slice %arg2[%multiple_of3A_29] : memref<6400000xi32, #tpu.memory_space<hbm>> -> memref<2000xi32, #tpu.memory_space<hbm>>
      %dma_wait3A_69 = tpu.memref_slice %arg2[%multiple_of3A_29] : memref<6400000xi32, #tpu.memory_space<hbm>> -> memref<2000xi32, #tpu.memory_space<hbm>>
      tpu.wait_dma2 semaphore(%arg52 : memref<!tpu.dma_semaphore, #tpu.memory_space<semaphore_mem>>) src(%dma_wait3A_69 : memref<2000xi32, #tpu.memory_space<hbm>>) dst(%arg46 : memref<2000xi32, #tpu.memory_space<vmem>>)
      %dma_wait3A_70 = tpu.memref_slice %arg4[%multiple_of3A_29] : memref<6400000xf32, #tpu.memory_space<hbm>> -> memref<2000xf32, #tpu.memory_space<hbm>>
      %dma_wait3A_71 = tpu.memref_slice %arg4[%multiple_of3A_29] : memref<6400000xf32, #tpu.memory_space<hbm>> -> memref<2000xf32, #tpu.memory_space<hbm>>
      tpu.wait_dma2 semaphore(%arg52 : memref<!tpu.dma_semaphore, #tpu.memory_space<semaphore_mem>>) src(%dma_wait3A_71 : memref<2000xf32, #tpu.memory_space<hbm>>) dst(%arg48 : memref<2000xf32, #tpu.memory_space<vmem>>)
      %dma_wait3A_72 = tpu.memref_slice %arg5[%multiple_of3A_29] : memref<6400000xf32, #tpu.memory_space<hbm>> -> memref<2000xf32, #tpu.memory_space<hbm>>
      %dma_wait3A_73 = tpu.memref_slice %arg5[%multiple_of3A_29] : memref<6400000xf32, #tpu.memory_space<hbm>> -> memref<2000xf32, #tpu.memory_space<hbm>>
      tpu.wait_dma2 semaphore(%arg52 : memref<!tpu.dma_semaphore, #tpu.memory_space<semaphore_mem>>) src(%dma_wait3A_73 : memref<2000xf32, #tpu.memory_space<hbm>>) dst(%arg42 : memref<2000xf32, #tpu.memory_space<vmem>>)
      %dma_wait3A_74 = tpu.memref_slice %arg6[%multiple_of3A_29] : memref<6400000xf32, #tpu.memory_space<hbm>> -> memref<2000xf32, #tpu.memory_space<hbm>>
      %dma_wait3A_75 = tpu.memref_slice %arg6[%multiple_of3A_29] : memref<6400000xf32, #tpu.memory_space<hbm>> -> memref<2000xf32, #tpu.memory_space<hbm>>
      tpu.wait_dma2 semaphore(%arg52 : memref<!tpu.dma_semaphore, #tpu.memory_space<semaphore_mem>>) src(%dma_wait3A_75 : memref<2000xf32, #tpu.memory_space<hbm>>) dst(%arg43 : memref<2000xf32, #tpu.memory_space<vmem>>)
      %dma_wait3A_76 = arith.constant 0 : i32
      %dma_wait3A_77 = tpu.memref_slice %arg15[%dma_wait3A_76] : memref<100352xf32, #tpu.memory_space<vmem_shared>> -> memref<100352xf32, #tpu.memory_space<vmem_shared>>
      tpu.wait_indirect_dma semaphore(%arg53 : memref<!tpu.dma_semaphore, #tpu.memory_space<semaphore_mem>>) src(%dma_wait3A_77 : memref<100352xf32, #tpu.memory_space<vmem_shared>>) dst(%arg34 : memref<2000xf32, #tpu.memory_space<vmem>>)
      %dma_wait3A_78 = arith.constant 0 : i32
      %dma_wait3A_79 = tpu.memref_slice %arg16[%dma_wait3A_78] : memref<100352xf32, #tpu.memory_space<vmem_shared>> -> memref<100352xf32, #tpu.memory_space<vmem_shared>>
      tpu.wait_indirect_dma semaphore(%arg53 : memref<!tpu.dma_semaphore, #tpu.memory_space<semaphore_mem>>) src(%dma_wait3A_79 : memref<100352xf32, #tpu.memory_space<vmem_shared>>) dst(%arg33 : memref<2000xf32, #tpu.memory_space<vmem>>)
      %scan3A_80 = arith.constant 0 : i32
      %scan3A_81 = arith.constant 125 : i32
      %scan3A_82 = arith.addi %scan3A_80, %scan3A_81 : i32
      %scan3A_83 = arith.constant 1 : i32
      scf.for %scan3A_134 = %scan3A_80 to %scan3A_82 step %scan3A_83  : i32 {
        %mul3A_135 = arith.constant 16 : i32
        %mul3A_136 = arith.muli %scan3A_134, %mul3A_135 : i32
        %get3A = arith.index_cast %mul3A_136 : i32 to index
        %get3A_137 = tpu.vector_load %arg37[%get3A] {strides = array<i32>} : memref<2000xf32, #tpu.memory_space<vmem>>, vector<16xf32>,
        %get3A_138 = vector.shape_cast %get3A_137 : vector<16xf32> to vector<16xf32>
        %get3A_139 = arith.index_cast %mul3A_136 : i32 to index
        %get3A_140 = tpu.vector_load %arg31[%get3A_139] {strides = array<i32>} : memref<2000xf32, #tpu.memory_space<vmem>>, vector<16xf32>,
        %get3A_141 = vector.shape_cast %get3A_140 : vector<16xf32> to vector<16xf32>
        %get3A_142 = arith.index_cast %mul3A_136 : i32 to index
        %get3A_143 = tpu.vector_load %arg32[%get3A_142] {strides = array<i32>} : memref<2000xf32, #tpu.memory_space<vmem>>, vector<16xf32>,
        %get3A_144 = vector.shape_cast %get3A_143 : vector<16xf32> to vector<16xf32>
        %sub3A = arith.constant 1.000000e+00 : f32
        %sub3A_145 = vector.broadcast %sub3A : f32 to vector<16xf32>
        %sub3A_146 = arith.subf %get3A_138, %sub3A_145 : vector<16xf32>
        %mul3A_147 = arith.mulf %sub3A_146, %sub3A_146 : vector<16xf32>
        %mul3A_148 = arith.mulf %mul3A_147, %sub3A_146 : vector<16xf32>
        %mul3A_149 = arith.mulf %get3A_138, %mul3A_148 : vector<16xf32>
        %mul3A_150 = arith.constant 17825.3535 : f32
        %mul3A_151 = vector.broadcast %mul3A_150 : f32 to vector<16xf32>
        %mul3A_152 = arith.mulf %mul3A_149, %mul3A_151 : vector<16xf32>
        %get3A_153 = arith.index_cast %mul3A_136 : i32 to index
        %get3A_154 = tpu.vector_load %arg34[%get3A_153] {strides = array<i32>} : memref<2000xf32, #tpu.memory_space<vmem>>, vector<16xf32>,
        %get3A_155 = vector.shape_cast %get3A_154 : vector<16xf32> to vector<16xf32>
        %mul3A_156 = arith.mulf %mul3A_152, %get3A_155 : vector<16xf32>
        %mul3A_157 = arith.mulf %get3A_138, %get3A_138 : vector<16xf32>
        %mul3A_158 = arith.mulf %mul3A_157, %get3A_138 : vector<16xf32>
        %mul3A_159 = arith.mulf %mul3A_148, %mul3A_158 : vector<16xf32>
        %mul3A_160 = arith.constant 6.400000e+01 : f32
        %mul3A_161 = vector.broadcast %mul3A_160 : f32 to vector<16xf32>
        %mul3A_162 = arith.mulf %mul3A_159, %mul3A_161 : vector<16xf32>
        %le3A = arith.constant 5.000000e-01 : f32
        %le3A_163 = vector.broadcast %le3A : f32 to vector<16xf32>
        %le3A_164 = arith.cmpf ole, %get3A_138, %le3A_163 : vector<16xf32>
        %add3A_165 = arith.addf %mul3A_162, %mul3A_162 : vector<16xf32>
        %add3A_166 = arith.constant 1.000000e+00 : f32
        %add3A_167 = vector.broadcast %add3A_166 : f32 to vector<16xf32>
        %add3A_168 = arith.addf %add3A_165, %add3A_167 : vector<16xf32>
        %select_n3A = arith.select %le3A_164, %add3A_168, %mul3A_162 : vector<16xi1>, vector<16xf32>
        %get3A_169 = arith.index_cast %mul3A_136 : i32 to index
        %get3A_170 = tpu.vector_load %arg33[%get3A_169] {strides = array<i32>} : memref<2000xf32, #tpu.memory_space<vmem>>, vector<16xf32>,
        %get3A_171 = vector.shape_cast %get3A_170 : vector<16xf32> to vector<16xf32>
        %mul3A_172 = arith.constant 1.000000e+00 : f32
        %mul3A_173 = vector.broadcast %mul3A_172 : f32 to vector<16xf32>
        %mul3A_174 = arith.mulf %get3A_171, %mul3A_173 : vector<16xf32>
        %mul3A_175 = arith.mulf %mul3A_174, %select_n3A : vector<16xf32>
        %mul3A_176 = arith.mulf %mul3A_156, %get3A_141 : vector<16xf32>
        %swap3A = arith.index_cast %mul3A_136 : i32 to index
        %swap3A_177 = tpu.vector_load %arg29[%swap3A] {strides = array<i32>} : memref<2000xf32, #tpu.memory_space<vmem>>, vector<16xf32>,
        %swap3A_178 = vector.shape_cast %swap3A_177 : vector<16xf32> to vector<16xf32>
        %swap3A_179 = vector.shape_cast %mul3A_176 : vector<16xf32> to vector<16xf32>
        tpu.vector_store %arg29[%swap3A], %swap3A_179 {strides = array<i32>} : memref<2000xf32, #tpu.memory_space<vmem>>, vector<16xf32>,
        %mul3A_180 = arith.mulf %mul3A_156, %get3A_144 : vector<16xf32>
        %swap3A_181 = arith.index_cast %mul3A_136 : i32 to index
        %swap3A_182 = tpu.vector_load %arg30[%swap3A_181] {strides = array<i32>} : memref<2000xf32, #tpu.memory_space<vmem>>, vector<16xf32>,
        %swap3A_183 = vector.shape_cast %swap3A_182 : vector<16xf32> to vector<16xf32>
        %swap3A_184 = vector.shape_cast %mul3A_180 : vector<16xf32> to vector<16xf32>
        tpu.vector_store %arg30[%swap3A_181], %swap3A_184 {strides = array<i32>} : memref<2000xf32, #tpu.memory_space<vmem>>, vector<16xf32>,
        %mul3A_185 = arith.mulf %mul3A_175, %get3A_141 : vector<16xf32>
        %swap3A_186 = arith.index_cast %mul3A_136 : i32 to index
        %swap3A_187 = tpu.vector_load %arg27[%swap3A_186] {strides = array<i32>} : memref<2000xf32, #tpu.memory_space<vmem>>, vector<16xf32>,
        %swap3A_188 = vector.shape_cast %swap3A_187 : vector<16xf32> to vector<16xf32>
        %swap3A_189 = vector.shape_cast %mul3A_185 : vector<16xf32> to vector<16xf32>
        tpu.vector_store %arg27[%swap3A_186], %swap3A_189 {strides = array<i32>} : memref<2000xf32, #tpu.memory_space<vmem>>, vector<16xf32>,
        %mul3A_190 = arith.mulf %mul3A_175, %get3A_144 : vector<16xf32>
        %swap3A_191 = arith.index_cast %mul3A_136 : i32 to index
        %swap3A_192 = tpu.vector_load %arg28[%swap3A_191] {strides = array<i32>} : memref<2000xf32, #tpu.memory_space<vmem>>, vector<16xf32>,
        %swap3A_193 = vector.shape_cast %swap3A_192 : vector<16xf32> to vector<16xf32>
        %swap3A_194 = vector.shape_cast %mul3A_190 : vector<16xf32> to vector<16xf32>
        tpu.vector_store %arg28[%swap3A_191], %swap3A_194 {strides = array<i32>} : memref<2000xf32, #tpu.memory_space<vmem>>, vector<16xf32>,
      }
      %scan3A_84 = arith.constant 125 : i32
      %dma_start3A_85 = arith.constant 0 : i32
      %dma_start3A_86 = tpu.memref_slice %arg17[%dma_start3A_85] : memref<100352xf32, #tpu.memory_space<vmem_shared>> -> memref<100352xf32, #tpu.memory_space<vmem_shared>>
      tpu.enqueue_indirect_dma source(%arg29 : memref<2000xf32, #tpu.memory_space<vmem>>) target(%dma_start3A_86 : memref<100352xf32, #tpu.memory_space<vmem_shared>>) offsets(%arg35 : memref<2000xi32, #tpu.memory_space<vmem>>) semaphore(%arg55 : memref<!tpu.dma_semaphore, #tpu.memory_space<semaphore_mem>>) {add = true}
      %dma_start3A_87 = arith.constant 0 : i32
      %dma_start3A_88 = tpu.memref_slice %arg18[%dma_start3A_87] : memref<100352xf32, #tpu.memory_space<vmem_shared>> -> memref<100352xf32, #tpu.memory_space<vmem_shared>>
      tpu.enqueue_indirect_dma source(%arg30 : memref<2000xf32, #tpu.memory_space<vmem>>) target(%dma_start3A_88 : memref<100352xf32, #tpu.memory_space<vmem_shared>>) offsets(%arg35 : memref<2000xi32, #tpu.memory_space<vmem>>) semaphore(%arg55 : memref<!tpu.dma_semaphore, #tpu.memory_space<semaphore_mem>>) {add = true}
      %dma_start3A_89 = arith.constant 0 : i32
      %dma_start3A_90 = tpu.memref_slice %arg19[%dma_start3A_89] : memref<100352xf32, #tpu.memory_space<vmem_shared>> -> memref<100352xf32, #tpu.memory_space<vmem_shared>>
      tpu.enqueue_indirect_dma source(%arg27 : memref<2000xf32, #tpu.memory_space<vmem>>) target(%dma_start3A_90 : memref<100352xf32, #tpu.memory_space<vmem_shared>>) offsets(%arg35 : memref<2000xi32, #tpu.memory_space<vmem>>) semaphore(%arg55 : memref<!tpu.dma_semaphore, #tpu.memory_space<semaphore_mem>>) {add = true}
      %dma_start3A_91 = arith.constant 0 : i32
      %dma_start3A_92 = tpu.memref_slice %arg20[%dma_start3A_91] : memref<100352xf32, #tpu.memory_space<vmem_shared>> -> memref<100352xf32, #tpu.memory_space<vmem_shared>>
      tpu.enqueue_indirect_dma source(%arg28 : memref<2000xf32, #tpu.memory_space<vmem>>) target(%dma_start3A_92 : memref<100352xf32, #tpu.memory_space<vmem_shared>>) offsets(%arg35 : memref<2000xi32, #tpu.memory_space<vmem>>) semaphore(%arg55 : memref<!tpu.dma_semaphore, #tpu.memory_space<semaphore_mem>>) {add = true}
      %dma_start3A_93 = arith.constant 0 : i32
      %dma_start3A_94 = tpu.memref_slice %arg21[%dma_start3A_93] : memref<100352xf32, #tpu.memory_space<vmem_shared>> -> memref<100352xf32, #tpu.memory_space<vmem_shared>>
      tpu.enqueue_indirect_dma source(%arg49 : memref<2000xf32, #tpu.memory_space<vmem>>) target(%dma_start3A_94 : memref<100352xf32, #tpu.memory_space<vmem_shared>>) offsets(%arg35 : memref<2000xi32, #tpu.memory_space<vmem>>) semaphore(%arg55 : memref<!tpu.dma_semaphore, #tpu.memory_space<semaphore_mem>>) {add = true}
      %dma_wait3A_95 = arith.constant 0 : i32
      %dma_wait3A_96 = tpu.memref_slice %arg15[%dma_wait3A_95] : memref<100352xf32, #tpu.memory_space<vmem_shared>> -> memref<100352xf32, #tpu.memory_space<vmem_shared>>
      tpu.wait_indirect_dma semaphore(%arg54 : memref<!tpu.dma_semaphore, #tpu.memory_space<semaphore_mem>>) src(%dma_wait3A_96 : memref<100352xf32, #tpu.memory_space<vmem_shared>>) dst(%arg45 : memref<2000xf32, #tpu.memory_space<vmem>>)
      %dma_wait3A_97 = arith.constant 0 : i32
      %dma_wait3A_98 = tpu.memref_slice %arg16[%dma_wait3A_97] : memref<100352xf32, #tpu.memory_space<vmem_shared>> -> memref<100352xf32, #tpu.memory_space<vmem_shared>>
      tpu.wait_indirect_dma semaphore(%arg54 : memref<!tpu.dma_semaphore, #tpu.memory_space<semaphore_mem>>) src(%dma_wait3A_98 : memref<100352xf32, #tpu.memory_space<vmem_shared>>) dst(%arg44 : memref<2000xf32, #tpu.memory_space<vmem>>)
      %scan3A_99 = arith.constant 0 : i32
      %scan3A_100 = arith.constant 125 : i32
      %scan3A_101 = arith.addi %scan3A_99, %scan3A_100 : i32
      %scan3A_102 = arith.constant 1 : i32
      scf.for %scan3A_134 = %scan3A_99 to %scan3A_101 step %scan3A_102  : i32 {
        %mul3A_135 = arith.constant 16 : i32
        %mul3A_136 = arith.muli %scan3A_134, %mul3A_135 : i32
        %get3A = arith.index_cast %mul3A_136 : i32 to index
        %get3A_137 = tpu.vector_load %arg48[%get3A] {strides = array<i32>} : memref<2000xf32, #tpu.memory_space<vmem>>, vector<16xf32>,
        %get3A_138 = vector.shape_cast %get3A_137 : vector<16xf32> to vector<16xf32>
        %get3A_139 = arith.index_cast %mul3A_136 : i32 to index
        %get3A_140 = tpu.vector_load %arg42[%get3A_139] {strides = array<i32>} : memref<2000xf32, #tpu.memory_space<vmem>>, vector<16xf32>,
        %get3A_141 = vector.shape_cast %get3A_140 : vector<16xf32> to vector<16xf32>
        %get3A_142 = arith.index_cast %mul3A_136 : i32 to index
        %get3A_143 = tpu.vector_load %arg43[%get3A_142] {strides = array<i32>} : memref<2000xf32, #tpu.memory_space<vmem>>, vector<16xf32>,
        %get3A_144 = vector.shape_cast %get3A_143 : vector<16xf32> to vector<16xf32>
        %sub3A = arith.constant 1.000000e+00 : f32
        %sub3A_145 = vector.broadcast %sub3A : f32 to vector<16xf32>
        %sub3A_146 = arith.subf %get3A_138, %sub3A_145 : vector<16xf32>
        %mul3A_147 = arith.mulf %sub3A_146, %sub3A_146 : vector<16xf32>
        %mul3A_148 = arith.mulf %mul3A_147, %sub3A_146 : vector<16xf32>
        %mul3A_149 = arith.mulf %get3A_138, %mul3A_148 : vector<16xf32>
        %mul3A_150 = arith.constant 17825.3535 : f32
        %mul3A_151 = vector.broadcast %mul3A_150 : f32 to vector<16xf32>
        %mul3A_152 = arith.mulf %mul3A_149, %mul3A_151 : vector<16xf32>
        %get3A_153 = arith.index_cast %mul3A_136 : i32 to index
        %get3A_154 = tpu.vector_load %arg45[%get3A_153] {strides = array<i32>} : memref<2000xf32, #tpu.memory_space<vmem>>, vector<16xf32>,
        %get3A_155 = vector.shape_cast %get3A_154 : vector<16xf32> to vector<16xf32>
        %mul3A_156 = arith.mulf %mul3A_152, %get3A_155 : vector<16xf32>
        %mul3A_157 = arith.mulf %get3A_138, %get3A_138 : vector<16xf32>
        %mul3A_158 = arith.mulf %mul3A_157, %get3A_138 : vector<16xf32>
        %mul3A_159 = arith.mulf %mul3A_148, %mul3A_158 : vector<16xf32>
        %mul3A_160 = arith.constant 6.400000e+01 : f32
        %mul3A_161 = vector.broadcast %mul3A_160 : f32 to vector<16xf32>
        %mul3A_162 = arith.mulf %mul3A_159, %mul3A_161 : vector<16xf32>
        %le3A = arith.constant 5.000000e-01 : f32
        %le3A_163 = vector.broadcast %le3A : f32 to vector<16xf32>
        %le3A_164 = arith.cmpf ole, %get3A_138, %le3A_163 : vector<16xf32>
        %add3A_165 = arith.addf %mul3A_162, %mul3A_162 : vector<16xf32>
        %add3A_166 = arith.constant 1.000000e+00 : f32
        %add3A_167 = vector.broadcast %add3A_166 : f32 to vector<16xf32>
        %add3A_168 = arith.addf %add3A_165, %add3A_167 : vector<16xf32>
        %select_n3A = arith.select %le3A_164, %add3A_168, %mul3A_162 : vector<16xi1>, vector<16xf32>
        %get3A_169 = arith.index_cast %mul3A_136 : i32 to index
        %get3A_170 = tpu.vector_load %arg44[%get3A_169] {strides = array<i32>} : memref<2000xf32, #tpu.memory_space<vmem>>, vector<16xf32>,
        %get3A_171 = vector.shape_cast %get3A_170 : vector<16xf32> to vector<16xf32>
        %mul3A_172 = arith.constant 1.000000e+00 : f32
        %mul3A_173 = vector.broadcast %mul3A_172 : f32 to vector<16xf32>
        %mul3A_174 = arith.mulf %get3A_171, %mul3A_173 : vector<16xf32>
        %mul3A_175 = arith.mulf %mul3A_174, %select_n3A : vector<16xf32>
        %mul3A_176 = arith.mulf %mul3A_156, %get3A_141 : vector<16xf32>
        %swap3A = arith.index_cast %mul3A_136 : i32 to index
        %swap3A_177 = tpu.vector_load %arg40[%swap3A] {strides = array<i32>} : memref<2000xf32, #tpu.memory_space<vmem>>, vector<16xf32>,
        %swap3A_178 = vector.shape_cast %swap3A_177 : vector<16xf32> to vector<16xf32>
        %swap3A_179 = vector.shape_cast %mul3A_176 : vector<16xf32> to vector<16xf32>
        tpu.vector_store %arg40[%swap3A], %swap3A_179 {strides = array<i32>} : memref<2000xf32, #tpu.memory_space<vmem>>, vector<16xf32>,
        %mul3A_180 = arith.mulf %mul3A_156, %get3A_144 : vector<16xf32>
        %swap3A_181 = arith.index_cast %mul3A_136 : i32 to index
        %swap3A_182 = tpu.vector_load %arg41[%swap3A_181] {strides = array<i32>} : memref<2000xf32, #tpu.memory_space<vmem>>, vector<16xf32>,
        %swap3A_183 = vector.shape_cast %swap3A_182 : vector<16xf32> to vector<16xf32>
        %swap3A_184 = vector.shape_cast %mul3A_180 : vector<16xf32> to vector<16xf32>
        tpu.vector_store %arg41[%swap3A_181], %swap3A_184 {strides = array<i32>} : memref<2000xf32, #tpu.memory_space<vmem>>, vector<16xf32>,
        %mul3A_185 = arith.mulf %mul3A_175, %get3A_141 : vector<16xf32>
        %swap3A_186 = arith.index_cast %mul3A_136 : i32 to index
        %swap3A_187 = tpu.vector_load %arg38[%swap3A_186] {strides = array<i32>} : memref<2000xf32, #tpu.memory_space<vmem>>, vector<16xf32>,
        %swap3A_188 = vector.shape_cast %swap3A_187 : vector<16xf32> to vector<16xf32>
        %swap3A_189 = vector.shape_cast %mul3A_185 : vector<16xf32> to vector<16xf32>
        tpu.vector_store %arg38[%swap3A_186], %swap3A_189 {strides = array<i32>} : memref<2000xf32, #tpu.memory_space<vmem>>, vector<16xf32>,
        %mul3A_190 = arith.mulf %mul3A_175, %get3A_144 : vector<16xf32>
        %swap3A_191 = arith.index_cast %mul3A_136 : i32 to index
        %swap3A_192 = tpu.vector_load %arg39[%swap3A_191] {strides = array<i32>} : memref<2000xf32, #tpu.memory_space<vmem>>, vector<16xf32>,
        %swap3A_193 = vector.shape_cast %swap3A_192 : vector<16xf32> to vector<16xf32>
        %swap3A_194 = vector.shape_cast %mul3A_190 : vector<16xf32> to vector<16xf32>
        tpu.vector_store %arg39[%swap3A_191], %swap3A_194 {strides = array<i32>} : memref<2000xf32, #tpu.memory_space<vmem>>, vector<16xf32>,
      }
      %scan3A_103 = arith.constant 125 : i32
      %dma_start3A_104 = arith.constant 0 : i32
      %dma_start3A_105 = tpu.memref_slice %arg17[%dma_start3A_104] : memref<100352xf32, #tpu.memory_space<vmem_shared>> -> memref<100352xf32, #tpu.memory_space<vmem_shared>>
      tpu.enqueue_indirect_dma source(%arg40 : memref<2000xf32, #tpu.memory_space<vmem>>) target(%dma_start3A_105 : memref<100352xf32, #tpu.memory_space<vmem_shared>>) offsets(%arg46 : memref<2000xi32, #tpu.memory_space<vmem>>) semaphore(%arg55 : memref<!tpu.dma_semaphore, #tpu.memory_space<semaphore_mem>>) {add = true}
      %dma_start3A_106 = arith.constant 0 : i32
      %dma_start3A_107 = tpu.memref_slice %arg18[%dma_start3A_106] : memref<100352xf32, #tpu.memory_space<vmem_shared>> -> memref<100352xf32, #tpu.memory_space<vmem_shared>>
      tpu.enqueue_indirect_dma source(%arg41 : memref<2000xf32, #tpu.memory_space<vmem>>) target(%dma_start3A_107 : memref<100352xf32, #tpu.memory_space<vmem_shared>>) offsets(%arg46 : memref<2000xi32, #tpu.memory_space<vmem>>) semaphore(%arg55 : memref<!tpu.dma_semaphore, #tpu.memory_space<semaphore_mem>>) {add = true}
      %dma_start3A_108 = arith.constant 0 : i32
      %dma_start3A_109 = tpu.memref_slice %arg19[%dma_start3A_108] : memref<100352xf32, #tpu.memory_space<vmem_shared>> -> memref<100352xf32, #tpu.memory_space<vmem_shared>>
      tpu.enqueue_indirect_dma source(%arg38 : memref<2000xf32, #tpu.memory_space<vmem>>) target(%dma_start3A_109 : memref<100352xf32, #tpu.memory_space<vmem_shared>>) offsets(%arg46 : memref<2000xi32, #tpu.memory_space<vmem>>) semaphore(%arg55 : memref<!tpu.dma_semaphore, #tpu.memory_space<semaphore_mem>>) {add = true}
      %dma_start3A_110 = arith.constant 0 : i32
      %dma_start3A_111 = tpu.memref_slice %arg20[%dma_start3A_110] : memref<100352xf32, #tpu.memory_space<vmem_shared>> -> memref<100352xf32, #tpu.memory_space<vmem_shared>>
      tpu.enqueue_indirect_dma source(%arg39 : memref<2000xf32, #tpu.memory_space<vmem>>) target(%dma_start3A_111 : memref<100352xf32, #tpu.memory_space<vmem_shared>>) offsets(%arg46 : memref<2000xi32, #tpu.memory_space<vmem>>) semaphore(%arg55 : memref<!tpu.dma_semaphore, #tpu.memory_space<semaphore_mem>>) {add = true}
      %dma_start3A_112 = arith.constant 0 : i32
      %dma_start3A_113 = tpu.memref_slice %arg21[%dma_start3A_112] : memref<100352xf32, #tpu.memory_space<vmem_shared>> -> memref<100352xf32, #tpu.memory_space<vmem_shared>>
      tpu.enqueue_indirect_dma source(%arg49 : memref<2000xf32, #tpu.memory_space<vmem>>) target(%dma_start3A_113 : memref<100352xf32, #tpu.memory_space<vmem_shared>>) offsets(%arg46 : memref<2000xi32, #tpu.memory_space<vmem>>) semaphore(%arg55 : memref<!tpu.dma_semaphore, #tpu.memory_space<semaphore_mem>>) {add = true}
      %dma_wait3A_114 = arith.constant 0 : i32
      %dma_wait3A_115 = tpu.memref_slice %arg17[%dma_wait3A_114] : memref<100352xf32, #tpu.memory_space<vmem_shared>> -> memref<100352xf32, #tpu.memory_space<vmem_shared>>
      tpu.wait_indirect_dma semaphore(%arg55 : memref<!tpu.dma_semaphore, #tpu.memory_space<semaphore_mem>>) src(%arg29 : memref<2000xf32, #tpu.memory_space<vmem>>) dst(%dma_wait3A_115 : memref<100352xf32, #tpu.memory_space<vmem_shared>>)
      %dma_wait3A_116 = arith.constant 0 : i32
      %dma_wait3A_117 = tpu.memref_slice %arg18[%dma_wait3A_116] : memref<100352xf32, #tpu.memory_space<vmem_shared>> -> memref<100352xf32, #tpu.memory_space<vmem_shared>>
      tpu.wait_indirect_dma semaphore(%arg55 : memref<!tpu.dma_semaphore, #tpu.memory_space<semaphore_mem>>) src(%arg30 : memref<2000xf32, #tpu.memory_space<vmem>>) dst(%dma_wait3A_117 : memref<100352xf32, #tpu.memory_space<vmem_shared>>)
      %dma_wait3A_118 = arith.constant 0 : i32
      %dma_wait3A_119 = tpu.memref_slice %arg19[%dma_wait3A_118] : memref<100352xf32, #tpu.memory_space<vmem_shared>> -> memref<100352xf32, #tpu.memory_space<vmem_shared>>
      tpu.wait_indirect_dma semaphore(%arg55 : memref<!tpu.dma_semaphore, #tpu.memory_space<semaphore_mem>>) src(%arg27 : memref<2000xf32, #tpu.memory_space<vmem>>) dst(%dma_wait3A_119 : memref<100352xf32, #tpu.memory_space<vmem_shared>>)
      %dma_wait3A_120 = arith.constant 0 : i32
      %dma_wait3A_121 = tpu.memref_slice %arg20[%dma_wait3A_120] : memref<100352xf32, #tpu.memory_space<vmem_shared>> -> memref<100352xf32, #tpu.memory_space<vmem_shared>>
      tpu.wait_indirect_dma semaphore(%arg55 : memref<!tpu.dma_semaphore, #tpu.memory_space<semaphore_mem>>) src(%arg28 : memref<2000xf32, #tpu.memory_space<vmem>>) dst(%dma_wait3A_121 : memref<100352xf32, #tpu.memory_space<vmem_shared>>)
      %dma_wait3A_122 = arith.constant 0 : i32
      %dma_wait3A_123 = tpu.memref_slice %arg21[%dma_wait3A_122] : memref<100352xf32, #tpu.memory_space<vmem_shared>> -> memref<100352xf32, #tpu.memory_space<vmem_shared>>
      tpu.wait_indirect_dma semaphore(%arg55 : memref<!tpu.dma_semaphore, #tpu.memory_space<semaphore_mem>>) src(%arg49 : memref<2000xf32, #tpu.memory_space<vmem>>) dst(%dma_wait3A_123 : memref<100352xf32, #tpu.memory_space<vmem_shared>>)
      %dma_wait3A_124 = arith.constant 0 : i32
      %dma_wait3A_125 = tpu.memref_slice %arg17[%dma_wait3A_124] : memref<100352xf32, #tpu.memory_space<vmem_shared>> -> memref<100352xf32, #tpu.memory_space<vmem_shared>>
      tpu.wait_indirect_dma semaphore(%arg55 : memref<!tpu.dma_semaphore, #tpu.memory_space<semaphore_mem>>) src(%arg40 : memref<2000xf32, #tpu.memory_space<vmem>>) dst(%dma_wait3A_125 : memref<100352xf32, #tpu.memory_space<vmem_shared>>)
      %dma_wait3A_126 = arith.constant 0 : i32
      %dma_wait3A_127 = tpu.memref_slice %arg18[%dma_wait3A_126] : memref<100352xf32, #tpu.memory_space<vmem_shared>> -> memref<100352xf32, #tpu.memory_space<vmem_shared>>
      tpu.wait_indirect_dma semaphore(%arg55 : memref<!tpu.dma_semaphore, #tpu.memory_space<semaphore_mem>>) src(%arg41 : memref<2000xf32, #tpu.memory_space<vmem>>) dst(%dma_wait3A_127 : memref<100352xf32, #tpu.memory_space<vmem_shared>>)
      %dma_wait3A_128 = arith.constant 0 : i32
      %dma_wait3A_129 = tpu.memref_slice %arg19[%dma_wait3A_128] : memref<100352xf32, #tpu.memory_space<vmem_shared>> -> memref<100352xf32, #tpu.memory_space<vmem_shared>>
      tpu.wait_indirect_dma semaphore(%arg55 : memref<!tpu.dma_semaphore, #tpu.memory_space<semaphore_mem>>) src(%arg38 : memref<2000xf32, #tpu.memory_space<vmem>>) dst(%dma_wait3A_129 : memref<100352xf32, #tpu.memory_space<vmem_shared>>)
      %dma_wait3A_130 = arith.constant 0 : i32
      %dma_wait3A_131 = tpu.memref_slice %arg20[%dma_wait3A_130] : memref<100352xf32, #tpu.memory_space<vmem_shared>> -> memref<100352xf32, #tpu.memory_space<vmem_shared>>
      tpu.wait_indirect_dma semaphore(%arg55 : memref<!tpu.dma_semaphore, #tpu.memory_space<semaphore_mem>>) src(%arg39 : memref<2000xf32, #tpu.memory_space<vmem>>) dst(%dma_wait3A_131 : memref<100352xf32, #tpu.memory_space<vmem_shared>>)
      %dma_wait3A_132 = arith.constant 0 : i32
      %dma_wait3A_133 = tpu.memref_slice %arg21[%dma_wait3A_132] : memref<100352xf32, #tpu.memory_space<vmem_shared>> -> memref<100352xf32, #tpu.memory_space<vmem_shared>>
      tpu.wait_indirect_dma semaphore(%arg55 : memref<!tpu.dma_semaphore, #tpu.memory_space<semaphore_mem>>) src(%arg49 : memref<2000xf32, #tpu.memory_space<vmem>>) dst(%dma_wait3A_133 : memref<100352xf32, #tpu.memory_space<vmem_shared>>)
    }
    %scan3A_21 = arith.constant 50 : i32
    %barrier3A_22 = arith.constant 0 : index
    tpu.barrier barrier_id(%barrier3A_22)
    "tpu.region"() ({
      %run_scoped3A = tpu.sem_alloc : memref<!tpu.dma_semaphore, #tpu.memory_space<semaphore_mem>>
      %dma_start3A = tpu.memref_slice %arg10[%arg0, %mul3A_0] : memref<2x100352xf32, #tpu.memory_space<hbm>> -> memref<1x6272xf32, #tpu.memory_space<hbm>>
      %dma_start3A_23 = tpu.memref_squeeze %dma_start3A : memref<1x6272xf32, #tpu.memory_space<hbm>> -> memref<6272xf32, #tpu.memory_space<hbm>>
      %dma_start3A_24 = tpu.memref_slice %arg17[%mul3A_0] : memref<100352xf32, #tpu.memory_space<vmem_shared>> -> memref<6272xf32, #tpu.memory_space<vmem_shared>>
      tpu.enqueue_dma source(%dma_start3A_24 : memref<6272xf32, #tpu.memory_space<vmem_shared>>) target(%dma_start3A_23 : memref<6272xf32, #tpu.memory_space<hbm>>) target_semaphore(%run_scoped3A : memref<!tpu.dma_semaphore, #tpu.memory_space<semaphore_mem>>)
      %dma_wait3A = tpu.memref_slice %arg10[%arg0, %mul3A_0] : memref<2x100352xf32, #tpu.memory_space<hbm>> -> memref<1x6272xf32, #tpu.memory_space<hbm>>
      %dma_wait3A_25 = tpu.memref_squeeze %dma_wait3A : memref<1x6272xf32, #tpu.memory_space<hbm>> -> memref<6272xf32, #tpu.memory_space<hbm>>
      %dma_wait3A_26 = tpu.memref_slice %arg17[%mul3A_0] : memref<100352xf32, #tpu.memory_space<vmem_shared>> -> memref<6272xf32, #tpu.memory_space<vmem_shared>>
      tpu.wait_dma2 semaphore(%run_scoped3A : memref<!tpu.dma_semaphore, #tpu.memory_space<semaphore_mem>>) src(%dma_wait3A_26 : memref<6272xf32, #tpu.memory_space<vmem_shared>>) dst(%dma_wait3A_25 : memref<6272xf32, #tpu.memory_space<hbm>>)
      tpu.yield
    }) : () -> ()
    "tpu.region"() ({
      %run_scoped3A = tpu.sem_alloc : memref<!tpu.dma_semaphore, #tpu.memory_space<semaphore_mem>>
      %dma_start3A = tpu.memref_slice %arg11[%arg0, %mul3A_0] : memref<2x100352xf32, #tpu.memory_space<hbm>> -> memref<1x6272xf32, #tpu.memory_space<hbm>>
      %dma_start3A_23 = tpu.memref_squeeze %dma_start3A : memref<1x6272xf32, #tpu.memory_space<hbm>> -> memref<6272xf32, #tpu.memory_space<hbm>>
      %dma_start3A_24 = tpu.memref_slice %arg18[%mul3A_0] : memref<100352xf32, #tpu.memory_space<vmem_shared>> -> memref<6272xf32, #tpu.memory_space<vmem_shared>>
      tpu.enqueue_dma source(%dma_start3A_24 : memref<6272xf32, #tpu.memory_space<vmem_shared>>) target(%dma_start3A_23 : memref<6272xf32, #tpu.memory_space<hbm>>) target_semaphore(%run_scoped3A : memref<!tpu.dma_semaphore, #tpu.memory_space<semaphore_mem>>)
      %dma_wait3A = tpu.memref_slice %arg11[%arg0, %mul3A_0] : memref<2x100352xf32, #tpu.memory_space<hbm>> -> memref<1x6272xf32, #tpu.memory_space<hbm>>
      %dma_wait3A_25 = tpu.memref_squeeze %dma_wait3A : memref<1x6272xf32, #tpu.memory_space<hbm>> -> memref<6272xf32, #tpu.memory_space<hbm>>
      %dma_wait3A_26 = tpu.memref_slice %arg18[%mul3A_0] : memref<100352xf32, #tpu.memory_space<vmem_shared>> -> memref<6272xf32, #tpu.memory_space<vmem_shared>>
      tpu.wait_dma2 semaphore(%run_scoped3A : memref<!tpu.dma_semaphore, #tpu.memory_space<semaphore_mem>>) src(%dma_wait3A_26 : memref<6272xf32, #tpu.memory_space<vmem_shared>>) dst(%dma_wait3A_25 : memref<6272xf32, #tpu.memory_space<hbm>>)
      tpu.yield
    }) : () -> ()
    "tpu.region"() ({
      %run_scoped3A = tpu.sem_alloc : memref<!tpu.dma_semaphore, #tpu.memory_space<semaphore_mem>>
      %dma_start3A = tpu.memref_slice %arg12[%arg0, %mul3A_0] : memref<2x100352xf32, #tpu.memory_space<hbm>> -> memref<1x6272xf32, #tpu.memory_space<hbm>>
      %dma_start3A_23 = tpu.memref_squeeze %dma_start3A : memref<1x6272xf32, #tpu.memory_space<hbm>> -> memref<6272xf32, #tpu.memory_space<hbm>>
      %dma_start3A_24 = tpu.memref_slice %arg19[%mul3A_0] : memref<100352xf32, #tpu.memory_space<vmem_shared>> -> memref<6272xf32, #tpu.memory_space<vmem_shared>>
      tpu.enqueue_dma source(%dma_start3A_24 : memref<6272xf32, #tpu.memory_space<vmem_shared>>) target(%dma_start3A_23 : memref<6272xf32, #tpu.memory_space<hbm>>) target_semaphore(%run_scoped3A : memref<!tpu.dma_semaphore, #tpu.memory_space<semaphore_mem>>)
      %dma_wait3A = tpu.memref_slice %arg12[%arg0, %mul3A_0] : memref<2x100352xf32, #tpu.memory_space<hbm>> -> memref<1x6272xf32, #tpu.memory_space<hbm>>
      %dma_wait3A_25 = tpu.memref_squeeze %dma_wait3A : memref<1x6272xf32, #tpu.memory_space<hbm>> -> memref<6272xf32, #tpu.memory_space<hbm>>
      %dma_wait3A_26 = tpu.memref_slice %arg19[%mul3A_0] : memref<100352xf32, #tpu.memory_space<vmem_shared>> -> memref<6272xf32, #tpu.memory_space<vmem_shared>>
      tpu.wait_dma2 semaphore(%run_scoped3A : memref<!tpu.dma_semaphore, #tpu.memory_space<semaphore_mem>>) src(%dma_wait3A_26 : memref<6272xf32, #tpu.memory_space<vmem_shared>>) dst(%dma_wait3A_25 : memref<6272xf32, #tpu.memory_space<hbm>>)
      tpu.yield
    }) : () -> ()
    "tpu.region"() ({
      %run_scoped3A = tpu.sem_alloc : memref<!tpu.dma_semaphore, #tpu.memory_space<semaphore_mem>>
      %dma_start3A = tpu.memref_slice %arg13[%arg0, %mul3A_0] : memref<2x100352xf32, #tpu.memory_space<hbm>> -> memref<1x6272xf32, #tpu.memory_space<hbm>>
      %dma_start3A_23 = tpu.memref_squeeze %dma_start3A : memref<1x6272xf32, #tpu.memory_space<hbm>> -> memref<6272xf32, #tpu.memory_space<hbm>>
      %dma_start3A_24 = tpu.memref_slice %arg20[%mul3A_0] : memref<100352xf32, #tpu.memory_space<vmem_shared>> -> memref<6272xf32, #tpu.memory_space<vmem_shared>>
      tpu.enqueue_dma source(%dma_start3A_24 : memref<6272xf32, #tpu.memory_space<vmem_shared>>) target(%dma_start3A_23 : memref<6272xf32, #tpu.memory_space<hbm>>) target_semaphore(%run_scoped3A : memref<!tpu.dma_semaphore, #tpu.memory_space<semaphore_mem>>)
      %dma_wait3A = tpu.memref_slice %arg13[%arg0, %mul3A_0] : memref<2x100352xf32, #tpu.memory_space<hbm>> -> memref<1x6272xf32, #tpu.memory_space<hbm>>
      %dma_wait3A_25 = tpu.memref_squeeze %dma_wait3A : memref<1x6272xf32, #tpu.memory_space<hbm>> -> memref<6272xf32, #tpu.memory_space<hbm>>
      %dma_wait3A_26 = tpu.memref_slice %arg20[%mul3A_0] : memref<100352xf32, #tpu.memory_space<vmem_shared>> -> memref<6272xf32, #tpu.memory_space<vmem_shared>>
      tpu.wait_dma2 semaphore(%run_scoped3A : memref<!tpu.dma_semaphore, #tpu.memory_space<semaphore_mem>>) src(%dma_wait3A_26 : memref<6272xf32, #tpu.memory_space<vmem_shared>>) dst(%dma_wait3A_25 : memref<6272xf32, #tpu.memory_space<hbm>>)
      tpu.yield
    }) : () -> ()
    "tpu.region"() ({
      %run_scoped3A = tpu.sem_alloc : memref<!tpu.dma_semaphore, #tpu.memory_space<semaphore_mem>>
      %dma_start3A = tpu.memref_slice %arg14[%arg0, %mul3A_0] : memref<2x100352xf32, #tpu.memory_space<hbm>> -> memref<1x6272xf32, #tpu.memory_space<hbm>>
      %dma_start3A_23 = tpu.memref_squeeze %dma_start3A : memref<1x6272xf32, #tpu.memory_space<hbm>> -> memref<6272xf32, #tpu.memory_space<hbm>>
      %dma_start3A_24 = tpu.memref_slice %arg21[%mul3A_0] : memref<100352xf32, #tpu.memory_space<vmem_shared>> -> memref<6272xf32, #tpu.memory_space<vmem_shared>>
      tpu.enqueue_dma source(%dma_start3A_24 : memref<6272xf32, #tpu.memory_space<vmem_shared>>) target(%dma_start3A_23 : memref<6272xf32, #tpu.memory_space<hbm>>) target_semaphore(%run_scoped3A : memref<!tpu.dma_semaphore, #tpu.memory_space<semaphore_mem>>)
      %dma_wait3A = tpu.memref_slice %arg14[%arg0, %mul3A_0] : memref<2x100352xf32, #tpu.memory_space<hbm>> -> memref<1x6272xf32, #tpu.memory_space<hbm>>
      %dma_wait3A_25 = tpu.memref_squeeze %dma_wait3A : memref<1x6272xf32, #tpu.memory_space<hbm>> -> memref<6272xf32, #tpu.memory_space<hbm>>
      %dma_wait3A_26 = tpu.memref_slice %arg21[%mul3A_0] : memref<100352xf32, #tpu.memory_space<vmem_shared>> -> memref<6272xf32, #tpu.memory_space<vmem_shared>>
      tpu.wait_dma2 semaphore(%run_scoped3A : memref<!tpu.dma_semaphore, #tpu.memory_space<semaphore_mem>>) src(%dma_wait3A_26 : memref<6272xf32, #tpu.memory_space<vmem_shared>>) dst(%dma_wait3A_25 : memref<6272xf32, #tpu.memory_space<hbm>>)
      tpu.yield
    }) : () -> ()
    return
  }
}

module attributes {stable_mosaic.version = 14 : i64} {
  func.func @_combine_body(%arg0: memref<2x100352xf32, #tpu.memory_space<vmem>>, %arg1: memref<2x100352xf32, #tpu.memory_space<vmem>>, %arg2: memref<100352xf32, #tpu.memory_space<vmem>>, %arg3: memref<100352xf32, #tpu.memory_space<vmem>>) attributes {dimension_semantics = [], scalar_prefetch = 0 : i64, scratch_operands = 0 : i64, tpu.core_type = #tpu.core_type<tc>} {
    %get3A = arith.constant 0 : index
    %get3A_0 = arith.constant 0 : index
    %get3A_1 = vector.load %arg0[%get3A, %get3A_0] : memref<2x100352xf32, #tpu.memory_space<vmem>>, vector<1x100352xf32>
    %get3A_2 = vector.shape_cast %get3A_1 : vector<1x100352xf32> to vector<100352xf32>
    %get3A_3 = arith.constant 1 : index
    %get3A_4 = arith.constant 0 : index
    %get3A_5 = vector.load %arg0[%get3A_3, %get3A_4] : memref<2x100352xf32, #tpu.memory_space<vmem>>, vector<1x100352xf32>
    %get3A_6 = vector.shape_cast %get3A_5 : vector<1x100352xf32> to vector<100352xf32>
    %add3A = arith.addf %get3A_2, %get3A_6 : vector<100352xf32>
    %swap3A = arith.constant 0 : index
    %swap3A_7 = vector.load %arg2[%swap3A] : memref<100352xf32, #tpu.memory_space<vmem>>, vector<100352xf32>
    tpu.vector_store %arg2[%swap3A], %add3A {strides = array<i32>} : memref<100352xf32, #tpu.memory_space<vmem>>, vector<100352xf32>,
    %get3A_8 = arith.constant 0 : index
    %get3A_9 = arith.constant 0 : index
    %get3A_10 = vector.load %arg1[%get3A_8, %get3A_9] : memref<2x100352xf32, #tpu.memory_space<vmem>>, vector<1x100352xf32>
    %get3A_11 = vector.shape_cast %get3A_10 : vector<1x100352xf32> to vector<100352xf32>
    %get3A_12 = arith.constant 1 : index
    %get3A_13 = arith.constant 0 : index
    %get3A_14 = vector.load %arg1[%get3A_12, %get3A_13] : memref<2x100352xf32, #tpu.memory_space<vmem>>, vector<1x100352xf32>
    %get3A_15 = vector.shape_cast %get3A_14 : vector<1x100352xf32> to vector<100352xf32>
    %add3A_16 = arith.addf %get3A_11, %get3A_15 : vector<100352xf32>
    %swap3A_17 = arith.constant 0 : index
    %swap3A_18 = vector.load %arg3[%swap3A_17] : memref<100352xf32, #tpu.memory_space<vmem>>, vector<100352xf32>
    tpu.vector_store %arg3[%swap3A_17], %add3A_16 {strides = array<i32>} : memref<100352xf32, #tpu.memory_space<vmem>>, vector<100352xf32>,
    return
  }
}

</mosaic_0001>

<sc_bundles>
// kernel: kernel.5.cloned.1.call-start
scs
__scs_entry_jumppad:
0x0: {  	(pc) =	sbr.rel $0x88, $3  }
0x1: {  	(tag) =	ssettag $0x0;
	lr =	simm.s32 $0x1  }
0x2: {  	[smem:$0x3F9B] =	sst lr;
	_ =	strace $0xD0000000  }
0x3: {  	_ = 	snop  }
0x4: {  	_ = 	snop  }
0x5: {  	_ = 	snop  }
0x6: {  	_ = 	snop  }
0x7: {  	_ = 	snop  }
__scs_overlays_trampoline_lowered:
0x8: {  	[smem:$0x3FAA] =	sst s0  }
0x9: {  	[smem:$0x3FAB] =	sst s1  }
0xa: {  	[smem:$0x3FAC] =	sst s2  }
0xb: {  	[smem:$0x3FAD] =	sst s3  }
0xc: {  	[smem:$0x3FAE] =	sst s4  }
0xd: {  	[smem:$0x3FAF] =	sst s5  }
0xe: {  	[smem:$0x3FB0] =	sst s6  }
0xf: {  	[smem:$0x3FB1] =	sst s7  }
0x10: {  	[smem:$0x3FB2] =	sst s8  }
0x11: {  	[smem:$0x3FB3] =	sst s9;
	s0 =	simm.s32 @!p0 $0x0  }
0x12: {  	s1 =	sld [smem:$0x3F99];
	s0 =	simm.s32 @p0 $0x1  }
0x13: {  	[smem:$0x3FB4] =	sst s0;
	s0 =	simm.s32 @!p1 $0x0  }
0x14: {  	s2 =	sld [smem:$0x3F98];
	s0 =	simm.s32 @p1 $0x1  }
0x15: {  	[smem:$0x3FB5] =	sst s0;
	s0 =	simm.s32 @!p2 $0x0  }
0x16: {  	s3 =	sld [smem:$0x3FDB];
	s0 =	simm.s32 @p2 $0x1  }
0x17: {  	s4 =	simm.s32 $0x1BF5;
	[smem:$0x3FB7] =	sst s0  }
0x18: {  	s0 =	sld [smem:$0x3F9A];
	_ =	swait.ge [sflag:s4], $0x0  }
0x19: {  	s7 =	sld [smem:$0x3F9B]  }
0x1a: {  	s8 =	sadd.s32 $0xFFFFE003, lr  }
0x1b: {  	s9 =	sadd.s32 $0xFFFFFEF7, lr;
	s5 =	simm.s32 $0xFFFFFFFF;
	p2 =	slt.u32 s8, $0xFFFFF086  }
0x1c: {  	p1 =	slt.u32 s9, $0xF7A;
	s5 =	simm.s32 @!p2 $0x0  }
0x1d: {  	s5 =	simm.s32 @p1 $0x1;
	p0 =	seq.s32 s7, s2  }
0x1e: {  	s7 =	smul.u32 @!p0 $0xF7A, s2;
	p2 =	seq.s32 @!p0 s5, $0x0  }
0x1f: {  	s9 =	smul.u32 $0xF7A, s1;
	s8 =	simm.s32 @!p0 $0x1BF5;
	p2 =	por !p2, p0  }
0x20: {  	[sflag:s8] =	ssyncset.s32 @!p0 $0xFFFFF086;
	s6 =	sadd.s32 @!p0 s3, s7;
	s7 =	simm.s32 @!p0 $0x108  }
0x21: {  	s3 =	sadd.s32 s3, s9;
	s6 =	sadd.s32 @!p0 $0x88, s6;
	s7 =	simm.s32 @p2 $0x1082  }
0x22: {  	[simem:s7], [sflag:s8] =	dma.local @!p0 [hbm:s6], $0xF7A  }
0x23: {  	s9 =	sor.u32 $0xD0000000, s2;
	s6 =	simm.s32 $0x108;
	_ =	swait.ge @!p0 [sflag:s8], $0x0  }
0x24: {  	s3 =	sadd.s32 $0x88, s3;
	s6 =	simm.s32 @!p1 $0x1082;
	[sflag:s4] =	ssyncset.s32 $0xFFFFF086  }
0x25: {  	[simem:s6], [sflag:s4] =	dma.local [hbm:s3], $0xF7A  }
0x26: {  	[smem:$0x3F9B] =	sst s1;
	(tag) =	ssettag s2;
	_ =	strace s9  }
0x27: {  	s1 =	sld [smem:$0x3FAB]  }
0x28: {  	s2 =	sld [smem:$0x3FAC]  }
0x29: {  	s4 =	sld [smem:$0x3FAE]  }
0x2a: {  	p0 =	seq.s32 s5, $0x0;
	s5 =	sld [smem:$0x3FAF]  }
0x2b: {  	s6 =	sld [smem:$0x3FB0]  }
0x2c: {  	s7 =	sld [smem:$0x3FB1]  }
0x2d: {  	s3 =	simm.s32 $0x108;
	s8 =	sld [smem:$0x3FB2]  }
0x2e: {  	s3 =	simm.s32 @!p0 $0x1082;
	s9 =	sld [smem:$0x3FB3]  }
0x2f: {  	lr =	sadd.s32 s0, s3;
	s0 =	sld [smem:$0x3FAA]  }
0x30: {  	s3 =	sld [smem:$0x3FAD]  }
0x31: {  	[smem:$0x3FB6] =	sst s10  }
0x32: {  	s10 =	sld [smem:$0x3FB4];
	_ =	sdelay $0x3  }
0x33: {  	p0 =	seq.s32 s10, $0x1;
	s10 =	sld [smem:$0x3FB6];
	_ =	sdelay $0x3  }
0x34: {  	[smem:$0x3FB6] =	sst s10  }
0x35: {  	s10 =	sld [smem:$0x3FB5];
	_ =	sdelay $0x3  }
0x36: {  	p1 =	seq.s32 s10, $0x1;
	s10 =	sld [smem:$0x3FB6];
	_ =	sdelay $0x3  }
0x37: {  	[smem:$0x3FB6] =	sst s10  }
0x38: {  	s10 =	sld [smem:$0x3FB7]  }
0x39: {  	_ = 	snop;
	(pc) =	sbr.ind lr, $3  }
0x3a: {  	_ = 	snop  }
0x3b: {  	_ = 	snop  }
0x3c: {  	p2 =	seq.s32 s10, $0x1;
	s10 =	sld [smem:$0x3FB6]  }
0x3d: {  	_ =	shalt  }
0x3e: {  	_ =	shalt  }
0x3f: {  	_ =	shalt  }
0x40: {  	_ =	shalt  }
0x41: {  	_ =	shalt  }
0x42: {  	_ =	shalt  }
0x43: {  	_ =	shalt  }
0x44: {  	_ =	shalt  }
0x45: {  	_ =	shalt  }
0x46: {  	_ =	shalt  }
0x47: {  	_ =	shalt  }
0x48: {  	_ =	shalt  }
0x49: {  	_ =	shalt  }
0x4a: {  	_ =	shalt  }
0x4b: {  	_ =	shalt  }
0x4c: {  	_ =	shalt  }
0x4d: {  	_ =	shalt  }
0x4e: {  	_ =	shalt  }
0x4f: {  	_ =	shalt  }
0x50: {  	_ =	shalt  }
0x51: {  	_ =	shalt  }
0x52: {  	_ =	shalt  }
0x53: {  	_ =	shalt  }
0x54: {  	_ =	shalt  }
0x55: {  	_ =	shalt  }
0x56: {  	_ =	shalt  }
0x57: {  	_ =	shalt  }
0x58: {  	_ =	shalt  }
0x59: {  	_ =	shalt  }
0x5a: {  	_ =	shalt  }
0x5b: {  	_ =	shalt  }
0x5c: {  	_ =	shalt  }
0x5d: {  	_ =	shalt  }
0x5e: {  	_ =	shalt  }
0x5f: {  	_ =	shalt  }
0x60: {  	_ =	shalt  }
0x61: {  	_ =	shalt  }
0x62: {  	_ =	shalt  }
0x63: {  	_ =	shalt  }
0x64: {  	_ =	shalt  }
0x65: {  	_ =	shalt  }
0x66: {  	_ =	shalt  }
0x67: {  	_ =	shalt  }
0x68: {  	_ =	shalt  }
0x69: {  	_ =	shalt  }
0x6a: {  	_ =	shalt  }
0x6b: {  	_ =	shalt  }
0x6c: {  	_ =	shalt  }
0x6d: {  	_ =	shalt  }
0x6e: {  	_ =	shalt  }
0x6f: {  	_ =	shalt  }
0x70: {  	_ =	shalt  }
0x71: {  	_ =	shalt  }
0x72: {  	_ =	shalt  }
0x73: {  	_ =	shalt  }
0x74: {  	_ =	shalt  }
0x75: {  	_ =	shalt  }
0x76: {  	_ =	shalt  }
0x77: {  	_ =	shalt  }
0x78: {  	_ =	shalt  }
0x79: {  	_ =	shalt  }
0x7a: {  	_ =	shalt  }
0x7b: {  	_ =	shalt  }
0x7c: {  	_ =	shalt  }
0x7d: {  	_ =	shalt  }
0x7e: {  	_ =	shalt  }
0x7f: {  	_ =	shalt  }
0x80: {  	_ =	shalt  }
0x81: {  	_ =	shalt  }
0x82: {  	_ =	shalt  }
0x83: {  	_ =	shalt  }
0x84: {  	_ =	shalt  }
0x85: {  	_ =	shalt  }
0x86: {  	_ =	shalt  }
0x87: {  	_ =	shalt  }
.Lfunc_end0:
.L_simem_size_0:
called_computation_lowered:
.L_overlay_start_0:
0x88: {  	s2 =	sld [smem:$0x3FD9]  }
0x89: {  	s3 =	sld [smem:$0x3FFE];
	_ =	sdelay $0x1  }
0x8a: {  	s1 =	srdreg.scid  }
0x8b: {  	s0 =	sand.u32 $0x1, s1  }
0x8c: {  	s17 =	sshll.u32 s0, $0xA;
	s2 =	sadd.s32 s3, s2  }
0x8d: {  	s2 =	sadd.s32 s2, s17  }
0x8e: {  	[smem:$0x3FC2] =	sst s2  }
0x8f: {  	_ = 	snop  }
0x90: {  	s2 =	sld [smem:$0x3FC5]  }
0x91: {  	s18 =	sld [smem:$0x3FD0];
	(tm) =	ssettm $0x1  }
0x92: {  	s4 =	sld [smem:$0x3FFB];
	_ =	sdelay $0x3  }
0x93: {  	_ =	strace s4  }
0x94: {  	s4 =	sld [smem:$0x3FFC];
	_ =	sdelay $0x3  }
0x95: {  	_ =	strace s4  }
0x96: {  	s4 =	sld [smem:$0x3FFD];
	_ =	sdelay $0x3  }
0x97: {  	_ =	strace s4  }
0x98: {  	_ =	strace $0x8FFFFFFF  }
0x99: {  	s19 =	sld [smem:$0x3FDB];
	_ =	sdelay $0x1  }
0x9a: {  	s5 =	simm.s32 $_scs_section_size  }
0x9b: {  	s6 =	simm.s32 $_size__tile_overlayer_lowered;
	s7 =	simm.s32 $_tile_overlayer_lowered  }
0x9c: {  	s22 =	simm.s32 $0x1BFF;
	s21 =	sshll.u32 s7, $0x1;
	s4 =	sadd.s32 s5, s19  }
0x9d: {  	s8 =	simm.s32 $0x0;
	s20 =	sshll.u32 s6, $0x1;
	s6 =	sadd.s32 s21, s4  }
0x9e: {  	[timem:s8], [sflag:s22] =	dma.local [hbm:s6], s20  }
0x9f: {  	_ =	swait.ge [sflag:s22], s20  }
0xa0: {  	s5 =	ssub.s32 $0x0, s20;
	[sflag:s22] =	ssyncset.done $0x0  }
0xa1: {  	[sflag:s22] =	ssyncadd.s32 s5;
	_ =	sdelay $0x1  }
0xa2: {  	s23 =	simm.s32 $0x1B8B  }
0xa3: {  	_ =	swait.ge [sflag:s23], $0x1  }
0xa4: {  	[sflag:s23] =	ssyncset.done $0x0  }
0xa5: {  	s25 =	simm.s32 $0x1B8E;
	s24 =	sld [smem:$0x3FFE];
	[sflag:s23] =	ssyncadd.s32 $0xFFFFFFFF  }
0xa6: {  	s26 =	simm.s32 $execute0_lowered;
	[smem:$0x3FD2] =	sst s25  }
0xa7: {  	s6 =	sshll.u32 s26, $0x1;
	_ =	strace $0x80000046;
	[dreg:$0x1] =	wrdreg $0xFFFFFFFF  }
0xa8: {  	s28 =	simm.s32 $_size_execute0_lowered;
	s4 =	sadd.s32 s4, s6;
	[dreg:$0x0] =	wrdreg $0x0  }
0xa9: {  	s6 =	sshll.u32 s28, $0x1;
	[dreg:$0x2] =	wrdreg s4  }
0xaa: {  	[dreg:$0x3] =	wrdreg s6  }
0xab: {  	[dreg:$0x4] =	wrdreg $0xC0  }
0xac: {  	_ =	task [dreg:s8], $0x5FFFF  }
0xad: {  	[dreg:$0x1] =	wrdreg $0xFFFFFFFF  }
0xae: {  	[dreg:$0x0] =	wrdreg $0x60  }
0xaf: {  	[dreg:$0x2] =	wrdreg s24  }
0xb0: {  	[dreg:$0x3] =	wrdreg s2  }
0xb1: {  	[dreg:$0x4] =	wrdreg s18  }
0xb2: {  	[dreg:$0x5] =	wrdreg $0x0  }
0xb3: {  	[dreg:$0x6] =	wrdreg $0x18800  }
0xb4: {  	[dreg:$0x7] =	wrdreg $0x31000  }
0xb5: {  	[dreg:$0x8] =	wrdreg $0x49800  }
0xb6: {  	[dreg:$0x9] =	wrdreg $0x62000  }
0xb7: {  	[dreg:$0xa] =	wrdreg $0x7A800  }
0xb8: {  	[dreg:$0xb] =	wrdreg $0x93000  }
0xb9: {  	[dreg:$0xc] =	wrdreg $0x9  }
0xba: {  	_ =	task.clear_ibuf [dreg:s8], $0xDFFFF;
	_ =	strace $0x90000046  }
0xbb: {  	s29 =	simm.s32 $0x9;
	_ =	strace $0x80000048  }
0xbc: {  	_ =	swait.ge [sflag:s29], $0x1  }
0xbd: {  	[sflag:s29] =	ssyncadd.s32 $0xFFFFFFFF  }
0xbe: {  	_ =	strace $0x90000048  }
0xbf: {  	_ =	sfence  }
0xc0: {  	s30 =	sld [smem:$0x0];
	_ =	sdelay $0x2  }
0xc1: {  	s31 =	sshll.u32 s1, $0xD;
	s1 =	sshrl.u32 s1, $0x2  }
0xc2: {  	s3 =	sand.u32 $0x4000, s31;
	s1 =	sadd.s32 s1, s30  }
0xc3: {  	s0 =	sor.u32 s3, s0;
	s1 =	sshll.u32 s1, $0x11  }
0xc4: {  	s0 =	sor.u32 s1, s0  }
0xc5: {  	s0 =	sadd.s32 $0x8F2B, s0  }
0xc6: {  	[sflag:s0] =	ssyncadd.remote.s32 $0x1  }
0xc7: {  	_ =	sfence.sel $0xFFFF  }
0xc8: {  	[dreg:$0x0] =	wrdreg $0xFFFFFFFF;
	(pc) =	sbr.abs _section_cstart, $3  }
0xc9: {  	[dreg:$0x1] =	wrdreg $0xFFFFFFFF  }
0xca: {  	_ =	task.clear_ibuf [dreg:s8], $0x2FFFF;
	_ =	strace $0x9FFFFFFF  }
0xcb: {  	(tm) =	ssettm $0x7FFFFFFF  }
tec
execute0_lowered:
.L_overlay_start_1:
0x0: {  	(tag) =	ssettag $0x1  }
0x1: {  	s0 =	rddreg [dreg:$0x0]  }
0x2: {  	s2 =	rddreg [dreg:$0x2]  }
0x3: {  	s1 =	rddreg [dreg:$0x3]  }
0x4: {  	s3 =	rddreg [dreg:$0x4]  }
0x5: {  	s4 =	rddreg [dreg:$0x5]  }
0x6: {  	s5 =	rddreg [dreg:$0x6]  }
0x7: {  	s6 =	rddreg [dreg:$0x7]  }
0x8: {  	s7 =	rddreg [dreg:$0x8]  }
0x9: {  	s8 =	rddreg [dreg:$0x9];
	s9 =	simm.s32 $0x0  }
0xa: {  	s20 =	stileid.u32;
	s10 =	srdreg.scid;
	s29 =	simm.s32 $0x1BE00  }
0xb: {  	s31 =	simm.s32 $0x6;
	[smem:$0x7FF] =	sst s9;
	s11 =	sadd.s32 $0xC8400, s0  }
0xc: {  	s25 =	smul.u32 $0x1880, s20;
	s12 =	sadd.s32 $0x4E00, s0;
	s10 =	sand.u32 $0x1, s10  }
0xd: {  	s15 =	smul.u32 $0x3100, s20;
	s13 =	sadd.s32 $0x24F000, s0;
	s14 =	sadd.s32 $0x18BA00, s0  }
0xe: {  	s9 =	simm.s32 $0x7;
	_ =	strace $0x80000047;
	s16 =	sshll.u32 s10, $0x7  }
0xf: {  	s26 =	ssub.s32 $0x2, s10;
	s17 =	sshrl.u32 s25, $0x3;
	s15 =	sor.u32 s16, s15  }
0x10: {  	s19 =	sshrl.u32 s26, $0x1;
	s16 =	sshll.u32 s10, $0x4;
	s1 =	sadd.s32 s25, s1  }
0x11: {  	s21 =	sadd.s32 s25, s7;
	s24 =	sadd.s32 s25, s8;
	[dreg:$0xe] =	wrdreg s1  }
0x12: {  	s10 =	simm.s32 $0x1;
	s18 =	sadd.s32 s17, s0;
	[dreg:$0x13] =	wrdreg s21  }
0x13: {  	s15 =	sshrl.u32 s15, $0x3;
	s2 =	sadd.s32 s2, s17;
	[dreg:$0x15] =	wrdreg s24  }
0x14: {  	s17 =	sadd.s32 s25, s3;
	s24 =	simm.s32 $0x2;
	[dreg:$0xb] =	wrdreg s2  }
0x15: {  	s21 =	simm.s32 $0x1D600;
	s28 =	sadd.s32 $0x312600, s18;
	[dreg:$0xf] =	wrdreg s17  }
0x16: {  	s1 =	simm.s32 $0x0;
	s30 =	sadd.s32 $0x1C00, s18;
	[dreg:$0xc] =	wrdreg s28  }
0x17: {  	s0 =	sadd.s32 s15, s0;
	s18 =	sadd.s32 s25, s4;
	[dreg:$0xd] =	wrdreg s30  }
0x18: {  	s15 =	ssub.s32 s26, s19;
	s19 =	sadd.s32 s25, s5;
	[dreg:$0x10] =	wrdreg s18  }
0x19: {  	s2 =	sor.u32 s20, s16;
	s20 =	sadd.s32 s25, s6;
	[dreg:$0x11] =	wrdreg s19  }
0x1a: {  	s16 =	simm.s32 $0x16E00;
	[dreg:$0x12] =	wrdreg s20;
	s23 =	sadd.s32 $0x315800, s0  }
0x1b: {  	s17 =	simm.s32 $0x1C600;
	s25 =	sadd.s32 $0x31BA00, s0;
	[dreg:$0x14] =	wrdreg s23  }
0x1c: {  	s22 =	smul.u32 $0x30D40, s2;
	s26 =	sadd.s32 $0x321C00, s0;
	[dreg:$0x16] =	wrdreg s25  }
0x1d: {  	s28 =	sadd.s32 $0x327E00, s0;
	s0 =	sadd.s32 $0x32E000, s0;
	[dreg:$0x17] =	wrdreg s26  }
0x1e: {  	s30 =	smax.u32 s15, $0x1;
	s18 =	simm.s32 $0x16600;
	[dreg:$0x18] =	wrdreg s28  }
0x1f: {  	s20 =	simm.s32 $0x7D0;
	s19 =	simm.s32 $0x3;
	[dreg:$0x19] =	wrdreg s0  }
0x20: {  	v0 =	vimm.f32 $0.0e+00;
	v1 =	vimm.f32 $1.000000000e+00;
	[dreg:$0x1a] =	wrdreg s30;
	s25 =	simm.s32 $0x4;
	s23 =	simm.s32 $0x5  }
.LBB2_1:
0x21: {  	[dreg:$0x1b] =	wrdreg s1  }
0x22: {  	s0 =	simm.s32 $0x0;
	s26 =	rddreg [dreg:$0xb];
	s2 =	simm.s32 $0xAB80  }
0x23: {  	[tilespmem:s2], [sflag:$0x7] =	stream.linear.gather [hbm4b:s26+s0], $0x1880, $0x38;
	[tilespmem:$0x1DE00] =	vst v63  }
0x24: {  	_ =	swait.ge [sflag:s9], $0x1880  }
0x25: {  	[sflag:s9] =	ssyncset.done $0x0  }
0x26: {  	s26 =	simm.s32 $0xC400;
	s15 =	rddreg [dreg:$0xc];
	[sflag:s9] =	ssyncadd.s32 $0xFFFFE780  }
0x27: {  	[tilespmem:s26], [sflag:$0x7] =	stream.linear.gather [hbm4b:s15+s0], $0x1880, $0x38;
	[tilespmem:$0x1DE00] =	vst v63  }
0x28: {  	_ =	swait.ge [sflag:s9], $0x1880  }
0x29: {  	[sflag:s9] =	ssyncset.done $0x0  }
0x2a: {  	s26 =	simm.s32 $0xDC80;
	s15 =	rddreg [dreg:$0xd];
	[sflag:s9] =	ssyncadd.s32 $0xFFFFE780  }
0x2b: {  	[tilespmem:s26], [sflag:$0x7] =	stream.linear.gather [hbm4b:s15+s0], $0x1880, $0x38;
	[tilespmem:$0x1DE00] =	vst v63  }
0x2c: {  	_ =	swait.ge [sflag:s9], $0x1880  }
0x2d: {  	[sflag:s9] =	ssyncset.done $0x0  }
0x2e: {  	s15 =	simm.s32 $0x0;
	[sflag:s9] =	ssyncadd.s32 $0xFFFFE780  }
0x2f: {  	v2 =	vld [tilespmem:s15+$0xC400];
	_ =	sdelay $0x4  }
0x30: {  	v6 =	vld [tilespmem:s15+$0xAB80];
	(erf) = vrcp.f32 v2  }
0x31: {  	v4 =	vld [tilespmem:s15+$0xDC80];
	_ =	sdelay $0x1  }
0x32: {  	s9 =	simm.s32 $0x10;
	[tilespmem:s15+$0xAB80] =	vst v0  }
0x33: {  	v7 =	vld [tilespmem:s9+$0xC400]  }
0x34: {  	v3 =	vld [tilespmem:s9+$0xAB80]  }
0x35: {  	v5 =	vld [tilespmem:s9+$0xDC80];
	v2 =	vmul.f32 v4, v6  }
0x36: {  	[tilespmem:s9+$0xAB80] =	vst v0  }
0x37: {  	s2 =	simm.s32 $0x20;
	[tilespmem:s15+$0x10D80] =	vst v2  }
0x38: {  	v2 =	vld [tilespmem:s2+$0xAB80];
	v9 =	vpop (erf);
	(erf) = vrcp.f32 v7  }
0x39: {  	v4 =	vld [tilespmem:s2+$0xC400]  }
0x3a: {  	v8 =	vmul.f32 v5, v3;
	v5 =	vld [tilespmem:s2+$0xDC80];
	_ =	sdelay $0x1  }
0x3b: {  	s28 =	simm.s32 $0x100;
	[tilespmem:s2+$0xAB80] =	vst v0  }
0x3c: {  	s30 =	simm.s32 $0x180;
	s0 =	simm.s32 $0x140;
	s26 =	simm.s32 $0x30;
	[tilespmem:s9+$0x10D80] =	vst v8;
	v6 =	vmul.f32 v9, v6  }
.LBB2_2:
0x3d: {  	p0 =	sne.s32 s30, $0x61C0;
	v7 =	vld [tilespmem:s26+$0xAB80];
	[tilespmem:s26+$0xAB80] =	vst v0;
	(erf) = vrcp.f32 v4;
	s1 =	smov.u32 s30;
	s30 =	sadd.s32 $0x40, s30  }
.Ltmp0:
0x3e: {  	v4 =	vld [tilespmem:s26+$0xC400];
	v8 =	vmul.f32 v5, v2;
	[tilespmem:s15+$0xF500] =	vst v6;
	s15 =	smov.u32 s9;
	s9 =	smov.u32 s2;
	(pc) =	sbr.rel @p0 .LBB2_2-.Ltmp0, $4  }
0x3f: {  	s2 =	smov.u32 s26;
	v5 =	vld [tilespmem:s26+$0xDC80]  }
0x40: {  	[tilespmem:s9+$0x10D80] =	vst v8;
	v6 =	vpop (erf)  }
0x41: {  	v6 =	vmul.f32 v6, v3;
	v3 =	vmov v2  }
0x42: {  	s26 =	sshra.s32 s28, $0x2;
	s28 =	smov.u32 s0;
	s0 =	smov.u32 s1;
	v2 =	vmov v7  }
0x43: {  	v7 =	vld [tilespmem:s26+$0xAB80];
	[tilespmem:s26+$0xAB80] =	vst v0  }
0x44: {  	v8 =	vld [tilespmem:s26+$0xC400];
	[tilespmem:s15+$0xF500] =	vst v6  }
0x45: {  	v6 =	vld [tilespmem:s26+$0xDC80];
	_ =	sdelay $0x1  }
0x46: {  	v5 =	vmul.f32 v5, v2  }
0x47: {  	v57 =	vpop (erf);
	(erf) = vrcp.f32 v4  }
0x48: {  	s1 =	sshra.s32 s28, $0x2;
	[tilespmem:s2+$0x10D80] =	vst v5;
	v3 =	vmul.f32 v57, v3  }
0x49: {  	v58 =	vld [tilespmem:s1+$0xAB80];
	[tilespmem:s1+$0xAB80] =	vst v0;
	v6 =	vmul.f32 v6, v7  }
0x4a: {  	v59 =	vld [tilespmem:s1+$0xC400];
	[tilespmem:s9+$0xF500] =	vst v3  }
0x4b: {  	s0 =	sshra.s32 s0, $0x2;
	v3 =	vld [tilespmem:s1+$0xDC80];
	[tilespmem:s26+$0x10D80] =	vst v6  }
0x4c: {  	v6 =	vld [tilespmem:s0+$0xC400];
	_ =	sdelay $0x1  }
0x4d: {  	(erf) = vrcp.f32 v8;
	_ =	sdelay $0x1  }
0x4e: {  	(erf) = vrcp.f32 v59;
	v60 =	vpop (erf)  }
0x4f: {  	v2 =	vmul.f32 v60, v2;
	(erf) = vrcp.f32 v6  }
0x50: {  	v61 =	vld [tilespmem:s0+$0xAB80];
	[tilespmem:s0+$0xAB80] =	vst v0  }
0x51: {  	[tilespmem:s2+$0xF500] =	vst v2  }
0x52: {  	v2 =	vld [tilespmem:s0+$0xDC80]  }
0x53: {  	v3 =	vmul.f32 v3, v58;
	_ =	sdelay $0x1  }
0x54: {  	v62 =	vpop (erf)  }
0x55: {  	v6 =	vmul.f32 v62, v7  }
0x56: {  	[tilespmem:s1+$0x10D80] =	vst v3;
	v3 =	vpop (erf);
	v2 =	vmul.f32 v2, v61  }
0x57: {  	[tilespmem:s26+$0xF500] =	vst v6;
	v3 =	vmul.f32 v3, v58;
	v63 =	vpop (erf)  }
0x58: {  	[tilespmem:s0+$0x10D80] =	vst v2;
	v2 =	vmul.f32 v63, v61  }
0x59: {  	[tilespmem:s1+$0xF500] =	vst v3  }
0x5a: {  	s15 =	rddreg [dreg:$0xe];
	s2 =	simm.s32 $0x7;
	s26 =	simm.s32 $0xF500;
	[tilespmem:s0+$0xF500] =	vst v2  }
0x5b: {  	[spmem:s15] =	stream.linear.scatter [tilespmem:s26], [sflag:$0x7], $0x1880, $0x38;
	[tilespmem:$0x1DE00] =	vst v63  }
0x5c: {  	_ =	swait.ge [sflag:s2], $0x1880  }
0x5d: {  	[sflag:s2] =	ssyncset.done $0x0  }
0x5e: {  	s30 =	simm.s32 $0x10D80;
	s28 =	rddreg [dreg:$0xf];
	[sflag:s2] =	ssyncadd.s32 $0xFFFFE780  }
0x5f: {  	[spmem:s28] =	stream.linear.scatter [tilespmem:s30], [sflag:$0x7], $0x1880, $0x38;
	[tilespmem:$0x1DE00] =	vst v63  }
0x60: {  	_ =	swait.ge [sflag:s2], $0x1880  }
0x61: {  	[sflag:s2] =	ssyncset.done $0x0  }
0x62: {  	s9 =	simm.s32 $0xAB80;
	s1 =	rddreg [dreg:$0x10];
	[sflag:s2] =	ssyncadd.s32 $0xFFFFE780  }
0x63: {  	[spmem:s1] =	stream.linear.scatter [tilespmem:s9], [sflag:$0x7], $0x1880, $0x38;
	[tilespmem:$0x1DE00] =	vst v63  }
0x64: {  	_ =	swait.ge [sflag:s2], $0x1880  }
0x65: {  	[sflag:s2] =	ssyncset.done $0x0  }
0x66: {  	s15 =	rddreg [dreg:$0x11];
	[sflag:s2] =	ssyncadd.s32 $0xFFFFE780  }
0x67: {  	[spmem:s15] =	stream.linear.scatter [tilespmem:s9], [sflag:$0x7], $0x1880, $0x38;
	[tilespmem:$0x1DE00] =	vst v63  }
0x68: {  	_ =	swait.ge [sflag:s2], $0x1880  }
0x69: {  	[sflag:s2] =	ssyncset.done $0x0  }
0x6a: {  	s26 =	rddreg [dreg:$0x12];
	[sflag:s2] =	ssyncadd.s32 $0xFFFFE780  }
0x6b: {  	[spmem:s26] =	stream.linear.scatter [tilespmem:s9], [sflag:$0x7], $0x1880, $0x38;
	[tilespmem:$0x1DE00] =	vst v63  }
0x6c: {  	_ =	swait.ge [sflag:s2], $0x1880  }
0x6d: {  	[sflag:s2] =	ssyncset.done $0x0  }
0x6e: {  	s28 =	rddreg [dreg:$0x13];
	[sflag:s2] =	ssyncadd.s32 $0xFFFFE780  }
0x6f: {  	[spmem:s28] =	stream.linear.scatter [tilespmem:s9], [sflag:$0x7], $0x1880, $0x38;
	[tilespmem:$0x1DE00] =	vst v63  }
0x70: {  	_ =	swait.ge [sflag:s2], $0x1880  }
0x71: {  	[sflag:s2] =	ssyncset.done $0x0  }
0x72: {  	s30 =	rddreg [dreg:$0x15];
	[sflag:s2] =	ssyncadd.s32 $0xFFFFE780  }
0x73: {  	[spmem:s30] =	stream.linear.scatter [tilespmem:s9], [sflag:$0x7], $0x1880, $0x38;
	[tilespmem:$0x1DE00] =	vst v63  }
0x74: {  	_ =	swait.ge [sflag:s2], $0x1880  }
0x75: {  	[sflag:s2] =	ssyncset.done $0x0  }
0x76: {  	s0 =	simm.s32 $0x40;
	[sflag:s2] =	ssyncadd.s32 $0xFFFFE780;
	s2 =	simm.s32 $0x0  }
.LBB2_4:
0x77: {  	p0 =	sne.s32 s0, $0x1F00;
	[tilespmem:s2+$0x1D600] =	vst v1;
	s1 =	smov.u32 s0;
	s0 =	sadd.s32 $0x40, s0  }
.Ltmp1:
0x78: {  	(pc) =	sbr.rel @p0 .LBB2_4-.Ltmp1, $2  }
0x79: {  	_ =	sdelay $0x2  }
0x7a: {  	s2 =	sshra.s32 s1, $0x2  }
0x7b: {  	[tilespmem:s2+$0x1D600] =	vst v1  }
0x7c: {  	s2 =	simm.s32 $0x0;
	s26 =	simm.s32 $0x0;
	[bflag:$0x0] =	sbarrier.arrive $0xFFFF  }
.LBB2_6:
0x7d: {  	s0 =	smul.u32 $0xFA0, s26;
	_ =	sdelay $0x1  }
0x7e: {  	s0 =	sadd.s32 s22, s0  }
0x7f: {  	s0 =	sshrl.u32 s0, $0x3  }
0x80: {  	s1 =	sadd.s32 s12, s0  }
0x81: {  	[tilespmem:s16], [sflag:$0x1] =	stream.linear.gather [hbm4b:s1+s2], $0x7D0, $0x38;
	[tilespmem:$0x1DE00] =	vst v63  }
0x82: {  	s1 =	sadd.s32 $0xFA, s0  }
0x83: {  	s9 =	sadd.s32 s12, s1  }
0x84: {  	[tilespmem:s17], [sflag:$0x2] =	stream.linear.gather [hbm4b:s9+s2], $0x7D0, $0x38;
	[tilespmem:$0x1DE00] =	vst v63  }
0x85: {  	s15 =	sadd.s32 s11, s0  }
0x86: {  	[tilespmem:s18], [sflag:$0x3] =	stream.linear.gather [hbm4b:s15+s2], $0x7D0, $0x38;
	[tilespmem:$0x1DE00] =	vst v63  }
0x87: {  	s15 =	rddreg [dreg:$0x1]  }
0x88: {  	s28 =	simm.s32 $0x17600;
	s9 =	sadd.s32 s15, s0  }
0x89: {  	[tilespmem:s28], [sflag:$0x3] =	stream.linear.gather [hbm4b:s9+s2], $0x7D0, $0x38;
	[tilespmem:$0x1DE00] =	vst v63  }
0x8a: {  	s9 =	sadd.s32 s13, s0;
	s28 =	simm.s32 $0x14600  }
0x8b: {  	[tilespmem:s28], [sflag:$0x3] =	stream.linear.gather [hbm4b:s9+s2], $0x7D0, $0x38;
	[tilespmem:$0x1DE00] =	vst v63  }
0x8c: {  	s0 =	sadd.s32 s14, s0;
	s9 =	simm.s32 $0x14E00  }
0x8d: {  	[tilespmem:s9], [sflag:$0x3] =	stream.linear.gather [hbm4b:s0+s2], $0x7D0, $0x38;
	[tilespmem:$0x1DE00] =	vst v63  }
0x8e: {  	s9 =	sadd.s32 s11, s1  }
0x8f: {  	[tilespmem:s29], [sflag:$0x3] =	stream.linear.gather [hbm4b:s9+s2], $0x7D0, $0x38;
	[tilespmem:$0x1DE00] =	vst v63  }
0x90: {  	s9 =	sadd.s32 s15, s1;
	s15 =	simm.s32 $0x1CE00  }
0x91: {  	[tilespmem:s15], [sflag:$0x3] =	stream.linear.gather [hbm4b:s9+s2], $0x7D0, $0x38;
	[tilespmem:$0x1DE00] =	vst v63  }
0x92: {  	s9 =	sadd.s32 s13, s1;
	s15 =	simm.s32 $0x19E00  }
0x93: {  	[tilespmem:s15], [sflag:$0x3] =	stream.linear.gather [hbm4b:s9+s2], $0x7D0, $0x38;
	[tilespmem:$0x1DE00] =	vst v63  }
0x94: {  	s9 =	sadd.s32 s14, s1;
	s15 =	simm.s32 $0x1A600  }
0x95: {  	[tilespmem:s15], [sflag:$0x3] =	stream.linear.gather [hbm4b:s9+s2], $0x7D0, $0x38;
	[tilespmem:$0x1DE00] =	vst v63  }
0x96: {  	_ =	swait.ge [sflag:s10], $0x7D0  }
0x97: {  	[sflag:s10] =	ssyncset.done $0x0  }
0x98: {  	[sflag:s10] =	ssyncadd.s32 $0xFFFFF830  }
0x99: {  	s9 =	simm.s32 $0x15E00;
	s0 =	rddreg [dreg:$0x3]  }
0x9a: {  	[tilespmem:s9], [sflag:$0x4] =	stream.indirect.gather [spmem:s0], $0x1, s16, s20, $0xb8;
	[tilespmem:$0x1DE00] =	vst v63  }
0x9b: {  	s15 =	simm.s32 $0x15600  }
0x9c: {  	[tilespmem:s15], [sflag:$0x4] =	stream.indirect.gather [spmem:s3], $0x1, s16, s20, $0xb8;
	[tilespmem:$0x1DE00] =	vst v63  }
0x9d: {  	_ =	swait.ge [sflag:s24], $0x7D0  }
0x9e: {  	[sflag:s24] =	ssyncset.done $0x0  }
0x9f: {  	s9 =	simm.s32 $0x1B600;
	[sflag:s24] =	ssyncadd.s32 $0xFFFFF830  }
0xa0: {  	[tilespmem:s9], [sflag:$0x5] =	stream.indirect.gather [spmem:s0], $0x1, s17, s20, $0xb8;
	[tilespmem:$0x1DE00] =	vst v63  }
0xa1: {  	s15 =	simm.s32 $0x1AE00  }
0xa2: {  	[tilespmem:s15], [sflag:$0x5] =	stream.indirect.gather [spmem:s3], $0x1, s17, s20, $0xb8;
	[tilespmem:$0x1DE00] =	vst v63  }
0xa3: {  	_ =	swait.ge [sflag:s19], $0x7D0  }
0xa4: {  	[sflag:s19] =	ssyncset.done $0x0  }
0xa5: {  	[sflag:s19] =	ssyncadd.s32 $0xFFFFF830  }
0xa6: {  	_ =	swait.ge [sflag:s19], $0x7D0  }
0xa7: {  	[sflag:s19] =	ssyncset.done $0x0  }
0xa8: {  	[sflag:s19] =	ssyncadd.s32 $0xFFFFF830  }
0xa9: {  	_ =	swait.ge [sflag:s19], $0x7D0  }
0xaa: {  	[sflag:s19] =	ssyncset.done $0x0  }
0xab: {  	[sflag:s19] =	ssyncadd.s32 $0xFFFFF830  }
0xac: {  	_ =	swait.ge [sflag:s19], $0x7D0  }
0xad: {  	[sflag:s19] =	ssyncset.done $0x0  }
0xae: {  	[sflag:s19] =	ssyncadd.s32 $0xFFFFF830  }
0xaf: {  	_ =	swait.ge [sflag:s19], $0x7D0  }
0xb0: {  	[sflag:s19] =	ssyncset.done $0x0  }
0xb1: {  	[sflag:s19] =	ssyncadd.s32 $0xFFFFF830  }
0xb2: {  	_ =	swait.ge [sflag:s19], $0x7D0  }
0xb3: {  	[sflag:s19] =	ssyncset.done $0x0  }
0xb4: {  	[sflag:s19] =	ssyncadd.s32 $0xFFFFF830  }
0xb5: {  	_ =	swait.ge [sflag:s19], $0x7D0  }
0xb6: {  	[sflag:s19] =	ssyncset.done $0x0  }
0xb7: {  	[sflag:s19] =	ssyncadd.s32 $0xFFFFF830  }
0xb8: {  	_ =	swait.ge [sflag:s19], $0x7D0  }
0xb9: {  	[sflag:s19] =	ssyncset.done $0x0  }
0xba: {  	[sflag:s19] =	ssyncadd.s32 $0xFFFFF830  }
0xbb: {  	_ =	swait.ge [sflag:s25], $0x7D0  }
0xbc: {  	[sflag:s25] =	ssyncset.done $0x0  }
0xbd: {  	[sflag:s25] =	ssyncadd.s32 $0xFFFFF830  }
0xbe: {  	_ =	swait.ge [sflag:s25], $0x7D0  }
0xbf: {  	[sflag:s25] =	ssyncset.done $0x0  }
0xc0: {  	s30 =	simm.s32 $0x0;
	[sflag:s25] =	ssyncadd.s32 $0xFFFFF830  }
0xc1: {  	v2 =	vld [tilespmem:s30+$0x17600];
	_ =	sdelay $0x4  }
0xc2: {  	v4 =	vadd.f32 $-1.000000000e+00, v2;
	_ =	sdelay $0x1  }
0xc3: {  	s28 =	simm.s32 $0x10;
	v6 =	vmul.f32 v2, v2;
	v5 =	vmul.f32 v4, v4  }
0xc4: {  	v3 =	vld [tilespmem:s28+$0x17600]  }
0xc5: {  	v4 =	vmul.f32 v5, v4;
	v5 =	vmul.f32 v6, v2;
	_ =	sdelay $0x1  }
0xc6: {  	v5 =	vmul.f32 v4, v5;
	_ =	sdelay $0x1  }
0xc7: {  	v11 =	vld [tilespmem:s30+$0x14600];
	v7 =	vadd.f32 $-1.000000000e+00, v3;
	v10 =	vmul.f32 $6.400000000e+01, v5  }
0xc8: {  	v9 =	vmul.f32 v3, v3;
	v6 =	vld [tilespmem:s30+$0x15E00]  }
0xc9: {  	v13 =	vld [tilespmem:s30+$0x15600];
	v8 =	vmul.f32 v7, v7;
	v4 =	vmul.f32 v4, v2;
	v12 =	vadd.f32 v10, v10  }
0xca: {  	s9 =	simm.s32 $0x20;
	v15 =	vmul.f32 v9, v3;
	v9 =	vld [tilespmem:s30+$0x14E00]  }
0xcb: {  	v14 =	vmul.f32 v8, v7;
	v4 =	vmul.f32 $1.782535350e+04, v4;
	v5 =	vld [tilespmem:s9+$0x17600];
	v12 =	vadd.f32 $1.000000000e+00, v12  }
0xcc: {  	vm0 =	vle.f32 v2, $5.000000000e-01;
	v8 =	vld [tilespmem:s28+$0x15E00]  }
0xcd: {  	v16 =	vmul.f32 v14, v3;
	v7 =	vmul.f32 v4, v6;
	v6 =	vld [tilespmem:s9+$0x15E00];
	v4 =	vsel vm0, v12, v10  }
0xce: {  	v15 =	vmul.f32 v14, v15;
	v17 =	vmul.f32 v4, v13;
	v4 =	vld [tilespmem:s9+$0x14600]  }
0xcf: {  	v12 =	vmul.f32 v7, v11  }
0xd0: {  	v2 =	vld [tilespmem:s28+$0x14600];
	v14 =	vmul.f32 $1.782535350e+04, v16;
	v10 =	vmul.f32 $6.400000000e+01, v15;
	v13 =	vadd.f32 $-1.000000000e+00, v5  }
0xd1: {  	v18 =	vmul.f32 v5, v5;
	[tilespmem:s30+$0x13600] =	vst v12;
	v15 =	vmul.f32 v17, v9  }
0xd2: {  	s0 =	simm.s32 $0x100;
	s15 =	simm.s32 $0x30;
	v16 =	vadd.f32 v10, v10;
	v12 =	vmul.f32 v17, v11;
	v17 =	vmul.f32 v13, v13;
	v11 =	vld [tilespmem:s28+$0x15600]  }
.LBB2_7:
0xd3: {  	p0 =	sne.s32 s0, $0x1F00;
	v19 =	vld [tilespmem:s15+$0x17600];
	v20 =	vmul.f32 v7, v9;
	v7 =	vmul.f32 v14, v8;
	[tilespmem:s30+$0x12E00] =	vst v15;
	v8 =	vmovc v6;
	v21 =	vmov v4  }
0xd4: {  	v13 =	vmul.f32 v17, v13;
	v14 =	vmul.f32 v18, v5;
	v9 =	vld [tilespmem:s28+$0x14E00];
	v15 =	vadd.f32 $1.000000000e+00, v16;
	[tilespmem:s30+$0x12600] =	vst v12  }
0xd5: {  	vm0 =	vle.f32 v3, $5.000000000e-01;
	v3 =	vmov v5;
	v6 =	vld [tilespmem:s15+$0x15E00];
	v12 =	vmul.f32 v7, v2;
	[tilespmem:s30+$0x13E00] =	vst v20;
	s30 =	smov.u32 s28;
	s28 =	smov.u32 s9;
	s9 =	smov.u32 s15  }
.Ltmp2:
0xd6: {  	v4 =	vld [tilespmem:s9+$0x14600];
	v17 =	vmul.f32 v13, v3;
	v16 =	vmul.f32 v13, v14;
	v10 =	vsel vm0, v15, v10;
	(pc) =	sbr.rel @p0 .LBB2_7-.Ltmp2, $4  }
0xd7: {  	v11 =	vmul.f32 v10, v11;
	[tilespmem:s30+$0x13600] =	vst v12  }
0xd8: {  	v13 =	vadd.f32 $-1.000000000e+00, v19;
	v14 =	vmul.f32 $1.782535350e+04, v17;
	v10 =	vmul.f32 $6.400000000e+01, v16;
	v5 =	vmovc v19  }
0xd9: {  	v12 =	vmul.f32 v11, v2;
	v15 =	vmul.f32 v11, v9;
	v2 =	vmov v21  }
0xda: {  	s15 =	sshra.s32 s0, $0x2;
	s0 =	sadd.s32 $0x40, s0;
	v18 =	vmul.f32 v19, v5;
	v17 =	vmul.f32 v13, v13;
	v16 =	vadd.f32 v10, v10;
	v11 =	vld [tilespmem:s28+$0x15600]  }
0xdb: {  	v19 =	vld [tilespmem:s15+$0x17600];
	[tilespmem:s30+$0x12E00] =	vst v15  }
0xdc: {  	v13 =	vmul.f32 v17, v13;
	v15 =	vmul.f32 v18, v5;
	v17 =	vld [tilespmem:s28+$0x14E00];
	v16 =	vadd.f32 $1.000000000e+00, v16  }
0xdd: {  	v8 =	vmul.f32 v14, v8;
	v7 =	vmul.f32 v7, v9;
	vm0 =	vle.f32 v3, $5.000000000e-01  }
0xde: {  	[tilespmem:s30+$0x12600] =	vst v12;
	v9 =	vmul.f32 v13, v15;
	v10 =	vsel vm0, v16, v10  }
0xdf: {  	v3 =	vld [tilespmem:s15+$0x15E00];
	v12 =	vmul.f32 v8, v2;
	[tilespmem:s30+$0x13E00] =	vst v7;
	v7 =	vmul.f32 v10, v11  }
0xe0: {  	v11 =	vadd.f32 $-1.000000000e+00, v19;
	v9 =	vmul.f32 $6.400000000e+01, v9  }
0xe1: {  	v13 =	vmul.f32 v13, v5;
	v10 =	vld [tilespmem:s15+$0x14600];
	[tilespmem:s28+$0x13600] =	vst v12;
	v12 =	vmul.f32 v7, v17  }
0xe2: {  	v15 =	vmul.f32 v19, v19;
	v18 =	vld [tilespmem:s9+$0x15600];
	v14 =	vmul.f32 v11, v11;
	v16 =	vadd.f32 v9, v9  }
0xe3: {  	v13 =	vmul.f32 $1.782535350e+04, v13;
	[tilespmem:s28+$0x12E00] =	vst v12  }
0xe4: {  	v12 =	vmul.f32 v15, v19;
	v11 =	vmul.f32 v14, v11;
	v14 =	vld [tilespmem:s9+$0x14E00];
	v15 =	vadd.f32 $1.000000000e+00, v16  }
0xe5: {  	vm13 =	vle.f32 v5, $5.000000000e-01;
	v2 =	vmul.f32 v7, v2;
	v6 =	vmul.f32 v13, v6  }
0xe6: {  	v5 =	vmul.f32 v8, v17;
	v7 =	vmul.f32 v11, v12;
	v8 =	vsel vm13, v15, v9  }
0xe7: {  	[tilespmem:s28+$0x12600] =	vst v2;
	v2 =	vmul.f32 v6, v4;
	v8 =	vmul.f32 v8, v18  }
0xe8: {  	[tilespmem:s28+$0x13E00] =	vst v5;
	v5 =	vmul.f32 $6.400000000e+01, v7  }
0xe9: {  	[tilespmem:s9+$0x13600] =	vst v2;
	v2 =	vmul.f32 v8, v14  }
0xea: {  	v7 =	vmul.f32 v11, v19;
	v11 =	vld [tilespmem:s15+$0x15600];
	v9 =	vadd.f32 v5, v5  }
0xeb: {  	[tilespmem:s9+$0x12E00] =	vst v2  }
0xec: {  	v2 =	vmul.f32 $1.782535350e+04, v7;
	v7 =	vld [tilespmem:s15+$0x14E00];
	v9 =	vadd.f32 $1.000000000e+00, v9  }
0xed: {  	vm14 =	vle.f32 v19, $5.000000000e-01  }
0xee: {  	v4 =	vmul.f32 v8, v4;
	v2 =	vmul.f32 v2, v3;
	v3 =	vsel vm14, v9, v5  }
0xef: {  	v5 =	vmul.f32 v6, v14;
	v3 =	vmul.f32 v3, v11  }
0xf0: {  	[tilespmem:s9+$0x12600] =	vst v4;
	v4 =	vmul.f32 v2, v10  }
0xf1: {  	[tilespmem:s9+$0x13E00] =	vst v5;
	v5 =	vmul.f32 v3, v7  }
0xf2: {  	[tilespmem:s15+$0x13600] =	vst v4;
	v3 =	vmul.f32 v3, v10  }
0xf3: {  	v2 =	vmul.f32 v2, v7;
	[tilespmem:s15+$0x12E00] =	vst v5  }
0xf4: {  	[tilespmem:s15+$0x12600] =	vst v3  }
0xf5: {  	s0 =	simm.s32 $0x13600;
	[tilespmem:s15+$0x13E00] =	vst v2  }
0xf6: {  	[spmem:s4] =	stream.indirect.scatter.add.f32 [tilespmem:s0], [sflag:$0x6], $0x1, s18, s20, $0xb8;
	[tilespmem:$0x1DE00] =	vst v63  }
0xf7: {  	s1 =	simm.s32 $0x13E00  }
0xf8: {  	[spmem:s5] =	stream.indirect.scatter.add.f32 [tilespmem:s1], [sflag:$0x6], $0x1, s18, s20, $0xb8;
	[tilespmem:$0x1DE00] =	vst v63  }
0xf9: {  	s9 =	simm.s32 $0x12600  }
0xfa: {  	[spmem:s6] =	stream.indirect.scatter.add.f32 [tilespmem:s9], [sflag:$0x6], $0x1, s18, s20, $0xb8;
	[tilespmem:$0x1DE00] =	vst v63  }
0xfb: {  	s15 =	simm.s32 $0x12E00  }
0xfc: {  	[spmem:s7] =	stream.indirect.scatter.add.f32 [tilespmem:s15], [sflag:$0x6], $0x1, s18, s20, $0xb8;
	[tilespmem:$0x1DE00] =	vst v63  }
0xfd: {  	_ = 	snop  }
0xfe: {  	[spmem:s8] =	stream.indirect.scatter.add.f32 [tilespmem:s21], [sflag:$0x6], $0x1, s18, s20, $0xb8;
	[tilespmem:$0x1DE00] =	vst v63  }
0xff: {  	_ =	swait.ge [sflag:s23], $0x7D0  }
0x100: {  	[sflag:s23] =	ssyncset.done $0x0  }
0x101: {  	[sflag:s23] =	ssyncadd.s32 $0xFFFFF830  }
0x102: {  	_ =	swait.ge [sflag:s23], $0x7D0  }
0x103: {  	[sflag:s23] =	ssyncset.done $0x0  }
0x104: {  	s30 =	simm.s32 $0x0;
	[sflag:s23] =	ssyncadd.s32 $0xFFFFF830  }
0x105: {  	v2 =	vld [tilespmem:s30+$0x1CE00];
	_ =	sdelay $0x4  }
0x106: {  	v4 =	vadd.f32 $-1.000000000e+00, v2;
	_ =	sdelay $0x1  }
0x107: {  	s28 =	simm.s32 $0x10;
	v6 =	vmul.f32 v2, v2;
	v5 =	vmul.f32 v4, v4  }
0x108: {  	v3 =	vld [tilespmem:s28+$0x1CE00]  }
0x109: {  	v4 =	vmul.f32 v5, v4;
	v5 =	vmul.f32 v6, v2;
	_ =	sdelay $0x1  }
0x10a: {  	v5 =	vmul.f32 v4, v5;
	_ =	sdelay $0x1  }
0x10b: {  	v11 =	vld [tilespmem:s30+$0x19E00];
	v7 =	vadd.f32 $-1.000000000e+00, v3;
	v10 =	vmul.f32 $6.400000000e+01, v5  }
0x10c: {  	v9 =	vmul.f32 v3, v3;
	v6 =	vld [tilespmem:s30+$0x1B600]  }
0x10d: {  	v13 =	vld [tilespmem:s30+$0x1AE00];
	v8 =	vmul.f32 v7, v7;
	v4 =	vmul.f32 v4, v2;
	v12 =	vadd.f32 v10, v10  }
0x10e: {  	s9 =	simm.s32 $0x20;
	v15 =	vmul.f32 v9, v3;
	v9 =	vld [tilespmem:s30+$0x1A600]  }
0x10f: {  	v14 =	vmul.f32 v8, v7;
	v4 =	vmul.f32 $1.782535350e+04, v4;
	v5 =	vld [tilespmem:s9+$0x1CE00];
	v12 =	vadd.f32 $1.000000000e+00, v12  }
0x110: {  	vm15 =	vle.f32 v2, $5.000000000e-01;
	v8 =	vld [tilespmem:s28+$0x1B600]  }
0x111: {  	v16 =	vmul.f32 v14, v3;
	v7 =	vmul.f32 v4, v6;
	v6 =	vld [tilespmem:s9+$0x1B600];
	v4 =	vsel vm15, v12, v10  }
0x112: {  	v15 =	vmul.f32 v14, v15;
	v17 =	vmul.f32 v4, v13;
	v4 =	vld [tilespmem:s9+$0x19E00]  }
0x113: {  	v12 =	vmul.f32 v7, v11  }
0x114: {  	v2 =	vld [tilespmem:s28+$0x19E00];
	v14 =	vmul.f32 $1.782535350e+04, v16;
	v10 =	vmul.f32 $6.400000000e+01, v15;
	v13 =	vadd.f32 $-1.000000000e+00, v5  }
0x115: {  	v18 =	vmul.f32 v5, v5;
	[tilespmem:s30+$0x18E00] =	vst v12;
	v15 =	vmul.f32 v17, v9  }
0x116: {  	s0 =	simm.s32 $0x100;
	s15 =	simm.s32 $0x30;
	v16 =	vadd.f32 v10, v10;
	v12 =	vmul.f32 v17, v11;
	v17 =	vmul.f32 v13, v13;
	v11 =	vld [tilespmem:s28+$0x1AE00]  }
.LBB2_9:
0x117: {  	p0 =	sne.s32 s0, $0x1F00;
	v19 =	vld [tilespmem:s15+$0x1CE00];
	v20 =	vmul.f32 v7, v9;
	v7 =	vmul.f32 v14, v8;
	[tilespmem:s30+$0x18600] =	vst v15;
	v8 =	vmovc v6;
	v21 =	vmov v4  }
0x118: {  	v13 =	vmul.f32 v17, v13;
	v14 =	vmul.f32 v18, v5;
	v9 =	vld [tilespmem:s28+$0x1A600];
	v15 =	vadd.f32 $1.000000000e+00, v16;
	[tilespmem:s30+$0x17E00] =	vst v12  }
0x119: {  	vm0 =	vle.f32 v3, $5.000000000e-01;
	v3 =	vmov v5;
	v6 =	vld [tilespmem:s15+$0x1B600];
	v12 =	vmul.f32 v7, v2;
	[tilespmem:s30+$0x19600] =	vst v20;
	s30 =	smov.u32 s28;
	s28 =	smov.u32 s9;
	s9 =	smov.u32 s15  }
.Ltmp3:
0x11a: {  	v4 =	vld [tilespmem:s9+$0x19E00];
	v17 =	vmul.f32 v13, v3;
	v16 =	vmul.f32 v13, v14;
	v10 =	vsel vm0, v15, v10;
	(pc) =	sbr.rel @p0 .LBB2_9-.Ltmp3, $4  }
0x11b: {  	v11 =	vmul.f32 v10, v11;
	[tilespmem:s30+$0x18E00] =	vst v12  }
0x11c: {  	v13 =	vadd.f32 $-1.000000000e+00, v19;
	v14 =	vmul.f32 $1.782535350e+04, v17;
	v10 =	vmul.f32 $6.400000000e+01, v16;
	v5 =	vmovc v19  }
0x11d: {  	v12 =	vmul.f32 v11, v2;
	v15 =	vmul.f32 v11, v9;
	v2 =	vmov v21  }
0x11e: {  	s15 =	sshra.s32 s0, $0x2;
	s0 =	sadd.s32 $0x40, s0;
	v18 =	vmul.f32 v19, v5;
	v17 =	vmul.f32 v13, v13;
	v16 =	vadd.f32 v10, v10;
	v11 =	vld [tilespmem:s28+$0x1AE00]  }
0x11f: {  	v19 =	vld [tilespmem:s15+$0x1CE00];
	[tilespmem:s30+$0x18600] =	vst v15  }
0x120: {  	v13 =	vmul.f32 v17, v13;
	v37 =	vmul.f32 v18, v5;
	v38 =	vld [tilespmem:s28+$0x1A600];
	v16 =	vadd.f32 $1.000000000e+00, v16  }
0x121: {  	v8 =	vmul.f32 v14, v8;
	vm0 =	vle.f32 v3, $5.000000000e-01  }
0x122: {  	v7 =	vmul.f32 v7, v9;
	v39 =	vmul.f32 v13, v37;
	v10 =	vsel vm0, v16, v10  }
0x123: {  	[tilespmem:s30+$0x17E00] =	vst v12;
	v40 =	vmul.f32 v8, v2;
	v41 =	vmul.f32 v10, v11  }
0x124: {  	v3 =	vld [tilespmem:s15+$0x1B600];
	[tilespmem:s30+$0x19600] =	vst v7;
	v43 =	vadd.f32 $-1.000000000e+00, v19;
	v9 =	vmul.f32 $6.400000000e+01, v39  }
0x125: {  	v42 =	vld [tilespmem:s15+$0x19E00];
	v13 =	vmul.f32 v13, v5;
	[tilespmem:s28+$0x18E00] =	vst v40;
	v44 =	vmul.f32 v41, v38  }
0x126: {  	v46 =	vmul.f32 v19, v19;
	v48 =	vld [tilespmem:s9+$0x1AE00];
	v45 =	vmul.f32 v43, v43;
	v47 =	vadd.f32 v9, v9  }
0x127: {  	v13 =	vmul.f32 $1.782535350e+04, v13;
	[tilespmem:s28+$0x18600] =	vst v44  }
0x128: {  	v49 =	vmul.f32 v46, v19;
	v11 =	vmul.f32 v45, v43;
	v50 =	vld [tilespmem:s9+$0x1A600];
	v51 =	vadd.f32 $1.000000000e+00, v47  }
0x129: {  	vm14 =	vle.f32 v5, $5.000000000e-01;
	v2 =	vmul.f32 v41, v2;
	v6 =	vmul.f32 v13, v6  }
0x12a: {  	v52 =	vmul.f32 v8, v38;
	v53 =	vmul.f32 v11, v49;
	v54 =	vsel vm14, v51, v9  }
0x12b: {  	[tilespmem:s28+$0x17E00] =	vst v2;
	v2 =	vmul.f32 v6, v4;
	v8 =	vmul.f32 v54, v48  }
0x12c: {  	[tilespmem:s28+$0x19600] =	vst v52;
	v55 =	vmul.f32 $6.400000000e+01, v53  }
0x12d: {  	[tilespmem:s9+$0x18E00] =	vst v2;
	v2 =	vmul.f32 v8, v50  }
0x12e: {  	v56 =	vmul.f32 v11, v19;
	v58 =	vld [tilespmem:s15+$0x1AE00];
	v57 =	vadd.f32 v55, v55  }
0x12f: {  	[tilespmem:s9+$0x18600] =	vst v2  }
0x130: {  	v2 =	vmul.f32 $1.782535350e+04, v56;
	v59 =	vld [tilespmem:s15+$0x1A600];
	v9 =	vadd.f32 $1.000000000e+00, v57  }
0x131: {  	vm15 =	vle.f32 v19, $5.000000000e-01  }
0x132: {  	v60 =	vmul.f32 v8, v4;
	v2 =	vmul.f32 v2, v3;
	v3 =	vsel vm15, v9, v55  }
0x133: {  	v61 =	vmul.f32 v6, v50;
	v3 =	vmul.f32 v3, v58  }
0x134: {  	[tilespmem:s9+$0x17E00] =	vst v60;
	v62 =	vmul.f32 v2, v42  }
0x135: {  	[tilespmem:s9+$0x19600] =	vst v61;
	v63 =	vmul.f32 v3, v59  }
0x136: {  	[tilespmem:s15+$0x18E00] =	vst v62;
	v3 =	vmul.f32 v3, v42  }
0x137: {  	v2 =	vmul.f32 v2, v59;
	[tilespmem:s15+$0x18600] =	vst v63  }
0x138: {  	[tilespmem:s15+$0x17E00] =	vst v3  }
0x139: {  	s0 =	simm.s32 $0x18E00;
	[tilespmem:s15+$0x19600] =	vst v2  }
0x13a: {  	[spmem:s4] =	stream.indirect.scatter.add.f32 [tilespmem:s0], [sflag:$0x6], $0x1, s29, s20, $0xb8;
	[tilespmem:$0x1DE00] =	vst v63  }
0x13b: {  	s15 =	simm.s32 $0x19600  }
0x13c: {  	[spmem:s5] =	stream.indirect.scatter.add.f32 [tilespmem:s15], [sflag:$0x6], $0x1, s29, s20, $0xb8;
	[tilespmem:$0x1DE00] =	vst v63  }
0x13d: {  	s28 =	simm.s32 $0x17E00  }
0x13e: {  	[spmem:s6] =	stream.indirect.scatter.add.f32 [tilespmem:s28], [sflag:$0x6], $0x1, s29, s20, $0xb8;
	[tilespmem:$0x1DE00] =	vst v63  }
0x13f: {  	s30 =	simm.s32 $0x18600  }
0x140: {  	[spmem:s7] =	stream.indirect.scatter.add.f32 [tilespmem:s30], [sflag:$0x6], $0x1, s29, s20, $0xb8;
	[tilespmem:$0x1DE00] =	vst v63  }
0x141: {  	_ = 	snop  }
0x142: {  	[spmem:s8] =	stream.indirect.scatter.add.f32 [tilespmem:s21], [sflag:$0x6], $0x1, s29, s20, $0xb8;
	[tilespmem:$0x1DE00] =	vst v63  }
0x143: {  	_ =	swait.ge [sflag:s31], $0x7D0  }
0x144: {  	[sflag:s31] =	ssyncset.done $0x0  }
0x145: {  	[sflag:s31] =	ssyncadd.s32 $0xFFFFF830  }
0x146: {  	_ =	swait.ge [sflag:s31], $0x7D0  }
0x147: {  	[sflag:s31] =	ssyncset.done $0x0  }
0x148: {  	[sflag:s31] =	ssyncadd.s32 $0xFFFFF830  }
0x149: {  	_ =	swait.ge [sflag:s31], $0x7D0  }
0x14a: {  	[sflag:s31] =	ssyncset.done $0x0  }
0x14b: {  	[sflag:s31] =	ssyncadd.s32 $0xFFFFF830  }
0x14c: {  	_ =	swait.ge [sflag:s31], $0x7D0  }
0x14d: {  	[sflag:s31] =	ssyncset.done $0x0  }
0x14e: {  	[sflag:s31] =	ssyncadd.s32 $0xFFFFF830  }
0x14f: {  	_ =	swait.ge [sflag:s31], $0x7D0  }
0x150: {  	[sflag:s31] =	ssyncset.done $0x0  }
0x151: {  	[sflag:s31] =	ssyncadd.s32 $0xFFFFF830  }
0x152: {  	_ =	swait.ge [sflag:s31], $0x7D0  }
0x153: {  	[sflag:s31] =	ssyncset.done $0x0  }
0x154: {  	[sflag:s31] =	ssyncadd.s32 $0xFFFFF830  }
0x155: {  	_ =	swait.ge [sflag:s31], $0x7D0  }
0x156: {  	[sflag:s31] =	ssyncset.done $0x0  }
0x157: {  	[sflag:s31] =	ssyncadd.s32 $0xFFFFF830  }
0x158: {  	_ =	swait.ge [sflag:s31], $0x7D0  }
0x159: {  	[sflag:s31] =	ssyncset.done $0x0  }
0x15a: {  	s26 =	sadd.s32 $0x1, s26;
	[sflag:s31] =	ssyncadd.s32 $0xFFFFF830  }
0x15b: {  	p0 =	sne.s32 s26, $0x32;
	_ =	swait.ge [sflag:s31], $0x7D0  }
.Ltmp4:
0x15c: {  	[sflag:s31] =	ssyncset.done $0x0;
	(pc) =	sbr.rel @p0 .LBB2_6-.Ltmp4, $4  }
0x15d: {  	[sflag:s31] =	ssyncadd.s32 $0xFFFFF830  }
0x15e: {  	_ =	swait.ge [sflag:s31], $0x7D0  }
0x15f: {  	[sflag:s31] =	ssyncset.done $0x0  }
0x160: {  	[sflag:s31] =	ssyncadd.s32 $0xFFFFF830  }
0x161: {  	s0 =	stileid.u32  }
0x162: {  	[bflag:$0x0] =	sbarrier.arrive $0xFFFF;
	s15 =	simm.s32 $0x20;
	s26 =	simm.s32 $0x10  }
0x163: {  	s9 =	simm.s32 $0x7;
	s0 =	sshll.u32 s0, $0x6;
	s1 =	rddreg [dreg:$0x10]  }
0x164: {  	s2 =	rddreg [dreg:$0x14];
	s0 =	sor.u32 $0x1C07, s0;
	s1 =	sshrl.u32 s1, $0x3  }
0x165: {  	[hbm:s2@s15], [sflag:s0] =	dma.strided [spmem:s1@s26], $0x310, s10, $0x10   }
0x166: {  	_ =	swait.ge [sflag:s9], $0x310  }
0x167: {  	[sflag:s9] =	ssyncset.done $0x0;
	s28 =	rddreg [dreg:$0x11]  }
0x168: {  	s30 =	rddreg [dreg:$0x16];
	[sflag:s9] =	ssyncadd.s32 $0xFFFFFCF0;
	s1 =	sshrl.u32 s28, $0x3  }
0x169: {  	[hbm:s30@s15], [sflag:s0] =	dma.strided [spmem:s1@s26], $0x310, s10, $0x10   }
0x16a: {  	_ =	swait.ge [sflag:s9], $0x310  }
0x16b: {  	[sflag:s9] =	ssyncset.done $0x0;
	s28 =	rddreg [dreg:$0x12]  }
0x16c: {  	s30 =	rddreg [dreg:$0x17];
	[sflag:s9] =	ssyncadd.s32 $0xFFFFFCF0;
	s1 =	sshrl.u32 s28, $0x3  }
0x16d: {  	[hbm:s30@s15], [sflag:s0] =	dma.strided [spmem:s1@s26], $0x310, s10, $0x10   }
0x16e: {  	_ =	swait.ge [sflag:s9], $0x310  }
0x16f: {  	[sflag:s9] =	ssyncset.done $0x0;
	s28 =	rddreg [dreg:$0x13]  }
0x170: {  	s30 =	rddreg [dreg:$0x18];
	[sflag:s9] =	ssyncadd.s32 $0xFFFFFCF0;
	s1 =	sshrl.u32 s28, $0x3  }
0x171: {  	[hbm:s30@s15], [sflag:s0] =	dma.strided [spmem:s1@s26], $0x310, s10, $0x10   }
0x172: {  	_ =	swait.ge [sflag:s9], $0x310  }
0x173: {  	[sflag:s9] =	ssyncset.done $0x0;
	s28 =	rddreg [dreg:$0x15]  }
0x174: {  	s30 =	rddreg [dreg:$0x19];
	[sflag:s9] =	ssyncadd.s32 $0xFFFFFCF0;
	s1 =	sshrl.u32 s28, $0x3  }
0x175: {  	[hbm:s30@s15], [sflag:s0] =	dma.strided [spmem:s1@s26], $0x310, s10, $0x10   }
0x176: {  	_ =	swait.ge [sflag:s9], $0x310  }
0x177: {  	s28 =	rddreg [dreg:$0x1b]  }
0x178: {  	s30 =	rddreg [dreg:$0x1a];
	s1 =	sadd.s32 $0x1, s28  }
0x179: {  	p0 =	sne.s32 s1, s30  }
.Ltmp5:
0x17a: {  	_ = 	snop;
	(pc) =	sbr.rel @p0 .LBB2_1-.Ltmp5, $3  }
0x17b: {  	_ =	sdelay $0x1  }
0x17c: {  	[sflag:s9] =	ssyncset.done $0x0  }
0x17d: {  	[sflag:s9] =	ssyncadd.s32 $0xFFFFFCF0  }
0x17e: {  	_ =	sfence.sel $0x180000  }
0x17f: {  	[bflag:$0x0] =	sbarrier.arrive $0xFFFF  }
0x180: {  	_ =	strace $0x90000047  }
0x181: {  	s0 =	stileid.u32;
	[bflag:$0x2] =	sbarrier.arrive $0xFFFF  }
0x182: {  	p0 =	sne.s32 s0, $0x0;
	s0 =	rddreg [dreg:$0xa]  }
0x183: {  	s0 =	sadd.s32 @!p0 $0x100000, s0  }
0x184: {  	[sflag:s0] =	ssyncadd.tile.s32 @!p0 $0x1;
	_ =	shalt  }
.Lfunc_end2:
_tile_overlayer_lowered:
.L_overlay_start_2:
0x185: {  	(tag) =	ssettag $0x2  }
0x186: {  	s0 =	rddreg [dreg:$0x0];
	s2 =	stileid.u32  }
0x187: {  	s1 =	rddreg [dreg:$0x1];
	p0 =	sne.s32 s2, $0x0  }
0x188: {  	s3 =	rddreg [dreg:$0x2];
	[bflag:$0x3] =	sbarrier.arrive $0xFFFF;
	s2 =	simm.s32 @!p0 $0x1C07  }
0x189: {  	[timem:s3], [sflag:s2] =	dma.local @!p0 [hbm:s0], s1  }
0x18a: {  	s0 =	simm.s32 @!p0 $0x7  }
0x18b: {  	_ =	swait.ge @!p0 [sflag:s0], s1  }
0x18c: {  	s1 =	ssub.s32 @!p0 $0x0, s1;
	[sflag:s0] =	ssyncset.done @!p0 $0x0  }
0x18d: {  	[sflag:s0] =	ssyncadd.s32 @!p0 s1  }
0x18e: {  	[bflag:$0x3] =	sbarrier.arrive $0xFFFF  }
0x18f: {  	_ =	shalt  }

// kernel: kernel.8.cloned.1.call-start
scs
__scs_entry_jumppad:
0x0: {  	(pc) =	sbr.rel $0x88, $3  }
0x1: {  	(tag) =	ssettag $0x0;
	lr =	simm.s32 $0x1  }
0x2: {  	[smem:$0x3F9B] =	sst lr;
	_ =	strace $0xD0000000  }
0x3: {  	_ = 	snop  }
0x4: {  	_ = 	snop  }
0x5: {  	_ = 	snop  }
0x6: {  	_ = 	snop  }
0x7: {  	_ = 	snop  }
__scs_overlays_trampoline_lowered:
0x8: {  	[smem:$0x3FAA] =	sst s0  }
0x9: {  	[smem:$0x3FAB] =	sst s1  }
0xa: {  	[smem:$0x3FAC] =	sst s2  }
0xb: {  	[smem:$0x3FAD] =	sst s3  }
0xc: {  	[smem:$0x3FAE] =	sst s4  }
0xd: {  	[smem:$0x3FAF] =	sst s5  }
0xe: {  	[smem:$0x3FB0] =	sst s6  }
0xf: {  	[smem:$0x3FB1] =	sst s7  }
0x10: {  	[smem:$0x3FB2] =	sst s8  }
0x11: {  	[smem:$0x3FB3] =	sst s9;
	s0 =	simm.s32 @!p0 $0x0  }
0x12: {  	s1 =	sld [smem:$0x3F99];
	s0 =	simm.s32 @p0 $0x1  }
0x13: {  	[smem:$0x3FB4] =	sst s0;
	s0 =	simm.s32 @!p1 $0x0  }
0x14: {  	s2 =	sld [smem:$0x3F98];
	s0 =	simm.s32 @p1 $0x1  }
0x15: {  	[smem:$0x3FB5] =	sst s0;
	s0 =	simm.s32 @!p2 $0x0  }
0x16: {  	s3 =	sld [smem:$0x3FDB];
	s0 =	simm.s32 @p2 $0x1  }
0x17: {  	s4 =	simm.s32 $0x1BF5;
	[smem:$0x3FB7] =	sst s0  }
0x18: {  	s0 =	sld [smem:$0x3F9A];
	_ =	swait.ge [sflag:s4], $0x0  }
0x19: {  	s7 =	sld [smem:$0x3F9B]  }
0x1a: {  	s8 =	sadd.s32 $0xFFFFE003, lr  }
0x1b: {  	s9 =	sadd.s32 $0xFFFFFEF7, lr;
	s5 =	simm.s32 $0xFFFFFFFF;
	p2 =	slt.u32 s8, $0xFFFFF086  }
0x1c: {  	p1 =	slt.u32 s9, $0xF7A;
	s5 =	simm.s32 @!p2 $0x0  }
0x1d: {  	s5 =	simm.s32 @p1 $0x1;
	p0 =	seq.s32 s7, s2  }
0x1e: {  	s7 =	smul.u32 @!p0 $0xF7A, s2;
	p2 =	seq.s32 @!p0 s5, $0x0  }
0x1f: {  	s9 =	smul.u32 $0xF7A, s1;
	s8 =	simm.s32 @!p0 $0x1BF5;
	p2 =	por !p2, p0  }
0x20: {  	[sflag:s8] =	ssyncset.s32 @!p0 $0xFFFFF086;
	s6 =	sadd.s32 @!p0 s3, s7;
	s7 =	simm.s32 @!p0 $0x108  }
0x21: {  	s3 =	sadd.s32 s3, s9;
	s6 =	sadd.s32 @!p0 $0x88, s6;
	s7 =	simm.s32 @p2 $0x1082  }
0x22: {  	[simem:s7], [sflag:s8] =	dma.local @!p0 [hbm:s6], $0xF7A  }
0x23: {  	s9 =	sor.u32 $0xD0000000, s2;
	s6 =	simm.s32 $0x108;
	_ =	swait.ge @!p0 [sflag:s8], $0x0  }
0x24: {  	s3 =	sadd.s32 $0x88, s3;
	s6 =	simm.s32 @!p1 $0x1082;
	[sflag:s4] =	ssyncset.s32 $0xFFFFF086  }
0x25: {  	[simem:s6], [sflag:s4] =	dma.local [hbm:s3], $0xF7A  }
0x26: {  	[smem:$0x3F9B] =	sst s1;
	(tag) =	ssettag s2;
	_ =	strace s9  }
0x27: {  	s1 =	sld [smem:$0x3FAB]  }
0x28: {  	s2 =	sld [smem:$0x3FAC]  }
0x29: {  	s4 =	sld [smem:$0x3FAE]  }
0x2a: {  	p0 =	seq.s32 s5, $0x0;
	s5 =	sld [smem:$0x3FAF]  }
0x2b: {  	s6 =	sld [smem:$0x3FB0]  }
0x2c: {  	s7 =	sld [smem:$0x3FB1]  }
0x2d: {  	s3 =	simm.s32 $0x108;
	s8 =	sld [smem:$0x3FB2]  }
0x2e: {  	s3 =	simm.s32 @!p0 $0x1082;
	s9 =	sld [smem:$0x3FB3]  }
0x2f: {  	lr =	sadd.s32 s0, s3;
	s0 =	sld [smem:$0x3FAA]  }
0x30: {  	s3 =	sld [smem:$0x3FAD]  }
0x31: {  	[smem:$0x3FB6] =	sst s10  }
0x32: {  	s10 =	sld [smem:$0x3FB4];
	_ =	sdelay $0x3  }
0x33: {  	p0 =	seq.s32 s10, $0x1;
	s10 =	sld [smem:$0x3FB6];
	_ =	sdelay $0x3  }
0x34: {  	[smem:$0x3FB6] =	sst s10  }
0x35: {  	s10 =	sld [smem:$0x3FB5];
	_ =	sdelay $0x3  }
0x36: {  	p1 =	seq.s32 s10, $0x1;
	s10 =	sld [smem:$0x3FB6];
	_ =	sdelay $0x3  }
0x37: {  	[smem:$0x3FB6] =	sst s10  }
0x38: {  	s10 =	sld [smem:$0x3FB7]  }
0x39: {  	_ = 	snop;
	(pc) =	sbr.ind lr, $3  }
0x3a: {  	_ = 	snop  }
0x3b: {  	_ = 	snop  }
0x3c: {  	p2 =	seq.s32 s10, $0x1;
	s10 =	sld [smem:$0x3FB6]  }
0x3d: {  	_ =	shalt  }
0x3e: {  	_ =	shalt  }
0x3f: {  	_ =	shalt  }
0x40: {  	_ =	shalt  }
0x41: {  	_ =	shalt  }
0x42: {  	_ =	shalt  }
0x43: {  	_ =	shalt  }
0x44: {  	_ =	shalt  }
0x45: {  	_ =	shalt  }
0x46: {  	_ =	shalt  }
0x47: {  	_ =	shalt  }
0x48: {  	_ =	shalt  }
0x49: {  	_ =	shalt  }
0x4a: {  	_ =	shalt  }
0x4b: {  	_ =	shalt  }
0x4c: {  	_ =	shalt  }
0x4d: {  	_ =	shalt  }
0x4e: {  	_ =	shalt  }
0x4f: {  	_ =	shalt  }
0x50: {  	_ =	shalt  }
0x51: {  	_ =	shalt  }
0x52: {  	_ =	shalt  }
0x53: {  	_ =	shalt  }
0x54: {  	_ =	shalt  }
0x55: {  	_ =	shalt  }
0x56: {  	_ =	shalt  }
0x57: {  	_ =	shalt  }
0x58: {  	_ =	shalt  }
0x59: {  	_ =	shalt  }
0x5a: {  	_ =	shalt  }
0x5b: {  	_ =	shalt  }
0x5c: {  	_ =	shalt  }
0x5d: {  	_ =	shalt  }
0x5e: {  	_ =	shalt  }
0x5f: {  	_ =	shalt  }
0x60: {  	_ =	shalt  }
0x61: {  	_ =	shalt  }
0x62: {  	_ =	shalt  }
0x63: {  	_ =	shalt  }
0x64: {  	_ =	shalt  }
0x65: {  	_ =	shalt  }
0x66: {  	_ =	shalt  }
0x67: {  	_ =	shalt  }
0x68: {  	_ =	shalt  }
0x69: {  	_ =	shalt  }
0x6a: {  	_ =	shalt  }
0x6b: {  	_ =	shalt  }
0x6c: {  	_ =	shalt  }
0x6d: {  	_ =	shalt  }
0x6e: {  	_ =	shalt  }
0x6f: {  	_ =	shalt  }
0x70: {  	_ =	shalt  }
0x71: {  	_ =	shalt  }
0x72: {  	_ =	shalt  }
0x73: {  	_ =	shalt  }
0x74: {  	_ =	shalt  }
0x75: {  	_ =	shalt  }
0x76: {  	_ =	shalt  }
0x77: {  	_ =	shalt  }
0x78: {  	_ =	shalt  }
0x79: {  	_ =	shalt  }
0x7a: {  	_ =	shalt  }
0x7b: {  	_ =	shalt  }
0x7c: {  	_ =	shalt  }
0x7d: {  	_ =	shalt  }
0x7e: {  	_ =	shalt  }
0x7f: {  	_ =	shalt  }
0x80: {  	_ =	shalt  }
0x81: {  	_ =	shalt  }
0x82: {  	_ =	shalt  }
0x83: {  	_ =	shalt  }
0x84: {  	_ =	shalt  }
0x85: {  	_ =	shalt  }
0x86: {  	_ =	shalt  }
0x87: {  	_ =	shalt  }
.Lfunc_end0:
.L_simem_size_0:
called_computation.1_lowered:
.L_overlay_start_0:
0x88: {  	s2 =	sld [smem:$0x3FD9]  }
0x89: {  	s3 =	sld [smem:$0x3FFE];
	_ =	sdelay $0x1  }
0x8a: {  	s1 =	srdreg.scid  }
0x8b: {  	s0 =	sand.u32 $0x1, s1  }
0x8c: {  	s16 =	sshll.u32 s0, $0xA;
	s2 =	sadd.s32 s3, s2  }
0x8d: {  	s2 =	sadd.s32 s2, s16  }
0x8e: {  	[smem:$0x3FC2] =	sst s2  }
0x8f: {  	_ = 	snop  }
0x90: {  	(tm) =	ssettm $0x1  }
0x91: {  	s17 =	sld [smem:$0x3FFB];
	_ =	sdelay $0x3  }
0x92: {  	_ =	strace s17  }
0x93: {  	s2 =	sld [smem:$0x3FFC];
	_ =	sdelay $0x3  }
0x94: {  	_ =	strace s2  }
0x95: {  	s2 =	sld [smem:$0x3FFD];
	_ =	sdelay $0x3  }
0x96: {  	_ =	strace s2  }
0x97: {  	_ =	strace $0x8FFFFFFF  }
0x98: {  	s18 =	sld [smem:$0x3FDB];
	_ =	sdelay $0x1  }
0x99: {  	s19 =	simm.s32 $_scs_section_size  }
0x9a: {  	s4 =	simm.s32 $_size__tile_overlayer_lowered;
	s5 =	simm.s32 $_tile_overlayer_lowered  }
0x9b: {  	s22 =	simm.s32 $0x1BFF;
	s21 =	sshll.u32 s5, $0x1;
	s2 =	sadd.s32 s19, s18  }
0x9c: {  	s6 =	simm.s32 $0x0;
	s20 =	sshll.u32 s4, $0x1;
	s4 =	sadd.s32 s21, s2  }
0x9d: {  	[timem:s6], [sflag:s22] =	dma.local [hbm:s4], s20  }
0x9e: {  	_ =	swait.ge [sflag:s22], s20  }
0x9f: {  	s3 =	ssub.s32 $0x0, s20;
	[sflag:s22] =	ssyncset.done $0x0  }
0xa0: {  	[sflag:s22] =	ssyncadd.s32 s3;
	_ =	sdelay $0x1  }
0xa1: {  	s23 =	simm.s32 $0x1B8B  }
0xa2: {  	_ =	swait.ge [sflag:s23], $0x1  }
0xa3: {  	[sflag:s23] =	ssyncset.done $0x0  }
0xa4: {  	s25 =	simm.s32 $0x1B8E;
	s24 =	sld [smem:$0x3FFE];
	[sflag:s23] =	ssyncadd.s32 $0xFFFFFFFF  }
0xa5: {  	s26 =	simm.s32 $execute0_lowered;
	[smem:$0x3FD2] =	sst s25  }
0xa6: {  	s4 =	sshll.u32 s26, $0x1;
	_ =	strace $0x80000049;
	[dreg:$0x1] =	wrdreg $0xFFFFFFFF  }
0xa7: {  	s28 =	simm.s32 $_size_execute0_lowered;
	s2 =	sadd.s32 s2, s4;
	[dreg:$0x0] =	wrdreg $0x0  }
0xa8: {  	s4 =	sshll.u32 s28, $0x1;
	[dreg:$0x2] =	wrdreg s2  }
0xa9: {  	[dreg:$0x3] =	wrdreg s4  }
0xaa: {  	[dreg:$0x4] =	wrdreg $0xC0  }
0xab: {  	_ =	task [dreg:s6], $0x5FFFF  }
0xac: {  	[dreg:$0x1] =	wrdreg $0xFFFFFFFF  }
0xad: {  	[dreg:$0x0] =	wrdreg $0x60  }
0xae: {  	[dreg:$0x2] =	wrdreg s24  }
0xaf: {  	[dreg:$0x3] =	wrdreg $0x0  }
0xb0: {  	[dreg:$0x4] =	wrdreg $0x18800  }
0xb1: {  	[dreg:$0x5] =	wrdreg $0x31000  }
0xb2: {  	[dreg:$0x6] =	wrdreg $0x49800  }
0xb3: {  	[dreg:$0x7] =	wrdreg $0x9  }
0xb4: {  	_ =	task.clear_ibuf [dreg:s6], $0x8FFFF;
	_ =	strace $0x90000049  }
0xb5: {  	s29 =	simm.s32 $0x9;
	_ =	strace $0x8000004B  }
0xb6: {  	_ =	swait.ge [sflag:s29], $0x1  }
0xb7: {  	[sflag:s29] =	ssyncadd.s32 $0xFFFFFFFF  }
0xb8: {  	_ =	strace $0x9000004B  }
0xb9: {  	_ =	sfence  }
0xba: {  	s30 =	sld [smem:$0x0];
	_ =	sdelay $0x2  }
0xbb: {  	s31 =	sshll.u32 s1, $0xD;
	s1 =	sshrl.u32 s1, $0x2  }
0xbc: {  	s3 =	sand.u32 $0x4000, s31;
	s1 =	sadd.s32 s1, s30  }
0xbd: {  	s0 =	sor.u32 s3, s0;
	s1 =	sshll.u32 s1, $0x11  }
0xbe: {  	s0 =	sor.u32 s1, s0  }
0xbf: {  	s0 =	sadd.s32 $0x8F2B, s0  }
0xc0: {  	[sflag:s0] =	ssyncadd.remote.s32 $0x1  }
0xc1: {  	_ =	sfence.sel $0xFFFF  }
0xc2: {  	[dreg:$0x0] =	wrdreg $0xFFFFFFFF;
	(pc) =	sbr.abs _section_cstart, $3  }
0xc3: {  	[dreg:$0x1] =	wrdreg $0xFFFFFFFF  }
0xc4: {  	_ =	task.clear_ibuf [dreg:s6], $0x2FFFF;
	_ =	strace $0x9FFFFFFF  }
0xc5: {  	(tm) =	ssettm $0x7FFFFFFF  }
tec
execute0_lowered:
.L_overlay_start_1:
0x0: {  	(tag) =	ssettag $0x1  }
0x1: {  	s0 =	rddreg [dreg:$0x0]  }
0x2: {  	s1 =	rddreg [dreg:$0x1]  }
0x3: {  	s2 =	rddreg [dreg:$0x2]  }
0x4: {  	s3 =	rddreg [dreg:$0x3]  }
0x5: {  	s4 =	rddreg [dreg:$0x4];
	s5 =	simm.s32 $0x0;
	s7 =	srdreg.scid  }
0x6: {  	s18 =	stileid.u32;
	s31 =	simm.s32 $0x3;
	[smem:$0x7FF] =	sst s5  }
0x7: {  	s6 =	sadd.s32 $0xC8400, s0;
	s8 =	sadd.s32 $0x4E00, s0;
	s10 =	sadd.s32 $0x315800, s0  }
0x8: {  	s7 =	sand.u32 $0x1, s7;
	s11 =	sadd.s32 $0x31BA00, s0;
	s13 =	sadd.s32 $0x321C00, s0  }
0x9: {  	s9 =	smul.u32 $0x3100, s18;
	s14 =	sadd.s32 $0x327E00, s0;
	s15 =	sadd.s32 $0x32E000, s0  }
0xa: {  	s28 =	smul.u32 $0x30D40, s18;
	_ =	strace $0x8000004A;
	s12 =	sshll.u32 s7, $0x7  }
0xb: {  	s16 =	ssub.s32 $0x2, s7;
	s25 =	smul.u32 $0x30D400, s7;
	p0 =	seq.s32 s7, $0x1  }
0xc: {  	s12 =	sor.u32 s12, s9;
	s24 =	sshrl.u32 s16, $0x1;
	s9 =	sshrl.u32 s9, $0x3  }
0xd: {  	s12 =	sshrl.u32 s12, $0x3;
	s17 =	sor.u32 $0x10, s9;
	s19 =	sadd.s32 s10, s9  }
0xe: {  	s26 =	sadd.s32 s11, s9;
	s20 =	sadd.s32 s13, s9;
	[dreg:$0x6] =	wrdreg s19  }
0xf: {  	s21 =	sadd.s32 s28, s25;
	s0 =	sadd.s32 s12, s0;
	[dreg:$0x8] =	wrdreg s26  }
0x10: {  	s12 =	ssub.s32 s16, s24;
	s10 =	sadd.s32 s10, s17;
	[dreg:$0xd] =	wrdreg s20  }
0x11: {  	s16 =	smul.u32 $0x1880, s18;
	s11 =	sadd.s32 s11, s17;
	[dreg:$0x7] =	wrdreg s10  }
0x12: {  	s18 =	sadd.s32 s15, s9;
	s19 =	sadd.s32 s15, s17;
	[dreg:$0x9] =	wrdreg s11  }
0x13: {  	s22 =	sadd.s32 s13, s17;
	s9 =	sadd.s32 s14, s9;
	[dreg:$0xb] =	wrdreg s18  }
0x14: {  	s23 =	sadd.s32 $0x7D0, s21;
	s24 =	sadd.s32 s14, s17;
	[dreg:$0xc] =	wrdreg s19  }
0x15: {  	s7 =	sshrl.u32 s21, $0x3;
	s15 =	simm.s32 $0xF480;
	[dreg:$0xe] =	wrdreg s22  }
0x16: {  	s17 =	simm.s32 $0xEC80;
	s13 =	simm.s32 $0x5;
	[dreg:$0xf] =	wrdreg s9  }
0x17: {  	[dreg:$0x10] =	wrdreg s24;
	s9 =	sshrl.u32 s23, $0x3;
	s18 =	sadd.s32 s7, s6  }
0x18: {  	s19 =	sadd.s32 s7, s8;
	s28 =	sadd.s32 $0x18BA00, s0;
	s0 =	sadd.s32 $0x191C00, s0  }
0x19: {  	s7 =	simm.s32 $0x7D0;
	s10 =	simm.s32 $0x2;
	s11 =	simm.s32 $0xFC80  }
0x1a: {  	s22 =	simm.s32 $0x10480;
	s23 =	simm.s32 $0x0;
	s30 =	sadd.s32 s16, s1  }
0x1b: {  	s20 =	sadd.s32 s9, s6;
	s21 =	sadd.s32 s9, s8;
	[dreg:$0x14] =	wrdreg s28  }
0x1c: {  	s25 =	sadd.s32 s16, s2;
	s29 =	sadd.s32 s16, s3;
	[dreg:$0x15] =	wrdreg s0  }
0x1d: {  	s26 =	sadd.s32 s16, s4;
	s0 =	simm.s32 $0x7;
	[dreg:$0xa] =	wrdreg s30  }
0x1e: {  	s16 =	simm.s32 $0x11480;
	s6 =	simm.s32 $0x10C80;
	[dreg:$0x11] =	wrdreg s25  }
0x1f: {  	s8 =	simm.s32 $0xDC80;
	s9 =	simm.s32 $0xE480;
	[dreg:$0x13] =	wrdreg s26  }
0x20: {  	s30 =	smax.u32 s12, $0x1;
	s12 =	simm.s32 $0x1;
	[dreg:$0x12] =	wrdreg s29  }
0x21: {  	v0 =	vimm.f32 $0.0e+00;
	s25 =	simm.s32 $0x4;
	s26 =	simm.s32 $0x6;
	[dreg:$0x16] =	wrdreg s30  }
.LBB2_1:
0x22: {  	[dreg:$0x17] =	wrdreg s23  }
0x23: {  	s14 =	rddreg [dreg:$0x6]  }
0x24: {  	s23 =	simm.s32 $0x80;
	s24 =	simm.s32 $0x100;
	s28 =	simm.s32 $0x6200  }
0x25: {  	[tilespmem:s28], [sflag:$0x7] =	stream.strided.gather [hbm4b:s14+s23], $0x1880, s24, s23, $0x38;
	[tilespmem:$0x11C80] =	vst v63  }
0x26: {  	_ =	swait.ge [sflag:s0], $0x1880  }
0x27: {  	[sflag:s0] =	ssyncset.done $0x0  }
0x28: {  	s30 =	simm.s32 $0x7A80;
	s14 =	rddreg [dreg:$0x7];
	[sflag:s0] =	ssyncadd.s32 $0xFFFFE780  }
0x29: {  	[tilespmem:s30], [sflag:$0x7] =	stream.strided.gather [hbm4b:s14+s23], $0x1880, s24, s23, $0x38;
	[tilespmem:$0x11C80] =	vst v63  }
0x2a: {  	_ =	swait.ge [sflag:s0], $0x1880  }
0x2b: {  	[sflag:s0] =	ssyncset.done $0x0  }
0x2c: {  	s30 =	simm.s32 $0x9300;
	s14 =	rddreg [dreg:$0x8];
	[sflag:s0] =	ssyncadd.s32 $0xFFFFE780  }
0x2d: {  	[tilespmem:s30], [sflag:$0x7] =	stream.strided.gather [hbm4b:s14+s23], $0x1880, s24, s23, $0x38;
	[tilespmem:$0x11C80] =	vst v63  }
0x2e: {  	_ =	swait.ge [sflag:s0], $0x1880  }
0x2f: {  	[sflag:s0] =	ssyncset.done $0x0  }
0x30: {  	s30 =	simm.s32 $0xAB80;
	s14 =	rddreg [dreg:$0x9];
	[sflag:s0] =	ssyncadd.s32 $0xFFFFE780  }
0x31: {  	[tilespmem:s30], [sflag:$0x7] =	stream.strided.gather [hbm4b:s14+s23], $0x1880, s24, s23, $0x38;
	[tilespmem:$0x11C80] =	vst v63  }
0x32: {  	_ =	swait.ge [sflag:s0], $0x1880  }
0x33: {  	[sflag:s0] =	ssyncset.done $0x0  }
0x34: {  	s14 =	simm.s32 $0x0;
	[sflag:s0] =	ssyncadd.s32 $0xFFFFE780  }
0x35: {  	v1 =	vld [tilespmem:s14+$0x7A80]  }
0x36: {  	v2 =	vld [tilespmem:s14+$0xAB80]  }
0x37: {  	s23 =	simm.s32 $0x40;
	v3 =	vld [tilespmem:s14+$0x6200]  }
.LBB2_2:
0x38: {  	p1 =	sne.s32 s23, $0x61C0;
	v4 =	vld [tilespmem:s14+$0x9300];
	_ =	sdelay $0x2  }
.Ltmp0:
0x39: {  	(pc) =	sbr.rel @p1 .LBB2_2-.Ltmp0, $4  }
0x3a: {  	s24 =	sshra.s32 s23, $0x2;
	v3 =	vadd.f32 v1, v3  }
0x3b: {  	v1 =	vld [tilespmem:s24+$0x7A80];
	v4 =	vadd.f32 v2, v4  }
0x3c: {  	v2 =	vld [tilespmem:s24+$0xAB80];
	[tilespmem:s14+$0x6200] =	vst v3  }
0x3d: {  	s23 =	sadd.s32 $0x40, s23;
	v3 =	vld [tilespmem:s24+$0x6200];
	[tilespmem:s14+$0x9300] =	vst v4;
	s14 =	smov.u32 s24  }
0x3e: {  	v4 =	vld [tilespmem:s14+$0x9300];
	_ =	sdelay $0x3  }
0x3f: {  	v1 =	vadd.f32 v1, v3  }
0x40: {  	v2 =	vadd.f32 v2, v4  }
0x41: {  	[tilespmem:s14+$0x6200] =	vst v1  }
0x42: {  	s24 =	rddreg [dreg:$0xa];
	s23 =	simm.s32 $0x6200;
	[tilespmem:s14+$0x9300] =	vst v2  }
0x43: {  	[spmem:s24] =	stream.linear.scatter [tilespmem:s23], [sflag:$0x7], $0x1880, $0x38;
	[tilespmem:$0x11C80] =	vst v63  }
0x44: {  	_ =	swait.ge [sflag:s0], $0x1880  }
0x45: {  	s30 =	simm.s32 $0x9300;
	[sflag:s0] =	ssyncset.done $0x0  }
.Ltmp1:
0x46: {  	s28 =	rddreg [dreg:$0x11];
	[sflag:s0] =	ssyncadd.s32 $0xFFFFE780;
	(pc) =	sbr.rel @!p0 .LBB2_4-.Ltmp1, $4  }
0x47: {  	[spmem:s28] =	stream.linear.scatter [tilespmem:s30], [sflag:$0x7], $0x1880, $0x38;
	[tilespmem:$0x11C80] =	vst v63  }
0x48: {  	_ =	swait.ge [sflag:s0], $0x1880  }
0x49: {  	[sflag:s0] =	ssyncset.done $0x0  }
0x4a: {  	[sflag:s0] =	ssyncadd.s32 $0xFFFFE780  }
0x4b: {  	s14 =	simm.s32 $0x40;
	s23 =	simm.s32 $0x0  }
.LBB2_12:
0x4c: {  	p1 =	sne.s32 s14, $0x61C0;
	[tilespmem:s23+$0xC400] =	vst v0;
	s23 =	smov.u32 s14;
	s14 =	sadd.s32 $0x40, s14  }
.Ltmp2:
0x4d: {  	(pc) =	sbr.rel @p1 .LBB2_12-.Ltmp2, $2  }
0x4e: {  	_ =	sdelay $0x2  }
0x4f: {  	s23 =	sshra.s32 s23, $0x2  }
.Ltmp3:
0x50: {  	[tilespmem:s23+$0xC400] =	vst v0;
	s14 =	simm.s32 $0xC400;
	(pc) =	sbr.rel .LBB2_14-.Ltmp3, $4  }
0x51: {  	[spmem:s29] =	stream.linear.scatter [tilespmem:s14], [sflag:$0x7], $0x1880, $0x38;
	[tilespmem:$0x11C80] =	vst v63  }
0x52: {  	_ =	swait.ge [sflag:s0], $0x1880  }
0x53: {  	[sflag:s0] =	ssyncset.done $0x0  }
0x54: {  	[sflag:s0] =	ssyncadd.s32 $0xFFFFE780  }
.LBB2_4:
0x55: {  	s14 =	rddreg [dreg:$0xb]  }
0x56: {  	s23 =	simm.s32 $0x80;
	s24 =	simm.s32 $0x100;
	s28 =	simm.s32 $0x7A80  }
0x57: {  	[tilespmem:s28], [sflag:$0x7] =	stream.strided.gather [hbm4b:s14+s23], $0x1880, s24, s23, $0x38;
	[tilespmem:$0x11C80] =	vst v63  }
0x58: {  	_ =	swait.ge [sflag:s0], $0x1880  }
0x59: {  	[sflag:s0] =	ssyncset.done $0x0  }
0x5a: {  	s30 =	simm.s32 $0xAB80;
	s14 =	rddreg [dreg:$0xc];
	[sflag:s0] =	ssyncadd.s32 $0xFFFFE780  }
0x5b: {  	[tilespmem:s30], [sflag:$0x7] =	stream.strided.gather [hbm4b:s14+s23], $0x1880, s24, s23, $0x38;
	[tilespmem:$0x11C80] =	vst v63  }
0x5c: {  	_ =	swait.ge [sflag:s0], $0x1880  }
0x5d: {  	[sflag:s0] =	ssyncset.done $0x0  }
0x5e: {  	s14 =	simm.s32 $0x0;
	[sflag:s0] =	ssyncadd.s32 $0xFFFFE780  }
0x5f: {  	s23 =	simm.s32 $0x40;
	v1 =	vld [tilespmem:s14+$0xAB80]  }
.LBB2_5:
0x60: {  	p1 =	sne.s32 s23, $0x61C0;
	v2 =	vld [tilespmem:s14+$0x7A80];
	_ =	sdelay $0x2  }
.Ltmp4:
0x61: {  	(pc) =	sbr.rel @p1 .LBB2_5-.Ltmp4, $4  }
0x62: {  	_ = 	snop  }
0x63: {  	v2 =	vadd.f32 v1, v2  }
0x64: {  	s24 =	sshra.s32 s23, $0x2  }
0x65: {  	s23 =	sadd.s32 $0x40, s23;
	v1 =	vld [tilespmem:s24+$0xAB80];
	[tilespmem:s14+$0x7A80] =	vst v2;
	s14 =	smov.u32 s24  }
0x66: {  	v2 =	vld [tilespmem:s14+$0x7A80];
	_ =	sdelay $0x4  }
0x67: {  	v1 =	vadd.f32 v1, v2  }
0x68: {  	s30 =	rddreg [dreg:$0xd]  }
0x69: {  	s23 =	simm.s32 $0x80;
	s24 =	simm.s32 $0x100;
	s28 =	simm.s32 $0xAB80;
	[tilespmem:s14+$0x7A80] =	vst v1  }
0x6a: {  	[tilespmem:s28], [sflag:$0x7] =	stream.strided.gather [hbm4b:s30+s23], $0x1880, s24, s23, $0x38;
	[tilespmem:$0x11C80] =	vst v63  }
0x6b: {  	_ =	swait.ge [sflag:s0], $0x1880  }
0x6c: {  	[sflag:s0] =	ssyncset.done $0x0  }
0x6d: {  	s30 =	simm.s32 $0xC400;
	s14 =	rddreg [dreg:$0xe];
	[sflag:s0] =	ssyncadd.s32 $0xFFFFE780  }
0x6e: {  	[tilespmem:s30], [sflag:$0x7] =	stream.strided.gather [hbm4b:s14+s23], $0x1880, s24, s23, $0x38;
	[tilespmem:$0x11C80] =	vst v63  }
0x6f: {  	_ =	swait.ge [sflag:s0], $0x1880  }
0x70: {  	[sflag:s0] =	ssyncset.done $0x0  }
0x71: {  	s14 =	simm.s32 $0x0;
	[sflag:s0] =	ssyncadd.s32 $0xFFFFE780  }
0x72: {  	v1 =	vld [tilespmem:s14+$0xC400]  }
0x73: {  	v2 =	vld [tilespmem:s14+$0x7A80]  }
0x74: {  	s23 =	simm.s32 $0x40;
	v3 =	vld [tilespmem:s14+$0x6200]  }
.LBB2_7:
0x75: {  	p1 =	sne.s32 s23, $0x61C0;
	v4 =	vld [tilespmem:s14+$0xAB80];
	_ =	sdelay $0x4  }
.Ltmp5:
0x76: {  	v2 =	vmul.f32 v3, v2;
	v4 =	vadd.f32 v1, v4;
	(pc) =	sbr.rel @p1 .LBB2_7-.Ltmp5, $4  }
0x77: {  	s24 =	sshra.s32 s23, $0x2  }
0x78: {  	v1 =	vld [tilespmem:s24+$0xC400];
	v4 =	vsub.f32 v4, v2  }
0x79: {  	v2 =	vld [tilespmem:s24+$0x7A80]  }
0x7a: {  	s23 =	sadd.s32 $0x40, s23;
	v3 =	vld [tilespmem:s24+$0x6200];
	[tilespmem:s14+$0xAB80] =	vst v4;
	s14 =	smov.u32 s24  }
0x7b: {  	v4 =	vld [tilespmem:s14+$0xAB80];
	_ =	sdelay $0x4  }
0x7c: {  	v2 =	vmul.f32 v3, v2;
	v1 =	vadd.f32 v1, v4;
	_ =	sdelay $0x1  }
0x7d: {  	v1 =	vsub.f32 v1, v2;
	_ =	sdelay $0x1  }
0x7e: {  	s28 =	simm.s32 $0xAB80;
	[tilespmem:s14+$0xAB80] =	vst v1  }
0x7f: {  	[spmem:s29] =	stream.linear.scatter [tilespmem:s28], [sflag:$0x7], $0x1880, $0x38;
	[tilespmem:$0x11C80] =	vst v63  }
0x80: {  	_ =	swait.ge [sflag:s0], $0x1880  }
0x81: {  	s23 =	simm.s32 $0x80;
	[sflag:s0] =	ssyncset.done $0x0  }
0x82: {  	s24 =	simm.s32 $0x100;
	s30 =	rddreg [dreg:$0xf];
	[sflag:s0] =	ssyncadd.s32 $0xFFFFE780  }
0x83: {  	[tilespmem:s28], [sflag:$0x7] =	stream.strided.gather [hbm4b:s30+s23], $0x1880, s24, s23, $0x38;
	[tilespmem:$0x11C80] =	vst v63  }
0x84: {  	_ =	swait.ge [sflag:s0], $0x1880  }
0x85: {  	[sflag:s0] =	ssyncset.done $0x0  }
0x86: {  	s30 =	simm.s32 $0xC400;
	s29 =	rddreg [dreg:$0x10];
	[sflag:s0] =	ssyncadd.s32 $0xFFFFE780  }
0x87: {  	[tilespmem:s30], [sflag:$0x7] =	stream.strided.gather [hbm4b:s29+s23], $0x1880, s24, s23, $0x38;
	[tilespmem:$0x11C80] =	vst v63  }
0x88: {  	p1 =	por $0x0, $0x0;
	_ =	swait.ge [sflag:s0], $0x1880  }
.Ltmp6:
0x89: {  	[sflag:s0] =	ssyncset.done $0x0;
	(pc) =	sbr.rel @p1 .LBB2_10-.Ltmp6, $4  }
0x8a: {  	s14 =	simm.s32 $0x0;
	[sflag:s0] =	ssyncadd.s32 $0xFFFFE780  }
0x8b: {  	v1 =	vld [tilespmem:s14+$0xC400]  }
0x8c: {  	v2 =	vld [tilespmem:s14+$0x7A80]  }
0x8d: {  	s23 =	simm.s32 $0x40;
	v3 =	vld [tilespmem:s14+$0x9300]  }
.LBB2_9:
0x8e: {  	p1 =	seq.s32 s23, $0x61C0;
	v4 =	vld [tilespmem:s14+$0xAB80];
	_ =	sdelay $0x4  }
.Ltmp7:
0x8f: {  	v2 =	vmul.f32 v3, v2;
	v4 =	vadd.f32 v1, v4;
	(pc) =	sbr.rel @!p1 .LBB2_9-.Ltmp7, $4  }
0x90: {  	s24 =	sshra.s32 s23, $0x2  }
0x91: {  	v1 =	vld [tilespmem:s24+$0xC400];
	v4 =	vsub.f32 v4, v2  }
0x92: {  	v2 =	vld [tilespmem:s24+$0x7A80]  }
0x93: {  	s23 =	sadd.s32 $0x40, s23;
	v3 =	vld [tilespmem:s24+$0x9300];
	[tilespmem:s14+$0xAB80] =	vst v4;
	s14 =	smov.u32 s24  }
.LBB2_10:
0x94: {  	v4 =	vld [tilespmem:s14+$0xAB80];
	_ =	sdelay $0x4  }
0x95: {  	v2 =	vmul.f32 v3, v2;
	v1 =	vadd.f32 v1, v4;
	_ =	sdelay $0x1  }
0x96: {  	v1 =	vsub.f32 v1, v2;
	_ =	sdelay $0x1  }
0x97: {  	[tilespmem:s14+$0xAB80] =	vst v1;
	s14 =	simm.s32 $0xAB80  }
.LBB2_14:
0x98: {  	s23 =	rddreg [dreg:$0x13]  }
0x99: {  	[spmem:s23] =	stream.linear.scatter [tilespmem:s14], [sflag:$0x7], $0x1880, $0x38;
	[tilespmem:$0x11C80] =	vst v63  }
0x9a: {  	_ =	swait.ge [sflag:s0], $0x1880  }
0x9b: {  	[sflag:s0] =	ssyncset.done $0x0  }
0x9c: {  	[sflag:s0] =	ssyncadd.s32 $0xFFFFE780  }
0x9d: {  	s24 =	sadd.s32 $0x0, s19;
	[bflag:$0x0] =	sbarrier.arrive $0xFFFF  }
0x9e: {  	[tilespmem:s15], [sflag:$0x1] =	stream.linear.gather [hbm4b:s24+s5], $0x7D0, $0x38;
	[tilespmem:$0x11C80] =	vst v63  }
0x9f: {  	s28 =	sadd.s32 $0x0, s21  }
0xa0: {  	[tilespmem:s16], [sflag:$0x2] =	stream.linear.gather [hbm4b:s28+s5], $0x7D0, $0x38;
	[tilespmem:$0x11C80] =	vst v63  }
0xa1: {  	s29 =	sadd.s32 $0x0, s18  }
0xa2: {  	[tilespmem:s17], [sflag:$0x3] =	stream.linear.gather [hbm4b:s29+s5], $0x7D0, $0x38;
	[tilespmem:$0x11C80] =	vst v63  }
0xa3: {  	s30 =	sadd.s32 $0x0, s20  }
0xa4: {  	[tilespmem:s6], [sflag:$0x3] =	stream.linear.gather [hbm4b:s30+s5], $0x7D0, $0x38;
	[tilespmem:$0x11C80] =	vst v63  }
0xa5: {  	_ =	swait.ge [sflag:s12], $0x7D0  }
0xa6: {  	[sflag:s12] =	ssyncset.done $0x0  }
0xa7: {  	[sflag:s12] =	ssyncadd.s32 $0xFFFFF830  }
0xa8: {  	[tilespmem:s8], [sflag:$0x4] =	stream.indirect.gather [spmem:s1], $0x1, s15, s7, $0xb8;
	[tilespmem:$0x11C80] =	vst v63  }
0xa9: {  	_ = 	snop  }
0xaa: {  	[tilespmem:s9], [sflag:$0x4] =	stream.indirect.gather [spmem:s2], $0x1, s15, s7, $0xb8;
	[tilespmem:$0x11C80] =	vst v63  }
0xab: {  	_ =	swait.ge [sflag:s10], $0x7D0  }
0xac: {  	[sflag:s10] =	ssyncset.done $0x0  }
0xad: {  	[sflag:s10] =	ssyncadd.s32 $0xFFFFF830  }
0xae: {  	[tilespmem:s11], [sflag:$0x5] =	stream.indirect.gather [spmem:s1], $0x1, s16, s7, $0xb8;
	[tilespmem:$0x11C80] =	vst v63  }
0xaf: {  	_ = 	snop  }
0xb0: {  	[tilespmem:s22], [sflag:$0x5] =	stream.indirect.gather [spmem:s2], $0x1, s16, s7, $0xb8;
	[tilespmem:$0x11C80] =	vst v63  }
0xb1: {  	_ =	swait.ge [sflag:s31], $0x7D0  }
0xb2: {  	[sflag:s31] =	ssyncset.done $0x0  }
0xb3: {  	[sflag:s31] =	ssyncadd.s32 $0xFFFFF830  }
0xb4: {  	_ =	swait.ge [sflag:s31], $0x7D0  }
0xb5: {  	[sflag:s31] =	ssyncset.done $0x0  }
0xb6: {  	[sflag:s31] =	ssyncadd.s32 $0xFFFFF830  }
0xb7: {  	_ =	swait.ge [sflag:s25], $0x7D0  }
0xb8: {  	[sflag:s25] =	ssyncset.done $0x0  }
0xb9: {  	[sflag:s25] =	ssyncadd.s32 $0xFFFFF830  }
0xba: {  	_ =	swait.ge [sflag:s25], $0x7D0  }
0xbb: {  	[sflag:s25] =	ssyncset.done $0x0  }
0xbc: {  	[sflag:s25] =	ssyncadd.s32 $0xFFFFF830  }
0xbd: {  	[spmem:s3] =	stream.indirect.scatter.add.f32 [tilespmem:s8], [sflag:$0x6], $0x1, s17, s7, $0xb8;
	[tilespmem:$0x11C80] =	vst v63  }
0xbe: {  	_ = 	snop  }
0xbf: {  	[spmem:s4] =	stream.indirect.scatter.add.f32 [tilespmem:s9], [sflag:$0x6], $0x1, s17, s7, $0xb8;
	[tilespmem:$0x11C80] =	vst v63  }
0xc0: {  	_ =	swait.ge [sflag:s13], $0x7D0  }
0xc1: {  	[sflag:s13] =	ssyncset.done $0x0  }
0xc2: {  	[sflag:s13] =	ssyncadd.s32 $0xFFFFF830  }
0xc3: {  	_ =	swait.ge [sflag:s13], $0x7D0  }
0xc4: {  	[sflag:s13] =	ssyncset.done $0x0  }
0xc5: {  	[sflag:s13] =	ssyncadd.s32 $0xFFFFF830  }
0xc6: {  	[spmem:s3] =	stream.indirect.scatter.add.f32 [tilespmem:s11], [sflag:$0x6], $0x1, s6, s7, $0xb8;
	[tilespmem:$0x11C80] =	vst v63  }
0xc7: {  	_ = 	snop  }
0xc8: {  	[spmem:s4] =	stream.indirect.scatter.add.f32 [tilespmem:s22], [sflag:$0x6], $0x1, s6, s7, $0xb8;
	[tilespmem:$0x11C80] =	vst v63  }
0xc9: {  	_ =	swait.ge [sflag:s26], $0x7D0  }
0xca: {  	[sflag:s26] =	ssyncset.done $0x0  }
0xcb: {  	[sflag:s26] =	ssyncadd.s32 $0xFFFFF830  }
0xcc: {  	_ =	swait.ge [sflag:s26], $0x7D0  }
0xcd: {  	[sflag:s26] =	ssyncset.done $0x0  }
0xce: {  	[sflag:s26] =	ssyncadd.s32 $0xFFFFF830  }
0xcf: {  	_ =	swait.ge [sflag:s26], $0x7D0  }
0xd0: {  	[sflag:s26] =	ssyncset.done $0x0  }
0xd1: {  	[sflag:s26] =	ssyncadd.s32 $0xFFFFF830  }
0xd2: {  	_ =	swait.ge [sflag:s26], $0x7D0  }
0xd3: {  	s14 =	simm.s32 $0x1F4;
	s23 =	simm.s32 $0x3E8;
	[sflag:s26] =	ssyncset.done $0x0  }
.LBB2_15:
0xd4: {  	s29 =	sadd.s32 s14, s19  }
0xd5: {  	[sflag:s26] =	ssyncadd.s32 $0xFFFFF830;
	s30 =	smov.u32 s23;
	s24 =	sadd.s32 $0x1F4, s23  }
0xd6: {  	[tilespmem:s15], [sflag:$0x1] =	stream.linear.gather [hbm4b:s29+s5], $0x7D0, $0x38;
	[tilespmem:$0x11C80] =	vst v63  }
0xd7: {  	p1 =	sne.s32 s23, $0x5FB4;
	s23 =	sadd.s32 s14, s21  }
0xd8: {  	[tilespmem:s16], [sflag:$0x2] =	stream.linear.gather [hbm4b:s23+s5], $0x7D0, $0x38;
	[tilespmem:$0x11C80] =	vst v63  }
0xd9: {  	s23 =	sadd.s32 s14, s18  }
0xda: {  	[tilespmem:s17], [sflag:$0x3] =	stream.linear.gather [hbm4b:s23+s5], $0x7D0, $0x38;
	[tilespmem:$0x11C80] =	vst v63  }
0xdb: {  	s23 =	sadd.s32 s14, s20;
	s14 =	smov.u32 s30  }
0xdc: {  	[tilespmem:s6], [sflag:$0x3] =	stream.linear.gather [hbm4b:s23+s5], $0x7D0, $0x38;
	[tilespmem:$0x11C80] =	vst v63  }
0xdd: {  	_ =	swait.ge [sflag:s12], $0x7D0  }
0xde: {  	[sflag:s12] =	ssyncset.done $0x0  }
0xdf: {  	[sflag:s12] =	ssyncadd.s32 $0xFFFFF830  }
0xe0: {  	[tilespmem:s8], [sflag:$0x4] =	stream.indirect.gather [spmem:s1], $0x1, s15, s7, $0xb8;
	[tilespmem:$0x11C80] =	vst v63  }
0xe1: {  	_ = 	snop  }
0xe2: {  	[tilespmem:s9], [sflag:$0x4] =	stream.indirect.gather [spmem:s2], $0x1, s15, s7, $0xb8;
	[tilespmem:$0x11C80] =	vst v63  }
0xe3: {  	_ =	swait.ge [sflag:s10], $0x7D0  }
0xe4: {  	[sflag:s10] =	ssyncset.done $0x0  }
0xe5: {  	[sflag:s10] =	ssyncadd.s32 $0xFFFFF830  }
0xe6: {  	[tilespmem:s11], [sflag:$0x5] =	stream.indirect.gather [spmem:s1], $0x1, s16, s7, $0xb8;
	[tilespmem:$0x11C80] =	vst v63  }
0xe7: {  	_ = 	snop  }
0xe8: {  	[tilespmem:s22], [sflag:$0x5] =	stream.indirect.gather [spmem:s2], $0x1, s16, s7, $0xb8;
	[tilespmem:$0x11C80] =	vst v63  }
0xe9: {  	_ =	swait.ge [sflag:s31], $0x7D0  }
0xea: {  	[sflag:s31] =	ssyncset.done $0x0  }
0xeb: {  	[sflag:s31] =	ssyncadd.s32 $0xFFFFF830  }
0xec: {  	_ =	swait.ge [sflag:s31], $0x7D0  }
0xed: {  	[sflag:s31] =	ssyncset.done $0x0  }
0xee: {  	[sflag:s31] =	ssyncadd.s32 $0xFFFFF830  }
0xef: {  	_ =	swait.ge [sflag:s25], $0x7D0  }
0xf0: {  	[sflag:s25] =	ssyncset.done $0x0  }
0xf1: {  	[sflag:s25] =	ssyncadd.s32 $0xFFFFF830  }
0xf2: {  	_ =	swait.ge [sflag:s25], $0x7D0  }
0xf3: {  	[sflag:s25] =	ssyncset.done $0x0  }
0xf4: {  	[sflag:s25] =	ssyncadd.s32 $0xFFFFF830  }
0xf5: {  	[spmem:s3] =	stream.indirect.scatter.add.f32 [tilespmem:s8], [sflag:$0x6], $0x1, s17, s7, $0xb8;
	[tilespmem:$0x11C80] =	vst v63  }
0xf6: {  	_ = 	snop  }
0xf7: {  	[spmem:s4] =	stream.indirect.scatter.add.f32 [tilespmem:s9], [sflag:$0x6], $0x1, s17, s7, $0xb8;
	[tilespmem:$0x11C80] =	vst v63  }
0xf8: {  	_ =	swait.ge [sflag:s13], $0x7D0  }
0xf9: {  	[sflag:s13] =	ssyncset.done $0x0  }
0xfa: {  	[sflag:s13] =	ssyncadd.s32 $0xFFFFF830  }
0xfb: {  	_ =	swait.ge [sflag:s13], $0x7D0  }
0xfc: {  	[sflag:s13] =	ssyncset.done $0x0  }
0xfd: {  	[sflag:s13] =	ssyncadd.s32 $0xFFFFF830  }
0xfe: {  	[spmem:s3] =	stream.indirect.scatter.add.f32 [tilespmem:s11], [sflag:$0x6], $0x1, s6, s7, $0xb8;
	[tilespmem:$0x11C80] =	vst v63  }
0xff: {  	_ = 	snop  }
0x100: {  	[spmem:s4] =	stream.indirect.scatter.add.f32 [tilespmem:s22], [sflag:$0x6], $0x1, s6, s7, $0xb8;
	[tilespmem:$0x11C80] =	vst v63  }
0x101: {  	_ =	swait.ge [sflag:s26], $0x7D0  }
0x102: {  	[sflag:s26] =	ssyncset.done $0x0  }
0x103: {  	[sflag:s26] =	ssyncadd.s32 $0xFFFFF830  }
0x104: {  	_ =	swait.ge [sflag:s26], $0x7D0  }
0x105: {  	[sflag:s26] =	ssyncset.done $0x0  }
0x106: {  	[sflag:s26] =	ssyncadd.s32 $0xFFFFF830  }
.Ltmp8:
0x107: {  	_ =	swait.ge [sflag:s26], $0x7D0;
	(pc) =	sbr.rel @p1 .LBB2_15-.Ltmp8, $4  }
0x108: {  	[sflag:s26] =	ssyncset.done $0x0  }
0x109: {  	[sflag:s26] =	ssyncadd.s32 $0xFFFFF830  }
0x10a: {  	_ =	swait.ge [sflag:s26], $0x7D0  }
0x10b: {  	s23 =	smov.u32 s24;
	[sflag:s26] =	ssyncset.done $0x0  }
0x10c: {  	s23 =	sadd.s32 s14, s19;
	[sflag:s26] =	ssyncadd.s32 $0xFFFFF830  }
0x10d: {  	[tilespmem:s15], [sflag:$0x1] =	stream.linear.gather [hbm4b:s23+s5], $0x7D0, $0x38;
	[tilespmem:$0x11C80] =	vst v63  }
0x10e: {  	s24 =	sadd.s32 s14, s21  }
0x10f: {  	[tilespmem:s16], [sflag:$0x2] =	stream.linear.gather [hbm4b:s24+s5], $0x7D0, $0x38;
	[tilespmem:$0x11C80] =	vst v63  }
0x110: {  	s28 =	sadd.s32 s14, s18  }
0x111: {  	[tilespmem:s17], [sflag:$0x3] =	stream.linear.gather [hbm4b:s28+s5], $0x7D0, $0x38;
	[tilespmem:$0x11C80] =	vst v63  }
0x112: {  	s30 =	sadd.s32 s14, s20  }
0x113: {  	[tilespmem:s6], [sflag:$0x3] =	stream.linear.gather [hbm4b:s30+s5], $0x7D0, $0x38;
	[tilespmem:$0x11C80] =	vst v63  }
0x114: {  	_ =	swait.ge [sflag:s12], $0x7D0  }
0x115: {  	[sflag:s12] =	ssyncset.done $0x0  }
0x116: {  	[sflag:s12] =	ssyncadd.s32 $0xFFFFF830  }
0x117: {  	[tilespmem:s8], [sflag:$0x4] =	stream.indirect.gather [spmem:s1], $0x1, s15, s7, $0xb8;
	[tilespmem:$0x11C80] =	vst v63  }
0x118: {  	_ = 	snop  }
0x119: {  	[tilespmem:s9], [sflag:$0x4] =	stream.indirect.gather [spmem:s2], $0x1, s15, s7, $0xb8;
	[tilespmem:$0x11C80] =	vst v63  }
0x11a: {  	_ =	swait.ge [sflag:s10], $0x7D0  }
0x11b: {  	[sflag:s10] =	ssyncset.done $0x0  }
0x11c: {  	[sflag:s10] =	ssyncadd.s32 $0xFFFFF830  }
0x11d: {  	[tilespmem:s11], [sflag:$0x5] =	stream.indirect.gather [spmem:s1], $0x1, s16, s7, $0xb8;
	[tilespmem:$0x11C80] =	vst v63  }
0x11e: {  	_ = 	snop  }
0x11f: {  	[tilespmem:s22], [sflag:$0x5] =	stream.indirect.gather [spmem:s2], $0x1, s16, s7, $0xb8;
	[tilespmem:$0x11C80] =	vst v63  }
0x120: {  	_ =	swait.ge [sflag:s31], $0x7D0  }
0x121: {  	[sflag:s31] =	ssyncset.done $0x0  }
0x122: {  	[sflag:s31] =	ssyncadd.s32 $0xFFFFF830  }
0x123: {  	_ =	swait.ge [sflag:s31], $0x7D0  }
0x124: {  	[sflag:s31] =	ssyncset.done $0x0  }
0x125: {  	[sflag:s31] =	ssyncadd.s32 $0xFFFFF830  }
0x126: {  	_ =	swait.ge [sflag:s25], $0x7D0  }
0x127: {  	[sflag:s25] =	ssyncset.done $0x0  }
0x128: {  	[sflag:s25] =	ssyncadd.s32 $0xFFFFF830  }
0x129: {  	_ =	swait.ge [sflag:s25], $0x7D0  }
0x12a: {  	[sflag:s25] =	ssyncset.done $0x0  }
0x12b: {  	[sflag:s25] =	ssyncadd.s32 $0xFFFFF830  }
0x12c: {  	[spmem:s3] =	stream.indirect.scatter.add.f32 [tilespmem:s8], [sflag:$0x6], $0x1, s17, s7, $0xb8;
	[tilespmem:$0x11C80] =	vst v63  }
0x12d: {  	_ = 	snop  }
0x12e: {  	[spmem:s4] =	stream.indirect.scatter.add.f32 [tilespmem:s9], [sflag:$0x6], $0x1, s17, s7, $0xb8;
	[tilespmem:$0x11C80] =	vst v63  }
0x12f: {  	_ =	swait.ge [sflag:s13], $0x7D0  }
0x130: {  	[sflag:s13] =	ssyncset.done $0x0  }
0x131: {  	[sflag:s13] =	ssyncadd.s32 $0xFFFFF830  }
0x132: {  	_ =	swait.ge [sflag:s13], $0x7D0  }
0x133: {  	[sflag:s13] =	ssyncset.done $0x0  }
0x134: {  	[sflag:s13] =	ssyncadd.s32 $0xFFFFF830  }
0x135: {  	[spmem:s3] =	stream.indirect.scatter.add.f32 [tilespmem:s11], [sflag:$0x6], $0x1, s6, s7, $0xb8;
	[tilespmem:$0x11C80] =	vst v63  }
0x136: {  	_ = 	snop  }
0x137: {  	[spmem:s4] =	stream.indirect.scatter.add.f32 [tilespmem:s22], [sflag:$0x6], $0x1, s6, s7, $0xb8;
	[tilespmem:$0x11C80] =	vst v63  }
0x138: {  	_ =	swait.ge [sflag:s26], $0x7D0  }
0x139: {  	[sflag:s26] =	ssyncset.done $0x0  }
0x13a: {  	[sflag:s26] =	ssyncadd.s32 $0xFFFFF830  }
0x13b: {  	_ =	swait.ge [sflag:s26], $0x7D0  }
0x13c: {  	[sflag:s26] =	ssyncset.done $0x0  }
0x13d: {  	[sflag:s26] =	ssyncadd.s32 $0xFFFFF830  }
0x13e: {  	_ =	swait.ge [sflag:s26], $0x7D0  }
0x13f: {  	[sflag:s26] =	ssyncset.done $0x0  }
0x140: {  	[sflag:s26] =	ssyncadd.s32 $0xFFFFF830  }
0x141: {  	_ =	swait.ge [sflag:s26], $0x7D0  }
0x142: {  	[sflag:s26] =	ssyncset.done $0x0  }
0x143: {  	s23 =	stileid.u32;
	[sflag:s26] =	ssyncadd.s32 $0xFFFFF830  }
0x144: {  	s14 =	sshll.u32 s23, $0x6;
	[bflag:$0x0] =	sbarrier.arrive $0xFFFF  }
0x145: {  	s14 =	sor.u32 $0x1C07, s14;
	s28 =	simm.s32 $0x20;
	s29 =	rddreg [dreg:$0x12]  }
0x146: {  	s30 =	simm.s32 $0x10;
	s24 =	rddreg [dreg:$0x14];
	s23 =	sshrl.u32 s29, $0x3  }
0x147: {  	[hbm:s24@s28], [sflag:s14] =	dma.strided [spmem:s23@s30], $0x310, s12, $0x10   }
0x148: {  	_ =	swait.ge [sflag:s0], $0x310  }
0x149: {  	[sflag:s0] =	ssyncset.done $0x0;
	s24 =	rddreg [dreg:$0x13]  }
0x14a: {  	[sflag:s0] =	ssyncadd.s32 $0xFFFFFCF0;
	s23 =	sshrl.u32 s24, $0x3;
	s24 =	rddreg [dreg:$0x15]  }
0x14b: {  	[hbm:s24@s28], [sflag:s14] =	dma.strided [spmem:s23@s30], $0x310, s12, $0x10   }
0x14c: {  	_ =	swait.ge [sflag:s0], $0x310  }
0x14d: {  	s28 =	rddreg [dreg:$0x17]  }
0x14e: {  	s30 =	rddreg [dreg:$0x16];
	s23 =	sadd.s32 $0x1, s28  }
0x14f: {  	p1 =	sne.s32 s23, s30  }
.Ltmp9:
0x150: {  	_ = 	snop;
	(pc) =	sbr.rel @p1 .LBB2_1-.Ltmp9, $3  }
0x151: {  	_ =	sdelay $0x1  }
0x152: {  	[sflag:s0] =	ssyncset.done $0x0  }
0x153: {  	[sflag:s0] =	ssyncadd.s32 $0xFFFFFCF0  }
0x154: {  	_ =	sfence.sel $0x180000  }
0x155: {  	[bflag:$0x0] =	sbarrier.arrive $0xFFFF  }
0x156: {  	_ =	strace $0x9000004A  }
0x157: {  	s0 =	stileid.u32;
	[bflag:$0x2] =	sbarrier.arrive $0xFFFF  }
0x158: {  	p0 =	sne.s32 s0, $0x0;
	s0 =	rddreg [dreg:$0x5]  }
0x159: {  	s0 =	sadd.s32 @!p0 $0x100000, s0  }
0x15a: {  	[sflag:s0] =	ssyncadd.tile.s32 @!p0 $0x1;
	_ =	shalt  }
.Lfunc_end2:
_tile_overlayer_lowered:
.L_overlay_start_2:
0x15b: {  	(tag) =	ssettag $0x2  }
0x15c: {  	s0 =	rddreg [dreg:$0x0];
	s2 =	stileid.u32  }
0x15d: {  	s1 =	rddreg [dreg:$0x1];
	p0 =	sne.s32 s2, $0x0  }
0x15e: {  	s3 =	rddreg [dreg:$0x2];
	[bflag:$0x3] =	sbarrier.arrive $0xFFFF;
	s2 =	simm.s32 @!p0 $0x1C07  }
0x15f: {  	[timem:s3], [sflag:s2] =	dma.local @!p0 [hbm:s0], s1  }
0x160: {  	s0 =	simm.s32 @!p0 $0x7  }
0x161: {  	_ =	swait.ge @!p0 [sflag:s0], s1  }
0x162: {  	s1 =	ssub.s32 @!p0 $0x0, s1;
	[sflag:s0] =	ssyncset.done @!p0 $0x0  }
0x163: {  	[sflag:s0] =	ssyncadd.s32 @!p0 s1  }
0x164: {  	[bflag:$0x3] =	sbarrier.arrive $0xFFFF  }
0x165: {  	_ =	shalt  }

</sc_bundles>
